<compile_context>
chip_gen: v7x
topology: tpu7x:2x2x1
jax: 0.10.2.dev20260603
libtpu: 0.0.44.dev20260713+nightly
codegen_flags: <defaults>
</compile_context>

<pallas_src>
import functools

import jax
import jax.numpy as jnp
from jax import lax
from jax.experimental import pallas as pl
from jax.experimental.pallas import tpu as pltpu
from jax.experimental.pallas import tpu_sc as plsc

BN_EPS = 1e-5
LANES = 128
EBLK = 128
NSUB = 16
NCORES = 2
RB = 2000


def _round_up(v, m):
    return (v + m - 1) // m * m


NQ = 2


@functools.partial(jax.jit, static_argnames=("F", "nb", "npad", "chunked"))
def _sc_segment_sum(h_ch, src2d, dst2d, zeros_pad, F, nb, npad,
                    chunked=True):
    F_per_core = F // NCORES
    ZR = npad // NSUB
    qb = nb // NQ
    mesh = plsc.VectorSubcoreMesh(core_axis_name="c", subcore_axis_name="s")

    @functools.partial(
        pl.kernel,
        out_type=jax.ShapeDtypeStruct((F, npad, LANES), jnp.float32),
        mesh=mesh,
        scratch_types=[
            pltpu.VMEM((qb, EBLK), jnp.int32),
            pltpu.VMEM((qb, EBLK), jnp.int32),
            pltpu.VMEM((EBLK, LANES), jnp.float32),
            pltpu.VMEM((EBLK, LANES), jnp.float32),
            pltpu.VMEM_SHARED((npad, LANES), jnp.float32),
            pltpu.SemaphoreType.DMA,
            pltpu.SemaphoreType.DMA,
        ],
    )
    def segsum(h_hbm, src_hbm, dst_hbm, z_hbm, out_hbm,
               src_v, dst_v, buf0, buf1, acc, sem0, sem1):
        c = lax.axis_index("c")
        s = lax.axis_index("s")
        bufs = (buf0, buf1)
        sems = (sem0, sem1)
        for fi in range(F_per_core):
            chunk = c * F_per_core + fi
            if chunked:
                h_f = h_hbm.at[chunk]
            else:
                off = pl.multiple_of(chunk * LANES, LANES)
                h_f = h_hbm.at[:, pl.ds(off, LANES)]
            pltpu.sync_copy(z_hbm.at[pl.ds(s * ZR, ZR)],
                            acc.at[pl.ds(s * ZR, ZR)])
            plsc.subcore_barrier()

            def start(j, k, h_f=h_f):
                pltpu.make_async_copy(h_f.at[src_v.at[j]], bufs[k],
                                      sems[k]).start()

            def wait(k, h_f=h_f):
                pltpu.make_async_copy(h_f.at[src_v.at[0]], bufs[k],
                                      sems[k]).wait()

            for q in range(NQ):
                pltpu.sync_copy(src_hbm.at[pl.ds((s * NQ + q) * qb, qb)],
                                src_v)
                pltpu.sync_copy(dst_hbm.at[pl.ds((s * NQ + q) * qb, qb)],
                                dst_v)
                start(0, 0)

                def body(i, carry):
                    j0 = 2 * i
                    start(j0 + 1, 1)
                    wait(0)
                    pltpu.sync_copy(bufs[0], acc.at[dst_v.at[j0]], add=True)

                    @pl.when(j0 + 2 < qb)
                    def _():
                        start(j0 + 2, 0)

                    wait(1)
                    pltpu.sync_copy(bufs[1], acc.at[dst_v.at[j0 + 1]],
                                    add=True)
                    return carry

                lax.fori_loop(0, qb // 2, body, 0)
            plsc.subcore_barrier()
            pltpu.sync_copy(acc.at[pl.ds(s * ZR, ZR)],
                            out_hbm.at[chunk, pl.ds(s * ZR, ZR)])
            if fi + 1 < F_per_core:
                plsc.subcore_barrier()

    return segsum(h_ch, src2d, dst2d, zeros_pad)


def _h_chunk(h_ref, f):
    if len(h_ref.shape) == 3:
        return h_ref[f]
    return h_ref[:, f * LANES:(f + 1) * LANES]


def _mlp_bn_body(eps_ref, h_ref, agg_ref, w1_ref, b1_ref, w2_ref, b2_ref,
                 gamma_ref, beta_ref, n_ref, out_ref, z2s_ref, s1_ref,
                 s2_ref):
    p = pl.program_id(0)
    i = pl.program_id(1)
    F = agg_ref.shape[0]

    @pl.when(p == 0)
    def _():
        e = eps_ref[0, 0]
        acc = jnp.zeros((RB, w1_ref.shape[2]), jnp.float32)
        for f in range(F):
            zf = e * _h_chunk(h_ref, f) + agg_ref[f]
            acc += jnp.dot(zf.astype(jnp.bfloat16),
                           w1_ref[f].astype(jnp.bfloat16),
                           preferred_element_type=jnp.float32)
        a = jnp.maximum(acc + b1_ref[...], 0.0)
        z2 = jnp.dot(a.astype(jnp.bfloat16), w2_ref[...].astype(jnp.bfloat16),
                     preferred_element_type=jnp.float32) + b2_ref[...]
        z2s_ref[pl.ds(i * RB, RB), :] = z2
        ps1 = jnp.sum(z2, axis=0, keepdims=True)
        ps2 = jnp.sum(z2 * z2, axis=0, keepdims=True)

        @pl.when(i == 0)
        def _():
            s1_ref[...] = ps1
            s2_ref[...] = ps2

        @pl.when(i > 0)
        def _():
            s1_ref[...] += ps1
            s2_ref[...] += ps2

    @pl.when(p == 1)
    def _():
        inv_n = 1.0 / n_ref[0, 0]
        mean = s1_ref[...] * inv_n
        var = s2_ref[...] * inv_n - mean * mean
        a = gamma_ref[...] * lax.rsqrt(var + BN_EPS)
        b = beta_ref[...] - mean * a
        h = jnp.maximum(z2s_ref[pl.ds(i * RB, RB), :] * a + b, 0.0)
        Fo = out_ref.shape[0]
        for f in range(Fo):
            out_ref[f] = h[:, f * LANES:(f + 1) * LANES]


def _h_spec(h_ch):
    if h_ch.ndim == 3:
        return pl.BlockSpec((h_ch.shape[0], RB, LANES),
                            lambda p, i: (0, i * (1 - p), 0))
    return pl.BlockSpec((RB, h_ch.shape[1]), lambda p, i: (i * (1 - p), 0))


def _tc_mlp_bn(eps1p, h_ch, agg_ch, w1r, b1, w2, b2, gamma, beta, nf,
               n_rows):
    F = agg_ch.shape[0]
    hid = w2.shape[1]
    Fo = hid // LANES
    grid = n_rows // RB
    return pl.pallas_call(
        _mlp_bn_body,
        grid=(2, grid),
        in_specs=[
            pl.BlockSpec((1, 1), lambda p, i: (0, 0),
                         memory_space=pltpu.SMEM),
            _h_spec(h_ch),
            pl.BlockSpec((F, RB, LANES), lambda p, i: (0, i * (1 - p), 0)),
            pl.BlockSpec((F, LANES, hid), lambda p, i: (0, 0, 0)),
            pl.BlockSpec((1, hid), lambda p, i: (0, 0)),
            pl.BlockSpec((hid, hid), lambda p, i: (0, 0)),
            pl.BlockSpec((1, hid), lambda p, i: (0, 0)),
            pl.BlockSpec((1, hid), lambda p, i: (0, 0)),
            pl.BlockSpec((1, hid), lambda p, i: (0, 0)),
            pl.BlockSpec((1, 1), lambda p, i: (0, 0),
                         memory_space=pltpu.SMEM),
        ],
        out_specs=pl.BlockSpec((Fo, RB, LANES), lambda p, i: (0, i * p, 0)),
        out_shape=jax.ShapeDtypeStruct((Fo, n_rows, LANES), jnp.float32),
        scratch_shapes=[
            pltpu.VMEM((n_rows, hid), jnp.float32),
            pltpu.VMEM((1, hid), jnp.float32),
            pltpu.VMEM((1, hid), jnp.float32),
        ],
        compiler_params=pltpu.CompilerParams(
            dimension_semantics=("arbitrary", "arbitrary")),
    )(eps1p, h_ch, agg_ch, w1r, b1, w2, b2, gamma, beta, nf)


def _mlp_bn_pool_body(eps_ref, h_ref, agg_ref, w1_ref, b1_ref, w2_ref,
                      b2_ref, gamma_ref, beta_ref, n_ref, bat_ref, wc_ref,
                      bc_ref, out_ref, z2s_ref, s1_ref, s2_ref, pacc_ref):
    p = pl.program_id(0)
    i = pl.program_id(1)
    ngrid = pl.num_programs(1)
    F = agg_ref.shape[0]
    ng = pacc_ref.shape[0]

    @pl.when(p == 0)
    def _():
        e = eps_ref[0, 0]
        acc = jnp.zeros((RB, w1_ref.shape[2]), jnp.float32)
        for f in range(F):
            zf = e * _h_chunk(h_ref, f) + agg_ref[f]
            acc += jnp.dot(zf.astype(jnp.bfloat16),
                           w1_ref[f].astype(jnp.bfloat16),
                           preferred_element_type=jnp.float32)
        a = jnp.maximum(acc + b1_ref[...], 0.0)
        z2 = jnp.dot(a.astype(jnp.bfloat16), w2_ref[...].astype(jnp.bfloat16),
                     preferred_element_type=jnp.float32) + b2_ref[...]
        z2s_ref[pl.ds(i * RB, RB), :] = z2
        ps1 = jnp.sum(z2, axis=0, keepdims=True)
        ps2 = jnp.sum(z2 * z2, axis=0, keepdims=True)

        @pl.when(i == 0)
        def _():
            s1_ref[...] = ps1
            s2_ref[...] = ps2

        @pl.when(i > 0)
        def _():
            s1_ref[...] += ps1
            s2_ref[...] += ps2

    @pl.when(p == 1)
    def _():
        inv_n = 1.0 / n_ref[0, 0]
        mean = s1_ref[...] * inv_n
        var = s2_ref[...] * inv_n - mean * mean
        a = gamma_ref[...] * lax.rsqrt(var + BN_EPS)
        b = beta_ref[...] - mean * a
        h = jnp.maximum(z2s_ref[pl.ds(i * RB, RB), :] * a + b, 0.0)
        bat = bat_ref[0, 0]
        ohT = (lax.broadcasted_iota(jnp.int32, (ng, RB), 0)
               == bat[None, :]).astype(jnp.float32)
        part = jnp.dot(ohT, h, preferred_element_type=jnp.float32)

        @pl.when(i == 0)
        def _():
            pacc_ref[...] = part

        @pl.when(i > 0)
        def _():
            pacc_ref[...] += part

        @pl.when(i == ngrid - 1)
        def _():
            out_ref[...] = jnp.dot(pacc_ref[...], wc_ref[...],
                                   preferred_element_type=jnp.float32) \
                + bc_ref[...]


def _tc_mlp_bn_pool(eps1p, h_ch, agg_ch, w1r, b1, w2, b2, gamma, beta, nf,
                    bat3d, wc, bc, n_rows, num_graphs):
    F = agg_ch.shape[0]
    hid = w2.shape[1]
    ncls = wc.shape[1]
    grid = n_rows // RB
    return pl.pallas_call(
        _mlp_bn_pool_body,
        grid=(2, grid),
        in_specs=[
            pl.BlockSpec((1, 1), lambda p, i: (0, 0),
                         memory_space=pltpu.SMEM),
            _h_spec(h_ch),
            pl.BlockSpec((F, RB, LANES), lambda p, i: (0, i * (1 - p), 0)),
            pl.BlockSpec((F, LANES, hid), lambda p, i: (0, 0, 0)),
            pl.BlockSpec((1, hid), lambda p, i: (0, 0)),
            pl.BlockSpec((hid, hid), lambda p, i: (0, 0)),
            pl.BlockSpec((1, hid), lambda p, i: (0, 0)),
            pl.BlockSpec((1, hid), lambda p, i: (0, 0)),
            pl.BlockSpec((1, hid), lambda p, i: (0, 0)),
            pl.BlockSpec((1, 1), lambda p, i: (0, 0),
                         memory_space=pltpu.SMEM),
            pl.BlockSpec((1, 1, RB), lambda p, i: (i, 0, 0)),
            pl.BlockSpec((hid, ncls), lambda p, i: (0, 0)),
            pl.BlockSpec((1, ncls), lambda p, i: (0, 0)),
        ],
        out_specs=pl.BlockSpec((num_graphs, ncls), lambda p, i: (0, 0)),
        out_shape=jax.ShapeDtypeStruct((num_graphs, ncls), jnp.float32),
        scratch_shapes=[
            pltpu.VMEM((n_rows, hid), jnp.float32),
            pltpu.VMEM((1, hid), jnp.float32),
            pltpu.VMEM((1, hid), jnp.float32),
            pltpu.VMEM((num_graphs, hid), jnp.float32),
        ],
        compiler_params=pltpu.CompilerParams(
            dimension_semantics=("arbitrary", "arbitrary")),
    )(eps1p, h_ch, agg_ch, w1r, b1, w2, b2, gamma, beta, nf, bat3d, wc, bc)


def kernel(x, edge_index, batch, params):
    n, in_dim = x.shape
    e_edges = edge_index.shape[1]
    num_graphs = 64
    ncls = params['Wc'].shape[1]

    npad = _round_up(n + NSUB, NSUB * 8)
    nb = _round_up((e_edges + NSUB * EBLK - 1) // (NSUB * EBLK), 8 * NQ)
    e_pad = NSUB * nb * EBLK - e_edges

    src = edge_index[0]
    dst = edge_index[1]
    pad_ar = jnp.arange(e_pad, dtype=jnp.int32)
    src_p = jnp.concatenate([src, (pad_ar * 1009) % n]).reshape(NSUB * nb, EBLK)
    dst_p = jnp.concatenate([dst, n + (pad_ar % NSUB)]).reshape(NSUB * nb, EBLK)
    zeros_pad = jnp.zeros((npad, LANES), jnp.float32)

    h_ch = x

    nf = jnp.full((1, 1), float(n), jnp.float32)
    bat3d = batch.reshape(n // RB, 1, RB)
    n_layers = len(params['layers'])
    for li, lp in enumerate(params['layers']):
        F = (h_ch.shape[0] if h_ch.ndim == 3 else h_ch.shape[1] // LANES)
        agg_ch = _sc_segment_sum(h_ch, src_p, dst_p, zeros_pad,
                                 F=F, nb=nb, npad=npad,
                                 chunked=(h_ch.ndim == 3))
        eps1p = (1.0 + lp['eps']).reshape(1, 1).astype(jnp.float32)
        hid = lp['W2'].shape[1]
        w1r = lp['W1'].reshape(F, LANES, hid)
        args = (eps1p, h_ch, agg_ch, w1r, lp['b1'].reshape(1, hid),
                lp['W2'], lp['b2'].reshape(1, hid),
                lp['gamma'].reshape(1, hid), lp['beta'].reshape(1, hid), nf)
        if li + 1 < n_layers:
            h_ch = _tc_mlp_bn(*args, n)
        else:
            return _tc_mlp_bn_pool(*args, bat3d, params['Wc'],
                                   params['bc'].reshape(1, ncls), n,
                                   num_graphs)

# --- scband reference (transcript-rebuilt; emitter-appended) ---
"""Pipeline reference for scband-gin-90005334655216 (READ-ONLY COPY).

The authoritative reference and input builder live on the scoring server;
editing this copy changes nothing except your own understanding.
"""

import jax, jax.numpy as jnp
import numpy as np

N = 10000
E = 160000
IN_DIM = 256
HID = 512
NUM_CLASSES = 64
NUM_LAYERS = 5
NUM_GRAPHS = 64
BN_EPS = 1e-5


def setup_inputs(seed: int = 0) -> dict:
    key = jax.random.key(seed)
    ks = jax.random.split(key, 4 + 4 * NUM_LAYERS + 2)
    x = jax.random.normal(ks[0], (N, IN_DIM), dtype=jnp.float32)
    edge_index = jax.random.randint(ks[1], (2, E), 0, N, dtype=jnp.int32)
    batch = jnp.sort(jax.random.randint(ks[2], (N,), 0, NUM_GRAPHS, dtype=jnp.int32))
    layers = []
    for l in range(NUM_LAYERS):
        in_ch = IN_DIM if l == 0 else HID
        base = 4 + 4 * l
        layers.append({
            'W1': jax.random.normal(ks[base + 0], (in_ch, HID), dtype=jnp.float32) * (1.0 / np.sqrt(in_ch)),
            'b1': jnp.zeros((HID,), dtype=jnp.float32),
            'W2': jax.random.normal(ks[base + 1], (HID, HID), dtype=jnp.float32) * (1.0 / np.sqrt(HID)),
            'b2': jnp.zeros((HID,), dtype=jnp.float32),
            'eps': jnp.zeros((), dtype=jnp.float32),
            'gamma': jnp.ones((HID,), dtype=jnp.float32),
            'beta': jnp.zeros((HID,), dtype=jnp.float32),
        })
    params = {
        'layers': layers,
        'Wc': jax.random.normal(ks[4 + 4 * NUM_LAYERS], (HID, NUM_CLASSES), dtype=jnp.float32) * (1.0 / np.sqrt(HID)),
        'bc': jnp.zeros((NUM_CLASSES,), dtype=jnp.float32),
    }
    return {'x': x, 'edge_index': edge_index, 'batch': batch, 'params': params}


def reference(x, edge_index, batch, params):
    src = edge_index[0]
    dst = edge_index[1]
    h = x
    for lp in params['layers']:
        # GINConv (train_eps=True): (1 + eps) * x + sum_{j in N(i)} x_j, then MLP
        agg = jax.ops.segment_sum(h[src], dst, num_segments=N)
        z = (1.0 + lp['eps']) * h + agg
        z = jnp.maximum(z @ lp['W1'] + lp['b1'], 0.0)
        z = z @ lp['W2'] + lp['b2']
        # BatchNorm1d (training-mode batch statistics)
        mean = jnp.mean(z, axis=0)
        var = jnp.var(z, axis=0)
        z = (z - mean) / jnp.sqrt(var + BN_EPS)
        z = z * lp['gamma'] + lp['beta']
        h = jnp.maximum(z, 0.0)
        # dropout p=0.0 -> identity
    g = jax.ops.segment_sum(h, batch, num_segments=NUM_GRAPHS)
    out = g @ params['Wc'] + params['bc']
    return out

if __name__ == "__main__":
    import jax
    _d = setup_inputs()
    print(jax.jit(kernel)(*tuple(_d.values())))

</pallas_src>

<mosaic_0001>
#map = affine_map<(d0, d1) -> (0, 0)>
#map1 = affine_map<(d0, d1) -> (0, 0, 0)>
module attributes {stable_mosaic.version = 14 : i64} {
  func.func @segsum(%arg0: i32, %arg1: i32, %arg2: memref<10000x256xf32, #tpu.memory_space<hbm>>, %arg3: memref<1280x128xi32, #tpu.memory_space<hbm>>, %arg4: memref<1280x128xi32, #tpu.memory_space<hbm>>, %arg5: memref<10112x128xf32, #tpu.memory_space<hbm>>, %arg6: memref<2x10112x128xf32, #tpu.memory_space<hbm>>, %arg7: memref<40x128xi32, #tpu.memory_space<vmem>>, %arg8: memref<40x128xi32, #tpu.memory_space<vmem>>, %arg9: memref<128x128xf32, #tpu.memory_space<vmem>>, %arg10: memref<128x128xf32, #tpu.memory_space<vmem>>, %arg11: memref<10112x128xf32, #tpu.memory_space<vmem_shared>>, %arg12: memref<!tpu.dma_semaphore, #tpu.memory_space<semaphore_mem>>, %arg13: memref<!tpu.dma_semaphore, #tpu.memory_space<semaphore_mem>>) attributes {dimension_semantics = [#tpu.dimension_semantics<core_parallel>, #tpu.dimension_semantics<subcore_parallel>], iteration_bounds = array<i64: 2, 16>, scalar_prefetch = 0 : i64, scratch_operands = 7 : i64, tpu.core_type = #tpu.core_type<sc_vector_subcore>, window_params = [{transform_indices = #map}, {transform_indices = #map}, {transform_indices = #map}, {transform_indices = #map}, {transform_indices = #map1}]} {
    %mul3A = arith.constant 1 : i32
    %mul3A_0 = arith.muli %arg0, %mul3A : i32
    %add3A = arith.constant 0 : i32
    %add3A_1 = arith.addi %mul3A_0, %add3A : i32
    %mul3A_2 = arith.constant 128 : i32
    %mul3A_3 = arith.muli %add3A_1, %mul3A_2 : i32
    %multiple_of3A = tpu.assume_multiple %mul3A_3, 128 : i32
    %mul3A_4 = arith.constant 632 : i32
    %mul3A_5 = arith.muli %arg1, %mul3A_4 : i32
    %mul3A_6 = arith.constant 632 : i32
    %mul3A_7 = arith.muli %arg1, %mul3A_6 : i32
    "tpu.region"() ({
      %run_scoped3A = tpu.sem_alloc : memref<!tpu.dma_semaphore, #tpu.memory_space<semaphore_mem>>
      %dma_start3A_65 = arith.constant 0 : i32
      %dma_start3A_66 = tpu.memref_slice %arg11[%mul3A_7, %dma_start3A_65] : memref<10112x128xf32, #tpu.memory_space<vmem_shared>> -> memref<632x128xf32, #tpu.memory_space<vmem_shared>>
      %dma_start3A_67 = arith.constant 0 : i32
      %dma_start3A_68 = tpu.memref_slice %arg5[%mul3A_5, %dma_start3A_67] : memref<10112x128xf32, #tpu.memory_space<hbm>> -> memref<632x128xf32, #tpu.memory_space<hbm>>
      tpu.enqueue_dma source(%dma_start3A_68 : memref<632x128xf32, #tpu.memory_space<hbm>>) target(%dma_start3A_66 : memref<632x128xf32, #tpu.memory_space<vmem_shared>>) target_semaphore(%run_scoped3A : memref<!tpu.dma_semaphore, #tpu.memory_space<semaphore_mem>>)
      %dma_wait3A = arith.constant 0 : i32
      %dma_wait3A_69 = tpu.memref_slice %arg11[%mul3A_7, %dma_wait3A] : memref<10112x128xf32, #tpu.memory_space<vmem_shared>> -> memref<632x128xf32, #tpu.memory_space<vmem_shared>>
      %dma_wait3A_70 = arith.constant 0 : i32
      %dma_wait3A_71 = tpu.memref_slice %arg5[%mul3A_5, %dma_wait3A_70] : memref<10112x128xf32, #tpu.memory_space<hbm>> -> memref<632x128xf32, #tpu.memory_space<hbm>>
      tpu.wait_dma2 semaphore(%run_scoped3A : memref<!tpu.dma_semaphore, #tpu.memory_space<semaphore_mem>>) src(%dma_wait3A_71 : memref<632x128xf32, #tpu.memory_space<hbm>>) dst(%dma_wait3A_69 : memref<632x128xf32, #tpu.memory_space<vmem_shared>>)
      tpu.yield
    }) : () -> ()
    %barrier3A = arith.constant 0 : index
    tpu.barrier barrier_id(%barrier3A)
    %mul3A_8 = arith.constant 2 : i32
    %mul3A_9 = arith.muli %arg1, %mul3A_8 : i32
    %add3A_10 = arith.constant 0 : i32
    %add3A_11 = arith.addi %mul3A_9, %add3A_10 : i32
    %mul3A_12 = arith.constant 40 : i32
    %mul3A_13 = arith.muli %add3A_11, %mul3A_12 : i32
    "tpu.region"() ({
      %run_scoped3A = tpu.sem_alloc : memref<!tpu.dma_semaphore, #tpu.memory_space<semaphore_mem>>
      %dma_start3A_65 = arith.constant 0 : i32
      %dma_start3A_66 = tpu.memref_slice %arg3[%mul3A_13, %dma_start3A_65] : memref<1280x128xi32, #tpu.memory_space<hbm>> -> memref<40x128xi32, #tpu.memory_space<hbm>>
      %dma_start3A_67 = arith.constant 0 : i32
      %dma_start3A_68 = tpu.memref_slice %arg3[%mul3A_13, %dma_start3A_67] : memref<1280x128xi32, #tpu.memory_space<hbm>> -> memref<40x128xi32, #tpu.memory_space<hbm>>
      tpu.enqueue_dma source(%dma_start3A_68 : memref<40x128xi32, #tpu.memory_space<hbm>>) target(%arg7 : memref<40x128xi32, #tpu.memory_space<vmem>>) target_semaphore(%run_scoped3A : memref<!tpu.dma_semaphore, #tpu.memory_space<semaphore_mem>>)
      %dma_wait3A = arith.constant 0 : i32
      %dma_wait3A_69 = tpu.memref_slice %arg3[%mul3A_13, %dma_wait3A] : memref<1280x128xi32, #tpu.memory_space<hbm>> -> memref<40x128xi32, #tpu.memory_space<hbm>>
      %dma_wait3A_70 = arith.constant 0 : i32
      %dma_wait3A_71 = tpu.memref_slice %arg3[%mul3A_13, %dma_wait3A_70] : memref<1280x128xi32, #tpu.memory_space<hbm>> -> memref<40x128xi32, #tpu.memory_space<hbm>>
      tpu.wait_dma2 semaphore(%run_scoped3A : memref<!tpu.dma_semaphore, #tpu.memory_space<semaphore_mem>>) src(%dma_wait3A_71 : memref<40x128xi32, #tpu.memory_space<hbm>>) dst(%arg7 : memref<40x128xi32, #tpu.memory_space<vmem>>)
      tpu.yield
    }) : () -> ()
    %mul3A_14 = arith.constant 2 : i32
    %mul3A_15 = arith.muli %arg1, %mul3A_14 : i32
    %add3A_16 = arith.constant 0 : i32
    %add3A_17 = arith.addi %mul3A_15, %add3A_16 : i32
    %mul3A_18 = arith.constant 40 : i32
    %mul3A_19 = arith.muli %add3A_17, %mul3A_18 : i32
    "tpu.region"() ({
      %run_scoped3A = tpu.sem_alloc : memref<!tpu.dma_semaphore, #tpu.memory_space<semaphore_mem>>
      %dma_start3A_65 = arith.constant 0 : i32
      %dma_start3A_66 = tpu.memref_slice %arg4[%mul3A_19, %dma_start3A_65] : memref<1280x128xi32, #tpu.memory_space<hbm>> -> memref<40x128xi32, #tpu.memory_space<hbm>>
      %dma_start3A_67 = arith.constant 0 : i32
      %dma_start3A_68 = tpu.memref_slice %arg4[%mul3A_19, %dma_start3A_67] : memref<1280x128xi32, #tpu.memory_space<hbm>> -> memref<40x128xi32, #tpu.memory_space<hbm>>
      tpu.enqueue_dma source(%dma_start3A_68 : memref<40x128xi32, #tpu.memory_space<hbm>>) target(%arg8 : memref<40x128xi32, #tpu.memory_space<vmem>>) target_semaphore(%run_scoped3A : memref<!tpu.dma_semaphore, #tpu.memory_space<semaphore_mem>>)
      %dma_wait3A = arith.constant 0 : i32
      %dma_wait3A_69 = tpu.memref_slice %arg4[%mul3A_19, %dma_wait3A] : memref<1280x128xi32, #tpu.memory_space<hbm>> -> memref<40x128xi32, #tpu.memory_space<hbm>>
      %dma_wait3A_70 = arith.constant 0 : i32
      %dma_wait3A_71 = tpu.memref_slice %arg4[%mul3A_19, %dma_wait3A_70] : memref<1280x128xi32, #tpu.memory_space<hbm>> -> memref<40x128xi32, #tpu.memory_space<hbm>>
      tpu.wait_dma2 semaphore(%run_scoped3A : memref<!tpu.dma_semaphore, #tpu.memory_space<semaphore_mem>>) src(%dma_wait3A_71 : memref<40x128xi32, #tpu.memory_space<hbm>>) dst(%arg8 : memref<40x128xi32, #tpu.memory_space<vmem>>)
      tpu.yield
    }) : () -> ()
    %dma_start3A = arith.constant 0 : i32
    %dma_start3A_20 = arith.constant 0 : i32
    %dma_start3A_21 = tpu.memref_slice %arg7[%dma_start3A, %dma_start3A_20] : memref<40x128xi32, #tpu.memory_space<vmem>> -> memref<1x128xi32, #tpu.memory_space<vmem>>
    %dma_start3A_22 = tpu.memref_squeeze %dma_start3A_21 : memref<1x128xi32, #tpu.memory_space<vmem>> -> memref<128xi32, #tpu.memory_space<vmem>>
    %dma_start3A_23 = arith.constant 0 : i32
    %dma_start3A_24 = tpu.memref_slice %arg2[%dma_start3A_23, %multiple_of3A] : memref<10000x256xf32, #tpu.memory_space<hbm>> -> memref<10000x128xf32, #tpu.memory_space<hbm>>
    %dma_start3A_25 = arith.constant 0 : i32
    %dma_start3A_26 = arith.constant 0 : i32
    %dma_start3A_27 = tpu.memref_slice %dma_start3A_24[%dma_start3A_25, %dma_start3A_26] : memref<10000x128xf32, #tpu.memory_space<hbm>> -> memref<10000x128xf32, #tpu.memory_space<hbm>>
    tpu.enqueue_indirect_dma source(%dma_start3A_27 : memref<10000x128xf32, #tpu.memory_space<hbm>>) target(%arg9 : memref<128x128xf32, #tpu.memory_space<vmem>>) offsets(%dma_start3A_22 : memref<128xi32, #tpu.memory_space<vmem>>) semaphore(%arg12 : memref<!tpu.dma_semaphore, #tpu.memory_space<semaphore_mem>>)
    %scan3A = arith.constant 0 : i32
    %scan3A_28 = arith.constant 0 : i32
    %scan3A_29 = arith.constant 20 : i32
    %scan3A_30 = arith.addi %scan3A_28, %scan3A_29 : i32
    %scan3A_31 = arith.constant 1 : i32
    scf.for %scan3A_65 = %scan3A_28 to %scan3A_30 step %scan3A_31  : i32 {
      %mul3A_66 = arith.constant 2 : i32
      %mul3A_67 = arith.muli %mul3A_66, %scan3A_65 : i32
      %add3A_68 = arith.constant 1 : i32
      %add3A_69 = arith.addi %mul3A_67, %add3A_68 : i32
      %dma_start3A_70 = arith.constant 0 : i32
      %dma_start3A_71 = tpu.memref_slice %arg7[%add3A_69, %dma_start3A_70] : memref<40x128xi32, #tpu.memory_space<vmem>> -> memref<1x128xi32, #tpu.memory_space<vmem>>
      %dma_start3A_72 = tpu.memref_squeeze %dma_start3A_71 : memref<1x128xi32, #tpu.memory_space<vmem>> -> memref<128xi32, #tpu.memory_space<vmem>>
      %dma_start3A_73 = arith.constant 0 : i32
      %dma_start3A_74 = tpu.memref_slice %arg2[%dma_start3A_73, %multiple_of3A] : memref<10000x256xf32, #tpu.memory_space<hbm>> -> memref<10000x128xf32, #tpu.memory_space<hbm>>
      %dma_start3A_75 = arith.constant 0 : i32
      %dma_start3A_76 = arith.constant 0 : i32
      %dma_start3A_77 = tpu.memref_slice %dma_start3A_74[%dma_start3A_75, %dma_start3A_76] : memref<10000x128xf32, #tpu.memory_space<hbm>> -> memref<10000x128xf32, #tpu.memory_space<hbm>>
      tpu.enqueue_indirect_dma source(%dma_start3A_77 : memref<10000x128xf32, #tpu.memory_space<hbm>>) target(%arg10 : memref<128x128xf32, #tpu.memory_space<vmem>>) offsets(%dma_start3A_72 : memref<128xi32, #tpu.memory_space<vmem>>) semaphore(%arg13 : memref<!tpu.dma_semaphore, #tpu.memory_space<semaphore_mem>>)
      %dma_wait3A = arith.constant 0 : i32
      %dma_wait3A_78 = arith.constant 0 : i32
      %dma_wait3A_79 = tpu.memref_slice %arg7[%dma_wait3A, %dma_wait3A_78] : memref<40x128xi32, #tpu.memory_space<vmem>> -> memref<1x128xi32, #tpu.memory_space<vmem>>
      %dma_wait3A_80 = tpu.memref_squeeze %dma_wait3A_79 : memref<1x128xi32, #tpu.memory_space<vmem>> -> memref<128xi32, #tpu.memory_space<vmem>>
      %dma_wait3A_81 = arith.constant 0 : i32
      %dma_wait3A_82 = tpu.memref_slice %arg2[%dma_wait3A_81, %multiple_of3A] : memref<10000x256xf32, #tpu.memory_space<hbm>> -> memref<10000x128xf32, #tpu.memory_space<hbm>>
      %dma_wait3A_83 = arith.constant 0 : i32
      %dma_wait3A_84 = arith.constant 0 : i32
      %dma_wait3A_85 = tpu.memref_slice %dma_wait3A_82[%dma_wait3A_83, %dma_wait3A_84] : memref<10000x128xf32, #tpu.memory_space<hbm>> -> memref<10000x128xf32, #tpu.memory_space<hbm>>
      tpu.wait_indirect_dma semaphore(%arg12 : memref<!tpu.dma_semaphore, #tpu.memory_space<semaphore_mem>>) src(%dma_wait3A_85 : memref<10000x128xf32, #tpu.memory_space<hbm>>) dst(%arg9 : memref<128x128xf32, #tpu.memory_space<vmem>>)
      "tpu.region"() ({
        %run_scoped3A = tpu.sem_alloc : memref<!tpu.dma_semaphore, #tpu.memory_space<semaphore_mem>>
        %dma_start3A_101 = arith.constant 0 : i32
        %dma_start3A_102 = tpu.memref_slice %arg8[%mul3A_67, %dma_start3A_101] : memref<40x128xi32, #tpu.memory_space<vmem>> -> memref<1x128xi32, #tpu.memory_space<vmem>>
        %dma_start3A_103 = tpu.memref_squeeze %dma_start3A_102 : memref<1x128xi32, #tpu.memory_space<vmem>> -> memref<128xi32, #tpu.memory_space<vmem>>
        %dma_start3A_104 = arith.constant 0 : i32
        %dma_start3A_105 = arith.constant 0 : i32
        %dma_start3A_106 = tpu.memref_slice %arg11[%dma_start3A_104, %dma_start3A_105] : memref<10112x128xf32, #tpu.memory_space<vmem_shared>> -> memref<10112x128xf32, #tpu.memory_space<vmem_shared>>
        tpu.enqueue_indirect_dma source(%arg9 : memref<128x128xf32, #tpu.memory_space<vmem>>) target(%dma_start3A_106 : memref<10112x128xf32, #tpu.memory_space<vmem_shared>>) offsets(%dma_start3A_103 : memref<128xi32, #tpu.memory_space<vmem>>) semaphore(%run_scoped3A : memref<!tpu.dma_semaphore, #tpu.memory_space<semaphore_mem>>) {add = true}
        %dma_wait3A_107 = arith.constant 0 : i32
        %dma_wait3A_108 = tpu.memref_slice %arg8[%mul3A_67, %dma_wait3A_107] : memref<40x128xi32, #tpu.memory_space<vmem>> -> memref<1x128xi32, #tpu.memory_space<vmem>>
        %dma_wait3A_109 = tpu.memref_squeeze %dma_wait3A_108 : memref<1x128xi32, #tpu.memory_space<vmem>> -> memref<128xi32, #tpu.memory_space<vmem>>
        %dma_wait3A_110 = arith.constant 0 : i32
        %dma_wait3A_111 = arith.constant 0 : i32
        %dma_wait3A_112 = tpu.memref_slice %arg11[%dma_wait3A_110, %dma_wait3A_111] : memref<10112x128xf32, #tpu.memory_space<vmem_shared>> -> memref<10112x128xf32, #tpu.memory_space<vmem_shared>>
        tpu.wait_indirect_dma semaphore(%run_scoped3A : memref<!tpu.dma_semaphore, #tpu.memory_space<semaphore_mem>>) src(%arg9 : memref<128x128xf32, #tpu.memory_space<vmem>>) dst(%dma_wait3A_112 : memref<10112x128xf32, #tpu.memory_space<vmem_shared>>)
        tpu.yield
      }) : () -> ()
      %add3A_86 = arith.constant 2 : i32
      %add3A_87 = arith.addi %mul3A_67, %add3A_86 : i32
      %lt3A = arith.constant 40 : i32
      %lt3A_88 = arith.cmpi slt, %add3A_87, %lt3A : i32
      %convert_element_type3A = arith.extui %lt3A_88 : i1 to i32
      %cond3A = arith.constant 0 : i32
      %cond3A_89 = arith.cmpi ne, %convert_element_type3A, %cond3A : i32
      scf.if %cond3A_89 {
        %add3A_101 = arith.constant 2 : i32
        %add3A_102 = arith.addi %mul3A_67, %add3A_101 : i32
        %dma_start3A_103 = arith.constant 0 : i32
        %dma_start3A_104 = tpu.memref_slice %arg7[%add3A_102, %dma_start3A_103] : memref<40x128xi32, #tpu.memory_space<vmem>> -> memref<1x128xi32, #tpu.memory_space<vmem>>
        %dma_start3A_105 = tpu.memref_squeeze %dma_start3A_104 : memref<1x128xi32, #tpu.memory_space<vmem>> -> memref<128xi32, #tpu.memory_space<vmem>>
        %dma_start3A_106 = arith.constant 0 : i32
        %dma_start3A_107 = tpu.memref_slice %arg2[%dma_start3A_106, %multiple_of3A] : memref<10000x256xf32, #tpu.memory_space<hbm>> -> memref<10000x128xf32, #tpu.memory_space<hbm>>
        %dma_start3A_108 = arith.constant 0 : i32
        %dma_start3A_109 = arith.constant 0 : i32
        %dma_start3A_110 = tpu.memref_slice %dma_start3A_107[%dma_start3A_108, %dma_start3A_109] : memref<10000x128xf32, #tpu.memory_space<hbm>> -> memref<10000x128xf32, #tpu.memory_space<hbm>>
        tpu.enqueue_indirect_dma source(%dma_start3A_110 : memref<10000x128xf32, #tpu.memory_space<hbm>>) target(%arg9 : memref<128x128xf32, #tpu.memory_space<vmem>>) offsets(%dma_start3A_105 : memref<128xi32, #tpu.memory_space<vmem>>) semaphore(%arg12 : memref<!tpu.dma_semaphore, #tpu.memory_space<semaphore_mem>>)
      } else {
      }
      %dma_wait3A_90 = arith.constant 0 : i32
      %dma_wait3A_91 = arith.constant 0 : i32
      %dma_wait3A_92 = tpu.memref_slice %arg7[%dma_wait3A_90, %dma_wait3A_91] : memref<40x128xi32, #tpu.memory_space<vmem>> -> memref<1x128xi32, #tpu.memory_space<vmem>>
      %dma_wait3A_93 = tpu.memref_squeeze %dma_wait3A_92 : memref<1x128xi32, #tpu.memory_space<vmem>> -> memref<128xi32, #tpu.memory_space<vmem>>
      %dma_wait3A_94 = arith.constant 0 : i32
      %dma_wait3A_95 = tpu.memref_slice %arg2[%dma_wait3A_94, %multiple_of3A] : memref<10000x256xf32, #tpu.memory_space<hbm>> -> memref<10000x128xf32, #tpu.memory_space<hbm>>
      %dma_wait3A_96 = arith.constant 0 : i32
      %dma_wait3A_97 = arith.constant 0 : i32
      %dma_wait3A_98 = tpu.memref_slice %dma_wait3A_95[%dma_wait3A_96, %dma_wait3A_97] : memref<10000x128xf32, #tpu.memory_space<hbm>> -> memref<10000x128xf32, #tpu.memory_space<hbm>>
      tpu.wait_indirect_dma semaphore(%arg13 : memref<!tpu.dma_semaphore, #tpu.memory_space<semaphore_mem>>) src(%dma_wait3A_98 : memref<10000x128xf32, #tpu.memory_space<hbm>>) dst(%arg10 : memref<128x128xf32, #tpu.memory_space<vmem>>)
      %add3A_99 = arith.constant 1 : i32
      %add3A_100 = arith.addi %mul3A_67, %add3A_99 : i32
      "tpu.region"() ({
        %run_scoped3A = tpu.sem_alloc : memref<!tpu.dma_semaphore, #tpu.memory_space<semaphore_mem>>
        %dma_start3A_101 = arith.constant 0 : i32
        %dma_start3A_102 = tpu.memref_slice %arg8[%add3A_100, %dma_start3A_101] : memref<40x128xi32, #tpu.memory_space<vmem>> -> memref<1x128xi32, #tpu.memory_space<vmem>>
        %dma_start3A_103 = tpu.memref_squeeze %dma_start3A_102 : memref<1x128xi32, #tpu.memory_space<vmem>> -> memref<128xi32, #tpu.memory_space<vmem>>
        %dma_start3A_104 = arith.constant 0 : i32
        %dma_start3A_105 = arith.constant 0 : i32
        %dma_start3A_106 = tpu.memref_slice %arg11[%dma_start3A_104, %dma_start3A_105] : memref<10112x128xf32, #tpu.memory_space<vmem_shared>> -> memref<10112x128xf32, #tpu.memory_space<vmem_shared>>
        tpu.enqueue_indirect_dma source(%arg10 : memref<128x128xf32, #tpu.memory_space<vmem>>) target(%dma_start3A_106 : memref<10112x128xf32, #tpu.memory_space<vmem_shared>>) offsets(%dma_start3A_103 : memref<128xi32, #tpu.memory_space<vmem>>) semaphore(%run_scoped3A : memref<!tpu.dma_semaphore, #tpu.memory_space<semaphore_mem>>) {add = true}
        %dma_wait3A_107 = arith.constant 0 : i32
        %dma_wait3A_108 = tpu.memref_slice %arg8[%add3A_100, %dma_wait3A_107] : memref<40x128xi32, #tpu.memory_space<vmem>> -> memref<1x128xi32, #tpu.memory_space<vmem>>
        %dma_wait3A_109 = tpu.memref_squeeze %dma_wait3A_108 : memref<1x128xi32, #tpu.memory_space<vmem>> -> memref<128xi32, #tpu.memory_space<vmem>>
        %dma_wait3A_110 = arith.constant 0 : i32
        %dma_wait3A_111 = arith.constant 0 : i32
        %dma_wait3A_112 = tpu.memref_slice %arg11[%dma_wait3A_110, %dma_wait3A_111] : memref<10112x128xf32, #tpu.memory_space<vmem_shared>> -> memref<10112x128xf32, #tpu.memory_space<vmem_shared>>
        tpu.wait_indirect_dma semaphore(%run_scoped3A : memref<!tpu.dma_semaphore, #tpu.memory_space<semaphore_mem>>) src(%arg10 : memref<128x128xf32, #tpu.memory_space<vmem>>) dst(%dma_wait3A_112 : memref<10112x128xf32, #tpu.memory_space<vmem_shared>>)
        tpu.yield
      }) : () -> ()
    }
    %scan3A_32 = arith.constant 20 : i32
    %mul3A_33 = arith.constant 2 : i32
    %mul3A_34 = arith.muli %arg1, %mul3A_33 : i32
    %add3A_35 = arith.constant 1 : i32
    %add3A_36 = arith.addi %mul3A_34, %add3A_35 : i32
    %mul3A_37 = arith.constant 40 : i32
    %mul3A_38 = arith.muli %add3A_36, %mul3A_37 : i32
    "tpu.region"() ({
      %run_scoped3A = tpu.sem_alloc : memref<!tpu.dma_semaphore, #tpu.memory_space<semaphore_mem>>
      %dma_start3A_65 = arith.constant 0 : i32
      %dma_start3A_66 = tpu.memref_slice %arg3[%mul3A_38, %dma_start3A_65] : memref<1280x128xi32, #tpu.memory_space<hbm>> -> memref<40x128xi32, #tpu.memory_space<hbm>>
      %dma_start3A_67 = arith.constant 0 : i32
      %dma_start3A_68 = tpu.memref_slice %arg3[%mul3A_38, %dma_start3A_67] : memref<1280x128xi32, #tpu.memory_space<hbm>> -> memref<40x128xi32, #tpu.memory_space<hbm>>
      tpu.enqueue_dma source(%dma_start3A_68 : memref<40x128xi32, #tpu.memory_space<hbm>>) target(%arg7 : memref<40x128xi32, #tpu.memory_space<vmem>>) target_semaphore(%run_scoped3A : memref<!tpu.dma_semaphore, #tpu.memory_space<semaphore_mem>>)
      %dma_wait3A = arith.constant 0 : i32
      %dma_wait3A_69 = tpu.memref_slice %arg3[%mul3A_38, %dma_wait3A] : memref<1280x128xi32, #tpu.memory_space<hbm>> -> memref<40x128xi32, #tpu.memory_space<hbm>>
      %dma_wait3A_70 = arith.constant 0 : i32
      %dma_wait3A_71 = tpu.memref_slice %arg3[%mul3A_38, %dma_wait3A_70] : memref<1280x128xi32, #tpu.memory_space<hbm>> -> memref<40x128xi32, #tpu.memory_space<hbm>>
      tpu.wait_dma2 semaphore(%run_scoped3A : memref<!tpu.dma_semaphore, #tpu.memory_space<semaphore_mem>>) src(%dma_wait3A_71 : memref<40x128xi32, #tpu.memory_space<hbm>>) dst(%arg7 : memref<40x128xi32, #tpu.memory_space<vmem>>)
      tpu.yield
    }) : () -> ()
    %mul3A_39 = arith.constant 2 : i32
    %mul3A_40 = arith.muli %arg1, %mul3A_39 : i32
    %add3A_41 = arith.constant 1 : i32
    %add3A_42 = arith.addi %mul3A_40, %add3A_41 : i32
    %mul3A_43 = arith.constant 40 : i32
    %mul3A_44 = arith.muli %add3A_42, %mul3A_43 : i32
    "tpu.region"() ({
      %run_scoped3A = tpu.sem_alloc : memref<!tpu.dma_semaphore, #tpu.memory_space<semaphore_mem>>
      %dma_start3A_65 = arith.constant 0 : i32
      %dma_start3A_66 = tpu.memref_slice %arg4[%mul3A_44, %dma_start3A_65] : memref<1280x128xi32, #tpu.memory_space<hbm>> -> memref<40x128xi32, #tpu.memory_space<hbm>>
      %dma_start3A_67 = arith.constant 0 : i32
      %dma_start3A_68 = tpu.memref_slice %arg4[%mul3A_44, %dma_start3A_67] : memref<1280x128xi32, #tpu.memory_space<hbm>> -> memref<40x128xi32, #tpu.memory_space<hbm>>
      tpu.enqueue_dma source(%dma_start3A_68 : memref<40x128xi32, #tpu.memory_space<hbm>>) target(%arg8 : memref<40x128xi32, #tpu.memory_space<vmem>>) target_semaphore(%run_scoped3A : memref<!tpu.dma_semaphore, #tpu.memory_space<semaphore_mem>>)
      %dma_wait3A = arith.constant 0 : i32
      %dma_wait3A_69 = tpu.memref_slice %arg4[%mul3A_44, %dma_wait3A] : memref<1280x128xi32, #tpu.memory_space<hbm>> -> memref<40x128xi32, #tpu.memory_space<hbm>>
      %dma_wait3A_70 = arith.constant 0 : i32
      %dma_wait3A_71 = tpu.memref_slice %arg4[%mul3A_44, %dma_wait3A_70] : memref<1280x128xi32, #tpu.memory_space<hbm>> -> memref<40x128xi32, #tpu.memory_space<hbm>>
      tpu.wait_dma2 semaphore(%run_scoped3A : memref<!tpu.dma_semaphore, #tpu.memory_space<semaphore_mem>>) src(%dma_wait3A_71 : memref<40x128xi32, #tpu.memory_space<hbm>>) dst(%arg8 : memref<40x128xi32, #tpu.memory_space<vmem>>)
      tpu.yield
    }) : () -> ()
    %dma_start3A_45 = arith.constant 0 : i32
    %dma_start3A_46 = arith.constant 0 : i32
    %dma_start3A_47 = tpu.memref_slice %arg7[%dma_start3A_45, %dma_start3A_46] : memref<40x128xi32, #tpu.memory_space<vmem>> -> memref<1x128xi32, #tpu.memory_space<vmem>>
    %dma_start3A_48 = tpu.memref_squeeze %dma_start3A_47 : memref<1x128xi32, #tpu.memory_space<vmem>> -> memref<128xi32, #tpu.memory_space<vmem>>
    %dma_start3A_49 = arith.constant 0 : i32
    %dma_start3A_50 = tpu.memref_slice %arg2[%dma_start3A_49, %multiple_of3A] : memref<10000x256xf32, #tpu.memory_space<hbm>> -> memref<10000x128xf32, #tpu.memory_space<hbm>>
    %dma_start3A_51 = arith.constant 0 : i32
    %dma_start3A_52 = arith.constant 0 : i32
    %dma_start3A_53 = tpu.memref_slice %dma_start3A_50[%dma_start3A_51, %dma_start3A_52] : memref<10000x128xf32, #tpu.memory_space<hbm>> -> memref<10000x128xf32, #tpu.memory_space<hbm>>
    tpu.enqueue_indirect_dma source(%dma_start3A_53 : memref<10000x128xf32, #tpu.memory_space<hbm>>) target(%arg9 : memref<128x128xf32, #tpu.memory_space<vmem>>) offsets(%dma_start3A_48 : memref<128xi32, #tpu.memory_space<vmem>>) semaphore(%arg12 : memref<!tpu.dma_semaphore, #tpu.memory_space<semaphore_mem>>)
    %scan3A_54 = arith.constant 0 : i32
    %scan3A_55 = arith.constant 0 : i32
    %scan3A_56 = arith.constant 20 : i32
    %scan3A_57 = arith.addi %scan3A_55, %scan3A_56 : i32
    %scan3A_58 = arith.constant 1 : i32
    scf.for %scan3A_65 = %scan3A_55 to %scan3A_57 step %scan3A_58  : i32 {
      %mul3A_66 = arith.constant 2 : i32
      %mul3A_67 = arith.muli %mul3A_66, %scan3A_65 : i32
      %add3A_68 = arith.constant 1 : i32
      %add3A_69 = arith.addi %mul3A_67, %add3A_68 : i32
      %dma_start3A_70 = arith.constant 0 : i32
      %dma_start3A_71 = tpu.memref_slice %arg7[%add3A_69, %dma_start3A_70] : memref<40x128xi32, #tpu.memory_space<vmem>> -> memref<1x128xi32, #tpu.memory_space<vmem>>
      %dma_start3A_72 = tpu.memref_squeeze %dma_start3A_71 : memref<1x128xi32, #tpu.memory_space<vmem>> -> memref<128xi32, #tpu.memory_space<vmem>>
      %dma_start3A_73 = arith.constant 0 : i32
      %dma_start3A_74 = tpu.memref_slice %arg2[%dma_start3A_73, %multiple_of3A] : memref<10000x256xf32, #tpu.memory_space<hbm>> -> memref<10000x128xf32, #tpu.memory_space<hbm>>
      %dma_start3A_75 = arith.constant 0 : i32
      %dma_start3A_76 = arith.constant 0 : i32
      %dma_start3A_77 = tpu.memref_slice %dma_start3A_74[%dma_start3A_75, %dma_start3A_76] : memref<10000x128xf32, #tpu.memory_space<hbm>> -> memref<10000x128xf32, #tpu.memory_space<hbm>>
      tpu.enqueue_indirect_dma source(%dma_start3A_77 : memref<10000x128xf32, #tpu.memory_space<hbm>>) target(%arg10 : memref<128x128xf32, #tpu.memory_space<vmem>>) offsets(%dma_start3A_72 : memref<128xi32, #tpu.memory_space<vmem>>) semaphore(%arg13 : memref<!tpu.dma_semaphore, #tpu.memory_space<semaphore_mem>>)
      %dma_wait3A = arith.constant 0 : i32
      %dma_wait3A_78 = arith.constant 0 : i32
      %dma_wait3A_79 = tpu.memref_slice %arg7[%dma_wait3A, %dma_wait3A_78] : memref<40x128xi32, #tpu.memory_space<vmem>> -> memref<1x128xi32, #tpu.memory_space<vmem>>
      %dma_wait3A_80 = tpu.memref_squeeze %dma_wait3A_79 : memref<1x128xi32, #tpu.memory_space<vmem>> -> memref<128xi32, #tpu.memory_space<vmem>>
      %dma_wait3A_81 = arith.constant 0 : i32
      %dma_wait3A_82 = tpu.memref_slice %arg2[%dma_wait3A_81, %multiple_of3A] : memref<10000x256xf32, #tpu.memory_space<hbm>> -> memref<10000x128xf32, #tpu.memory_space<hbm>>
      %dma_wait3A_83 = arith.constant 0 : i32
      %dma_wait3A_84 = arith.constant 0 : i32
      %dma_wait3A_85 = tpu.memref_slice %dma_wait3A_82[%dma_wait3A_83, %dma_wait3A_84] : memref<10000x128xf32, #tpu.memory_space<hbm>> -> memref<10000x128xf32, #tpu.memory_space<hbm>>
      tpu.wait_indirect_dma semaphore(%arg12 : memref<!tpu.dma_semaphore, #tpu.memory_space<semaphore_mem>>) src(%dma_wait3A_85 : memref<10000x128xf32, #tpu.memory_space<hbm>>) dst(%arg9 : memref<128x128xf32, #tpu.memory_space<vmem>>)
      "tpu.region"() ({
        %run_scoped3A = tpu.sem_alloc : memref<!tpu.dma_semaphore, #tpu.memory_space<semaphore_mem>>
        %dma_start3A_101 = arith.constant 0 : i32
        %dma_start3A_102 = tpu.memref_slice %arg8[%mul3A_67, %dma_start3A_101] : memref<40x128xi32, #tpu.memory_space<vmem>> -> memref<1x128xi32, #tpu.memory_space<vmem>>
        %dma_start3A_103 = tpu.memref_squeeze %dma_start3A_102 : memref<1x128xi32, #tpu.memory_space<vmem>> -> memref<128xi32, #tpu.memory_space<vmem>>
        %dma_start3A_104 = arith.constant 0 : i32
        %dma_start3A_105 = arith.constant 0 : i32
        %dma_start3A_106 = tpu.memref_slice %arg11[%dma_start3A_104, %dma_start3A_105] : memref<10112x128xf32, #tpu.memory_space<vmem_shared>> -> memref<10112x128xf32, #tpu.memory_space<vmem_shared>>
        tpu.enqueue_indirect_dma source(%arg9 : memref<128x128xf32, #tpu.memory_space<vmem>>) target(%dma_start3A_106 : memref<10112x128xf32, #tpu.memory_space<vmem_shared>>) offsets(%dma_start3A_103 : memref<128xi32, #tpu.memory_space<vmem>>) semaphore(%run_scoped3A : memref<!tpu.dma_semaphore, #tpu.memory_space<semaphore_mem>>) {add = true}
        %dma_wait3A_107 = arith.constant 0 : i32
        %dma_wait3A_108 = tpu.memref_slice %arg8[%mul3A_67, %dma_wait3A_107] : memref<40x128xi32, #tpu.memory_space<vmem>> -> memref<1x128xi32, #tpu.memory_space<vmem>>
        %dma_wait3A_109 = tpu.memref_squeeze %dma_wait3A_108 : memref<1x128xi32, #tpu.memory_space<vmem>> -> memref<128xi32, #tpu.memory_space<vmem>>
        %dma_wait3A_110 = arith.constant 0 : i32
        %dma_wait3A_111 = arith.constant 0 : i32
        %dma_wait3A_112 = tpu.memref_slice %arg11[%dma_wait3A_110, %dma_wait3A_111] : memref<10112x128xf32, #tpu.memory_space<vmem_shared>> -> memref<10112x128xf32, #tpu.memory_space<vmem_shared>>
        tpu.wait_indirect_dma semaphore(%run_scoped3A : memref<!tpu.dma_semaphore, #tpu.memory_space<semaphore_mem>>) src(%arg9 : memref<128x128xf32, #tpu.memory_space<vmem>>) dst(%dma_wait3A_112 : memref<10112x128xf32, #tpu.memory_space<vmem_shared>>)
        tpu.yield
      }) : () -> ()
      %add3A_86 = arith.constant 2 : i32
      %add3A_87 = arith.addi %mul3A_67, %add3A_86 : i32
      %lt3A = arith.constant 40 : i32
      %lt3A_88 = arith.cmpi slt, %add3A_87, %lt3A : i32
      %convert_element_type3A = arith.extui %lt3A_88 : i1 to i32
      %cond3A = arith.constant 0 : i32
      %cond3A_89 = arith.cmpi ne, %convert_element_type3A, %cond3A : i32
      scf.if %cond3A_89 {
        %add3A_101 = arith.constant 2 : i32
        %add3A_102 = arith.addi %mul3A_67, %add3A_101 : i32
        %dma_start3A_103 = arith.constant 0 : i32
        %dma_start3A_104 = tpu.memref_slice %arg7[%add3A_102, %dma_start3A_103] : memref<40x128xi32, #tpu.memory_space<vmem>> -> memref<1x128xi32, #tpu.memory_space<vmem>>
        %dma_start3A_105 = tpu.memref_squeeze %dma_start3A_104 : memref<1x128xi32, #tpu.memory_space<vmem>> -> memref<128xi32, #tpu.memory_space<vmem>>
        %dma_start3A_106 = arith.constant 0 : i32
        %dma_start3A_107 = tpu.memref_slice %arg2[%dma_start3A_106, %multiple_of3A] : memref<10000x256xf32, #tpu.memory_space<hbm>> -> memref<10000x128xf32, #tpu.memory_space<hbm>>
        %dma_start3A_108 = arith.constant 0 : i32
        %dma_start3A_109 = arith.constant 0 : i32
        %dma_start3A_110 = tpu.memref_slice %dma_start3A_107[%dma_start3A_108, %dma_start3A_109] : memref<10000x128xf32, #tpu.memory_space<hbm>> -> memref<10000x128xf32, #tpu.memory_space<hbm>>
        tpu.enqueue_indirect_dma source(%dma_start3A_110 : memref<10000x128xf32, #tpu.memory_space<hbm>>) target(%arg9 : memref<128x128xf32, #tpu.memory_space<vmem>>) offsets(%dma_start3A_105 : memref<128xi32, #tpu.memory_space<vmem>>) semaphore(%arg12 : memref<!tpu.dma_semaphore, #tpu.memory_space<semaphore_mem>>)
      } else {
      }
      %dma_wait3A_90 = arith.constant 0 : i32
      %dma_wait3A_91 = arith.constant 0 : i32
      %dma_wait3A_92 = tpu.memref_slice %arg7[%dma_wait3A_90, %dma_wait3A_91] : memref<40x128xi32, #tpu.memory_space<vmem>> -> memref<1x128xi32, #tpu.memory_space<vmem>>
      %dma_wait3A_93 = tpu.memref_squeeze %dma_wait3A_92 : memref<1x128xi32, #tpu.memory_space<vmem>> -> memref<128xi32, #tpu.memory_space<vmem>>
      %dma_wait3A_94 = arith.constant 0 : i32
      %dma_wait3A_95 = tpu.memref_slice %arg2[%dma_wait3A_94, %multiple_of3A] : memref<10000x256xf32, #tpu.memory_space<hbm>> -> memref<10000x128xf32, #tpu.memory_space<hbm>>
      %dma_wait3A_96 = arith.constant 0 : i32
      %dma_wait3A_97 = arith.constant 0 : i32
      %dma_wait3A_98 = tpu.memref_slice %dma_wait3A_95[%dma_wait3A_96, %dma_wait3A_97] : memref<10000x128xf32, #tpu.memory_space<hbm>> -> memref<10000x128xf32, #tpu.memory_space<hbm>>
      tpu.wait_indirect_dma semaphore(%arg13 : memref<!tpu.dma_semaphore, #tpu.memory_space<semaphore_mem>>) src(%dma_wait3A_98 : memref<10000x128xf32, #tpu.memory_space<hbm>>) dst(%arg10 : memref<128x128xf32, #tpu.memory_space<vmem>>)
      %add3A_99 = arith.constant 1 : i32
      %add3A_100 = arith.addi %mul3A_67, %add3A_99 : i32
      "tpu.region"() ({
        %run_scoped3A = tpu.sem_alloc : memref<!tpu.dma_semaphore, #tpu.memory_space<semaphore_mem>>
        %dma_start3A_101 = arith.constant 0 : i32
        %dma_start3A_102 = tpu.memref_slice %arg8[%add3A_100, %dma_start3A_101] : memref<40x128xi32, #tpu.memory_space<vmem>> -> memref<1x128xi32, #tpu.memory_space<vmem>>
        %dma_start3A_103 = tpu.memref_squeeze %dma_start3A_102 : memref<1x128xi32, #tpu.memory_space<vmem>> -> memref<128xi32, #tpu.memory_space<vmem>>
        %dma_start3A_104 = arith.constant 0 : i32
        %dma_start3A_105 = arith.constant 0 : i32
        %dma_start3A_106 = tpu.memref_slice %arg11[%dma_start3A_104, %dma_start3A_105] : memref<10112x128xf32, #tpu.memory_space<vmem_shared>> -> memref<10112x128xf32, #tpu.memory_space<vmem_shared>>
        tpu.enqueue_indirect_dma source(%arg10 : memref<128x128xf32, #tpu.memory_space<vmem>>) target(%dma_start3A_106 : memref<10112x128xf32, #tpu.memory_space<vmem_shared>>) offsets(%dma_start3A_103 : memref<128xi32, #tpu.memory_space<vmem>>) semaphore(%run_scoped3A : memref<!tpu.dma_semaphore, #tpu.memory_space<semaphore_mem>>) {add = true}
        %dma_wait3A_107 = arith.constant 0 : i32
        %dma_wait3A_108 = tpu.memref_slice %arg8[%add3A_100, %dma_wait3A_107] : memref<40x128xi32, #tpu.memory_space<vmem>> -> memref<1x128xi32, #tpu.memory_space<vmem>>
        %dma_wait3A_109 = tpu.memref_squeeze %dma_wait3A_108 : memref<1x128xi32, #tpu.memory_space<vmem>> -> memref<128xi32, #tpu.memory_space<vmem>>
        %dma_wait3A_110 = arith.constant 0 : i32
        %dma_wait3A_111 = arith.constant 0 : i32
        %dma_wait3A_112 = tpu.memref_slice %arg11[%dma_wait3A_110, %dma_wait3A_111] : memref<10112x128xf32, #tpu.memory_space<vmem_shared>> -> memref<10112x128xf32, #tpu.memory_space<vmem_shared>>
        tpu.wait_indirect_dma semaphore(%run_scoped3A : memref<!tpu.dma_semaphore, #tpu.memory_space<semaphore_mem>>) src(%arg10 : memref<128x128xf32, #tpu.memory_space<vmem>>) dst(%dma_wait3A_112 : memref<10112x128xf32, #tpu.memory_space<vmem_shared>>)
        tpu.yield
      }) : () -> ()
    }
    %scan3A_59 = arith.constant 20 : i32
    %barrier3A_60 = arith.constant 0 : index
    tpu.barrier barrier_id(%barrier3A_60)
    %mul3A_61 = arith.constant 632 : i32
    %mul3A_62 = arith.muli %arg1, %mul3A_61 : i32
    %mul3A_63 = arith.constant 632 : i32
    %mul3A_64 = arith.muli %arg1, %mul3A_63 : i32
    "tpu.region"() ({
      %run_scoped3A = tpu.sem_alloc : memref<!tpu.dma_semaphore, #tpu.memory_space<semaphore_mem>>
      %dma_start3A_65 = arith.constant 0 : i32
      %dma_start3A_66 = tpu.memref_slice %arg6[%add3A_1, %mul3A_64, %dma_start3A_65] : memref<2x10112x128xf32, #tpu.memory_space<hbm>> -> memref<1x632x128xf32, #tpu.memory_space<hbm>>
      %dma_start3A_67 = tpu.memref_squeeze %dma_start3A_66 : memref<1x632x128xf32, #tpu.memory_space<hbm>> -> memref<632x128xf32, #tpu.memory_space<hbm>>
      %dma_start3A_68 = arith.constant 0 : i32
      %dma_start3A_69 = tpu.memref_slice %arg11[%mul3A_62, %dma_start3A_68] : memref<10112x128xf32, #tpu.memory_space<vmem_shared>> -> memref<632x128xf32, #tpu.memory_space<vmem_shared>>
      tpu.enqueue_dma source(%dma_start3A_69 : memref<632x128xf32, #tpu.memory_space<vmem_shared>>) target(%dma_start3A_67 : memref<632x128xf32, #tpu.memory_space<hbm>>) target_semaphore(%run_scoped3A : memref<!tpu.dma_semaphore, #tpu.memory_space<semaphore_mem>>)
      %dma_wait3A = arith.constant 0 : i32
      %dma_wait3A_70 = tpu.memref_slice %arg6[%add3A_1, %mul3A_64, %dma_wait3A] : memref<2x10112x128xf32, #tpu.memory_space<hbm>> -> memref<1x632x128xf32, #tpu.memory_space<hbm>>
      %dma_wait3A_71 = tpu.memref_squeeze %dma_wait3A_70 : memref<1x632x128xf32, #tpu.memory_space<hbm>> -> memref<632x128xf32, #tpu.memory_space<hbm>>
      %dma_wait3A_72 = arith.constant 0 : i32
      %dma_wait3A_73 = tpu.memref_slice %arg11[%mul3A_62, %dma_wait3A_72] : memref<10112x128xf32, #tpu.memory_space<vmem_shared>> -> memref<632x128xf32, #tpu.memory_space<vmem_shared>>
      tpu.wait_dma2 semaphore(%run_scoped3A : memref<!tpu.dma_semaphore, #tpu.memory_space<semaphore_mem>>) src(%dma_wait3A_73 : memref<632x128xf32, #tpu.memory_space<vmem_shared>>) dst(%dma_wait3A_71 : memref<632x128xf32, #tpu.memory_space<hbm>>)
      tpu.yield
    }) : () -> ()
    return
  }
}

</mosaic_0001>

<sc_bundles>
// kernel: _sc_segment_sum.3.cloned.1.call-start
scs
__scs_entry_jumppad:
0x0: {  	(pc) =	sbr.rel $0x88, $3  }
0x1: {  	(tag) =	ssettag $0x0;
	lr =	simm.s32 $0x1  }
0x2: {  	[smem:$0x3F9D] =	sst lr;
	_ =	strace $0xD0000000  }
0x3: {  	_ = 	snop  }
0x4: {  	_ = 	snop  }
0x5: {  	_ = 	snop  }
0x6: {  	_ = 	snop  }
0x7: {  	_ = 	snop  }
__scs_overlays_trampoline_lowered:
0x8: {  	[smem:$0x3FAC] =	sst s0  }
0x9: {  	[smem:$0x3FAD] =	sst s1  }
0xa: {  	[smem:$0x3FAE] =	sst s2  }
0xb: {  	[smem:$0x3FAF] =	sst s3  }
0xc: {  	[smem:$0x3FB0] =	sst s4  }
0xd: {  	[smem:$0x3FB1] =	sst s5  }
0xe: {  	[smem:$0x3FB2] =	sst s6  }
0xf: {  	[smem:$0x3FB3] =	sst s7  }
0x10: {  	[smem:$0x3FB4] =	sst s8  }
0x11: {  	[smem:$0x3FB5] =	sst s9;
	s0 =	simm.s32 @!p0 $0x0  }
0x12: {  	s1 =	sld [smem:$0x3F9B];
	s0 =	simm.s32 @p0 $0x1  }
0x13: {  	[smem:$0x3FB6] =	sst s0;
	s0 =	simm.s32 @!p1 $0x0  }
0x14: {  	s2 =	sld [smem:$0x3F9A];
	s0 =	simm.s32 @p1 $0x1  }
0x15: {  	[smem:$0x3FB7] =	sst s0;
	s0 =	simm.s32 @!p2 $0x0  }
0x16: {  	s3 =	sld [smem:$0x3FDB];
	s0 =	simm.s32 @p2 $0x1  }
0x17: {  	s4 =	simm.s32 $0x1BF5;
	[smem:$0x3FB9] =	sst s0  }
0x18: {  	s0 =	sld [smem:$0x3F9C];
	_ =	swait.ge [sflag:s4], $0x0  }
0x19: {  	s7 =	sld [smem:$0x3F9D]  }
0x1a: {  	s8 =	sadd.s32 $0xFFFFE003, lr  }
0x1b: {  	s9 =	sadd.s32 $0xFFFFFEF7, lr;
	s5 =	simm.s32 $0xFFFFFFFF;
	p2 =	slt.u32 s8, $0xFFFFF086  }
0x1c: {  	p1 =	slt.u32 s9, $0xF7A;
	s5 =	simm.s32 @!p2 $0x0  }
0x1d: {  	s5 =	simm.s32 @p1 $0x1;
	p0 =	seq.s32 s7, s2  }
0x1e: {  	s7 =	smul.u32 @!p0 $0xF7A, s2;
	p2 =	seq.s32 @!p0 s5, $0x0  }
0x1f: {  	s9 =	smul.u32 $0xF7A, s1;
	s8 =	simm.s32 @!p0 $0x1BF5;
	p2 =	por !p2, p0  }
0x20: {  	[sflag:s8] =	ssyncset.s32 @!p0 $0xFFFFF086;
	s6 =	sadd.s32 @!p0 s3, s7;
	s7 =	simm.s32 @!p0 $0x108  }
0x21: {  	s3 =	sadd.s32 s3, s9;
	s6 =	sadd.s32 @!p0 $0x88, s6;
	s7 =	simm.s32 @p2 $0x1082  }
0x22: {  	[simem:s7], [sflag:s8] =	dma.local @!p0 [hbm:s6], $0xF7A  }
0x23: {  	s9 =	sor.u32 $0xD0000000, s2;
	s6 =	simm.s32 $0x108;
	_ =	swait.ge @!p0 [sflag:s8], $0x0  }
0x24: {  	s3 =	sadd.s32 $0x88, s3;
	s6 =	simm.s32 @!p1 $0x1082;
	[sflag:s4] =	ssyncset.s32 $0xFFFFF086  }
0x25: {  	[simem:s6], [sflag:s4] =	dma.local [hbm:s3], $0xF7A  }
0x26: {  	[smem:$0x3F9D] =	sst s1;
	(tag) =	ssettag s2;
	_ =	strace s9  }
0x27: {  	s1 =	sld [smem:$0x3FAD]  }
0x28: {  	s2 =	sld [smem:$0x3FAE]  }
0x29: {  	s4 =	sld [smem:$0x3FB0]  }
0x2a: {  	p0 =	seq.s32 s5, $0x0;
	s5 =	sld [smem:$0x3FB1]  }
0x2b: {  	s6 =	sld [smem:$0x3FB2]  }
0x2c: {  	s7 =	sld [smem:$0x3FB3]  }
0x2d: {  	s3 =	simm.s32 $0x108;
	s8 =	sld [smem:$0x3FB4]  }
0x2e: {  	s3 =	simm.s32 @!p0 $0x1082;
	s9 =	sld [smem:$0x3FB5]  }
0x2f: {  	lr =	sadd.s32 s0, s3;
	s0 =	sld [smem:$0x3FAC]  }
0x30: {  	s3 =	sld [smem:$0x3FAF]  }
0x31: {  	[smem:$0x3FB8] =	sst s10  }
0x32: {  	s10 =	sld [smem:$0x3FB6];
	_ =	sdelay $0x3  }
0x33: {  	p0 =	seq.s32 s10, $0x1;
	s10 =	sld [smem:$0x3FB8];
	_ =	sdelay $0x3  }
0x34: {  	[smem:$0x3FB8] =	sst s10  }
0x35: {  	s10 =	sld [smem:$0x3FB7];
	_ =	sdelay $0x3  }
0x36: {  	p1 =	seq.s32 s10, $0x1;
	s10 =	sld [smem:$0x3FB8];
	_ =	sdelay $0x3  }
0x37: {  	[smem:$0x3FB8] =	sst s10  }
0x38: {  	s10 =	sld [smem:$0x3FB9]  }
0x39: {  	_ = 	snop;
	(pc) =	sbr.ind lr, $3  }
0x3a: {  	_ = 	snop  }
0x3b: {  	_ = 	snop  }
0x3c: {  	p2 =	seq.s32 s10, $0x1;
	s10 =	sld [smem:$0x3FB8]  }
0x3d: {  	_ =	shalt  }
0x3e: {  	_ =	shalt  }
0x3f: {  	_ =	shalt  }
0x40: {  	_ =	shalt  }
0x41: {  	_ =	shalt  }
0x42: {  	_ =	shalt  }
0x43: {  	_ =	shalt  }
0x44: {  	_ =	shalt  }
0x45: {  	_ =	shalt  }
0x46: {  	_ =	shalt  }
0x47: {  	_ =	shalt  }
0x48: {  	_ =	shalt  }
0x49: {  	_ =	shalt  }
0x4a: {  	_ =	shalt  }
0x4b: {  	_ =	shalt  }
0x4c: {  	_ =	shalt  }
0x4d: {  	_ =	shalt  }
0x4e: {  	_ =	shalt  }
0x4f: {  	_ =	shalt  }
0x50: {  	_ =	shalt  }
0x51: {  	_ =	shalt  }
0x52: {  	_ =	shalt  }
0x53: {  	_ =	shalt  }
0x54: {  	_ =	shalt  }
0x55: {  	_ =	shalt  }
0x56: {  	_ =	shalt  }
0x57: {  	_ =	shalt  }
0x58: {  	_ =	shalt  }
0x59: {  	_ =	shalt  }
0x5a: {  	_ =	shalt  }
0x5b: {  	_ =	shalt  }
0x5c: {  	_ =	shalt  }
0x5d: {  	_ =	shalt  }
0x5e: {  	_ =	shalt  }
0x5f: {  	_ =	shalt  }
0x60: {  	_ =	shalt  }
0x61: {  	_ =	shalt  }
0x62: {  	_ =	shalt  }
0x63: {  	_ =	shalt  }
0x64: {  	_ =	shalt  }
0x65: {  	_ =	shalt  }
0x66: {  	_ =	shalt  }
0x67: {  	_ =	shalt  }
0x68: {  	_ =	shalt  }
0x69: {  	_ =	shalt  }
0x6a: {  	_ =	shalt  }
0x6b: {  	_ =	shalt  }
0x6c: {  	_ =	shalt  }
0x6d: {  	_ =	shalt  }
0x6e: {  	_ =	shalt  }
0x6f: {  	_ =	shalt  }
0x70: {  	_ =	shalt  }
0x71: {  	_ =	shalt  }
0x72: {  	_ =	shalt  }
0x73: {  	_ =	shalt  }
0x74: {  	_ =	shalt  }
0x75: {  	_ =	shalt  }
0x76: {  	_ =	shalt  }
0x77: {  	_ =	shalt  }
0x78: {  	_ =	shalt  }
0x79: {  	_ =	shalt  }
0x7a: {  	_ =	shalt  }
0x7b: {  	_ =	shalt  }
0x7c: {  	_ =	shalt  }
0x7d: {  	_ =	shalt  }
0x7e: {  	_ =	shalt  }
0x7f: {  	_ =	shalt  }
0x80: {  	_ =	shalt  }
0x81: {  	_ =	shalt  }
0x82: {  	_ =	shalt  }
0x83: {  	_ =	shalt  }
0x84: {  	_ =	shalt  }
0x85: {  	_ =	shalt  }
0x86: {  	_ =	shalt  }
0x87: {  	_ =	shalt  }
.Lfunc_end0:
.L_simem_size_0:
called_computation_lowered:
.L_overlay_start_0:
0x88: {  	s2 =	sld [smem:$0x3FD9]  }
0x89: {  	s3 =	sld [smem:$0x3FFE];
	_ =	sdelay $0x1  }
0x8a: {  	s1 =	srdreg.scid  }
0x8b: {  	s0 =	sand.u32 $0x1, s1  }
0x8c: {  	s18 =	sshll.u32 s0, $0xA;
	s2 =	sadd.s32 s3, s2  }
0x8d: {  	s2 =	sadd.s32 s2, s18  }
0x8e: {  	[smem:$0x3FC4] =	sst s2  }
0x8f: {  	_ = 	snop  }
0x90: {  	s2 =	sld [smem:$0x3FC9]  }
0x91: {  	s19 =	sld [smem:$0x3FC8]  }
0x92: {  	s4 =	sld [smem:$0x3FC7]  }
0x93: {  	s5 =	sld [smem:$0x3FC6]  }
0x94: {  	s6 =	sld [smem:$0x3FD0];
	(tm) =	ssettm $0x1  }
0x95: {  	s7 =	sld [smem:$0x3FFB];
	_ =	sdelay $0x3  }
0x96: {  	_ =	strace s7  }
0x97: {  	s7 =	sld [smem:$0x3FFC];
	_ =	sdelay $0x3  }
0x98: {  	_ =	strace s7  }
0x99: {  	s7 =	sld [smem:$0x3FFD];
	_ =	sdelay $0x3  }
0x9a: {  	_ =	strace s7  }
0x9b: {  	_ =	strace $0x8FFFFFFF  }
0x9c: {  	s20 =	sld [smem:$0x3FDB];
	_ =	sdelay $0x1  }
0x9d: {  	s8 =	simm.s32 $_scs_section_size  }
0x9e: {  	s9 =	simm.s32 $_size__tile_overlayer_lowered;
	s10 =	simm.s32 $_tile_overlayer_lowered  }
0x9f: {  	s23 =	simm.s32 $0x1BFF;
	s22 =	sshll.u32 s10, $0x1;
	s7 =	sadd.s32 s8, s20  }
0xa0: {  	s11 =	simm.s32 $0x0;
	s21 =	sshll.u32 s9, $0x1;
	s9 =	sadd.s32 s22, s7  }
0xa1: {  	[timem:s11], [sflag:s23] =	dma.local [hbm:s9], s21  }
0xa2: {  	_ =	swait.ge [sflag:s23], s21  }
0xa3: {  	s8 =	ssub.s32 $0x0, s21;
	[sflag:s23] =	ssyncset.done $0x0  }
0xa4: {  	[sflag:s23] =	ssyncadd.s32 s8;
	_ =	sdelay $0x1  }
0xa5: {  	s24 =	simm.s32 $0x1B8B  }
0xa6: {  	_ =	swait.ge [sflag:s24], $0x1  }
0xa7: {  	[sflag:s24] =	ssyncset.done $0x0  }
0xa8: {  	s25 =	simm.s32 $0x1B8E;
	[sflag:s24] =	ssyncadd.s32 $0xFFFFFFFF  }
0xa9: {  	s26 =	simm.s32 $execute0_lowered;
	[smem:$0x3FD2] =	sst s25  }
0xaa: {  	s8 =	sshll.u32 s26, $0x1;
	_ =	strace $0x80000046;
	[dreg:$0x1] =	wrdreg $0xFFFFFFFF  }
0xab: {  	s28 =	simm.s32 $_size_execute0_lowered;
	s7 =	sadd.s32 s7, s8;
	[dreg:$0x0] =	wrdreg $0x0  }
0xac: {  	s8 =	sshll.u32 s28, $0x1;
	[dreg:$0x2] =	wrdreg s7  }
0xad: {  	[dreg:$0x3] =	wrdreg s8  }
0xae: {  	[dreg:$0x4] =	wrdreg $0xC0  }
0xaf: {  	_ =	task [dreg:s11], $0x5FFFF  }
0xb0: {  	[dreg:$0x1] =	wrdreg $0xFFFFFFFF  }
0xb1: {  	[dreg:$0x0] =	wrdreg $0x60  }
0xb2: {  	[dreg:$0x2] =	wrdreg s2  }
0xb3: {  	[dreg:$0x3] =	wrdreg s19  }
0xb4: {  	[dreg:$0x4] =	wrdreg s4  }
0xb5: {  	[dreg:$0x5] =	wrdreg s5  }
0xb6: {  	[dreg:$0x6] =	wrdreg s6  }
0xb7: {  	[dreg:$0x7] =	wrdreg $0xA8000  }
0xb8: {  	[dreg:$0x8] =	wrdreg $0x9  }
0xb9: {  	_ =	task.clear_ibuf [dreg:s11], $0x9FFFF;
	_ =	strace $0x90000046  }
0xba: {  	s29 =	simm.s32 $0x9;
	_ =	strace $0x80000048  }
0xbb: {  	_ =	swait.ge [sflag:s29], $0x1  }
0xbc: {  	[sflag:s29] =	ssyncadd.s32 $0xFFFFFFFF  }
0xbd: {  	_ =	strace $0x90000048  }
0xbe: {  	_ =	sfence  }
0xbf: {  	s30 =	sld [smem:$0x0];
	_ =	sdelay $0x2  }
0xc0: {  	s31 =	sshll.u32 s1, $0xD;
	s1 =	sshrl.u32 s1, $0x2  }
0xc1: {  	s3 =	sand.u32 $0x4000, s31;
	s1 =	sadd.s32 s1, s30  }
0xc2: {  	s0 =	sor.u32 s3, s0;
	s1 =	sshll.u32 s1, $0x11  }
0xc3: {  	s0 =	sor.u32 s1, s0  }
0xc4: {  	s0 =	sadd.s32 $0x8F2B, s0  }
0xc5: {  	[sflag:s0] =	ssyncadd.remote.s32 $0x1  }
0xc6: {  	_ =	sfence.sel $0xFFFF  }
0xc7: {  	[dreg:$0x0] =	wrdreg $0xFFFFFFFF;
	(pc) =	sbr.abs _section_cstart, $3  }
0xc8: {  	[dreg:$0x1] =	wrdreg $0xFFFFFFFF  }
0xc9: {  	_ =	task.clear_ibuf [dreg:s11], $0x2FFFF;
	_ =	strace $0x9FFFFFFF  }
0xca: {  	(tm) =	ssettm $0x7FFFFFFF  }
0xcb: {  	_ =	shalt  }
tec
execute0_lowered:
.L_overlay_start_1:
0x0: {  	(tag) =	ssettag $0x1  }
0x1: {  	s0 =	rddreg [dreg:$0x0]  }
0x2: {  	s1 =	rddreg [dreg:$0x1]  }
0x3: {  	s4 =	rddreg [dreg:$0x2]  }
0x4: {  	s5 =	rddreg [dreg:$0x3]  }
0x5: {  	s6 =	rddreg [dreg:$0x4]  }
0x6: {  	s2 =	rddreg [dreg:$0x5];
	s14 =	stileid.u32  }
0x7: {  	s7 =	srdreg.scid;
	s3 =	simm.s32 $0x0;
	s9 =	smul.u32 $0x4F000, s14  }
0x8: {  	s28 =	simm.s32 $0xA580;
	s29 =	simm.s32 $0xA100;
	s11 =	smul.u32 $0x13C00, s14  }
0x9: {  	s30 =	simm.s32 $0xA500;
	s31 =	simm.s32 $0xA480;
	s25 =	smul.u32 $0x500, s14  }
0xa: {  	s7 =	sand.u32 $0x1, s7;
	[smem:$0x7FF] =	sst s3;
	s13 =	smul.u32 $0x2800, s14  }
0xb: {  	s15 =	sshll.u32 s14, $0x6;
	s14 =	simm.s32 $0x3;
	s8 =	ssub.s32 $0x2, s7  }
0xc: {  	_ =	strace $0x80000047;
	s16 =	smul.u32 $0x13C000, s7;
	s21 =	sor.u32 $0x1C03, s15  }
0xd: {  	s19 =	sshll.u32 s7, $0x7;
	s15 =	simm.s32 $0xA380;
	s7 =	simm.s32 $0xA200  }
0xe: {  	s10 =	sshrl.u32 s8, $0x1;
	s24 =	sshrl.u32 s9, $0x2;
	s26 =	sshrl.u32 s11, $0x3  }
0xf: {  	s17 =	sadd.s32 s1, s25;
	s18 =	sadd.s32 s4, s25;
	s20 =	sshrl.u32 s13, $0x3  }
0x10: {  	s9 =	simm.s32 $0xA000;
	s13 =	simm.s32 $0xA780;
	[dreg:$0x8] =	wrdreg s21  }
0x11: {  	s10 =	ssub.s32 s8, s10;
	s12 =	sadd.s32 s24, s2;
	[dreg:$0x9] =	wrdreg s17  }
0x12: {  	s5 =	sadd.s32 s5, s26;
	[dreg:$0xa] =	wrdreg s18;
	s22 =	sadd.s32 s11, s16  }
0x13: {  	s8 =	sadd.s32 s0, s19;
	s23 =	sadd.s32 $0x280, s20;
	s16 =	simm.s32 $0x2800  }
0x14: {  	s11 =	simm.s32 $0xA680;
	s17 =	simm.s32 $0x1;
	s18 =	simm.s32 $0x80  }
0x15: {  	s19 =	simm.s32 $0x2;
	s20 =	simm.s32 $0x0;
	[dreg:$0x7] =	wrdreg s5  }
0x16: {  	s24 =	sshrl.u32 s22, $0x3;
	s1 =	sadd.s32 s1, s23;
	s0 =	sadd.s32 s4, s23  }
0x17: {  	v0 =	vimm.s32 $0x7;
	s26 =	smax.u32 s10, $0x1;
	s22 =	sshrl.u32 s12, $0x3;
	s12 =	simm.s32 $0x6800  }
0x18: {  	v1 =	vimm.s32 $0x1;
	v2 =	vimm.s32 $0x0;
	v3 =	vlaneseq.u32;
	s23 =	simm.s32 $0x9E80;
	s4 =	simm.s32 $0xA180;
	[dreg:$0x10] =	wrdreg s20  }
.Ltmp0:
0x19: {  	vm0 =	vmmov $0x1;
	v4 =	vimm.s32 $0x2;
	v5 =	vimm.s32 $0x3;
	s10 =	simm.s32 $0xA600;
	[dreg:$0xb] =	wrdreg s1;
	(pc) =	sbr.rel .LBB2_1-.Ltmp0, $4  }
0x1a: {  	v6 =	vimm.s32 $0x4;
	v7 =	vimm.s32 $0x5;
	v8 =	vimm.s32 $0x6;
	s5 =	simm.s32 $0xA700;
	[dreg:$0xc] =	wrdreg s0;
	s25 =	sadd.s32 s6, s24  }
0x1b: {  	v9 =	vimm.s32 $0x8;
	v10 =	vimm.s32 $0x9;
	v11 =	vimm.s32 $0xA;
	[dreg:$0xe] =	wrdreg s26;
	s24 =	simm.s32 $0x9F00;
	s26 =	simm.s32 $0xA080  }
0x1c: {  	v12 =	vimm.s32 $0xB;
	v13 =	vimm.s32 $0xC;
	v14 =	vimm.s32 $0xD;
	s0 =	simm.s32 $0xA400;
	s1 =	simm.s32 $0xA300;
	[dreg:$0xf] =	wrdreg s22  }
0x1d: {  	v15 =	vimm.s32 $0xE;
	v16 =	vimm.s32 $0xF;
	v3 =	vmul.u32 $0x8, v3;
	s6 =	simm.s32 $0xA280;
	[dreg:$0xd] =	wrdreg s25;
	s25 =	simm.s32 $0x9F80  }
.LBB2_9:
0x1e: {  	[bflag:$0x0] =	sbarrier.arrive $0xFFFF  }
0x1f: {  	s21 =	rddreg [dreg:$0x8]  }
0x20: {  	s20 =	rddreg [dreg:$0xd]  }
0x21: {  	s22 =	rddreg [dreg:$0xf]  }
0x22: {  	[hbm:s20], [sflag:s21] =	dma.local [spmem:s22], $0x2780  }
0x23: {  	_ =	swait.ge [sflag:s14], $0x2780  }
0x24: {  	s23 =	rddreg [dreg:$0x10]  }
0x25: {  	s20 =	rddreg [dreg:$0xe];
	s23 =	sadd.s32 $0x1, s23  }
0x26: {  	p0 =	sne.s32 s23, s20  }
.Ltmp1:
0x27: {  	_ = 	snop;
	(pc) =	sbr.rel @!p0 .LBB2_10-.Ltmp1, $3  }
0x28: {  	_ =	sdelay $0x1  }
0x29: {  	[sflag:s14] =	ssyncset.done $0x0  }
0x2a: {  	[sflag:s14] =	ssyncadd.s32 $0xFFFFD880;
	[dreg:$0x10] =	wrdreg s23;
	s23 =	simm.s32 $0x9E80  }
.LBB2_1:
0x2b: {  	s20 =	rddreg [dreg:$0x7]  }
0x2c: {  	[spmem:s22], [sflag:s21] =	dma.local [hbm:s20], $0x2780  }
0x2d: {  	_ =	swait.ge [sflag:s14], $0x2780  }
0x2e: {  	[sflag:s14] =	ssyncset.done $0x0  }
0x2f: {  	[sflag:s14] =	ssyncadd.s32 $0xFFFFD880  }
0x30: {  	[bflag:$0x0] =	sbarrier.arrive $0xFFFF  }
0x31: {  	s22 =	rddreg [dreg:$0x9]  }
0x32: {  	[tilespmem:s3], [sflag:$0x3] =	stream.linear.gather [hbm4b:s22+s3], $0x1400, $0x38;
	[tilespmem:$0x1E400] =	vst v63  }
0x33: {  	_ =	swait.ge [sflag:s14], $0x1400  }
0x34: {  	[sflag:s14] =	ssyncset.done $0x0  }
0x35: {  	s22 =	simm.s32 $0x1400;
	s21 =	rddreg [dreg:$0xa];
	[sflag:s14] =	ssyncadd.s32 $0xFFFFEC00  }
0x36: {  	[tilespmem:s22], [sflag:$0x3] =	stream.linear.gather [hbm4b:s21+s3], $0x1400, $0x38;
	[tilespmem:$0x1E400] =	vst v63  }
0x37: {  	_ =	swait.ge [sflag:s14], $0x1400  }
0x38: {  	[sflag:s14] =	ssyncset.done $0x0  }
0x39: {  	[sflag:s14] =	ssyncadd.s32 $0xFFFFEC00  }
0x3a: {  	v17 =	vld [tilespmem:$0x0];
	_ =	sdelay $0x4  }
0x3b: {  	v18 =	vshll.u32 v17, $0x1  }
0x3c: {  	v17 =	vand.u32 $0x7, v17;
	v18 =	vand.u32 $0xFFFFFFF0, v18  }
0x3d: {  	v17 =	vor.u32 v17, v18  }
0x3e: {  	v18 =	vperm.xlane v17, v2;
	_ =	sdelay $0x1  }
0x3f: {  	v19 =	vperm.xlane v17, v1;
	v18 =	vadd.s32 v3, v18;
	_ =	sdelay $0x1  }
0x40: {  	v20 =	vperm.xlane v17, v4;
	v19 =	vadd.s32 v3, v19;
	_ =	sdelay $0x1  }
0x41: {  	v21 =	vperm.xlane v17, v5;
	v20 =	vadd.s32 v3, v20  }
0x42: {  	[tilespmem:s16], [sflag:$0x1] =	stream.indirect_vreg.gather [hbm4b:s8+s3], $0x80, v18, vm0, $0xb8;
	[tilespmem:$0x1E400] =	vst v63  }
0x43: {  	s22 =	simm.s32 $0x2880;
	v50 =	vperm.xlane v17, v6;
	v18 =	vadd.s32 v3, v21  }
0x44: {  	[tilespmem:s22], [sflag:$0x1] =	stream.indirect_vreg.gather [hbm4b:s8+s3], $0x80, v19, vm0, $0xb8;
	[tilespmem:$0x1E400] =	vst v63  }
0x45: {  	s21 =	simm.s32 $0x2900;
	v51 =	vperm.xlane v17, v7;
	v19 =	vadd.s32 v3, v50  }
0x46: {  	[tilespmem:s21], [sflag:$0x1] =	stream.indirect_vreg.gather [hbm4b:s8+s3], $0x80, v20, vm0, $0xb8;
	[tilespmem:$0x1E400] =	vst v63  }
0x47: {  	v53 =	vperm.xlane v17, v8;
	v52 =	vadd.s32 v3, v51;
	s22 =	simm.s32 $0x2980  }
0x48: {  	[tilespmem:s22], [sflag:$0x1] =	stream.indirect_vreg.gather [hbm4b:s8+s3], $0x80, v18, vm0, $0xb8;
	[tilespmem:$0x1E400] =	vst v63  }
0x49: {  	v54 =	vperm.xlane v17, v0;
	s21 =	simm.s32 $0x2A00;
	v18 =	vadd.s32 v3, v53  }
0x4a: {  	[tilespmem:s21], [sflag:$0x1] =	stream.indirect_vreg.gather [hbm4b:s8+s3], $0x80, v19, vm0, $0xb8;
	[tilespmem:$0x1E400] =	vst v63  }
0x4b: {  	v55 =	vperm.xlane v17, v9;
	s22 =	simm.s32 $0x2A80;
	v19 =	vadd.s32 v3, v54  }
0x4c: {  	[tilespmem:s22], [sflag:$0x1] =	stream.indirect_vreg.gather [hbm4b:s8+s3], $0x80, v52, vm0, $0xb8;
	[tilespmem:$0x1E400] =	vst v63  }
0x4d: {  	v57 =	vperm.xlane v17, v10;
	v56 =	vadd.s32 v3, v55;
	s21 =	simm.s32 $0x2B00  }
0x4e: {  	[tilespmem:s21], [sflag:$0x1] =	stream.indirect_vreg.gather [hbm4b:s8+s3], $0x80, v18, vm0, $0xb8;
	[tilespmem:$0x1E400] =	vst v63  }
0x4f: {  	v58 =	vperm.xlane v17, v11;
	s22 =	simm.s32 $0x2B80;
	v18 =	vadd.s32 v3, v57  }
0x50: {  	[tilespmem:s22], [sflag:$0x1] =	stream.indirect_vreg.gather [hbm4b:s8+s3], $0x80, v19, vm0, $0xb8;
	[tilespmem:$0x1E400] =	vst v63  }
0x51: {  	v59 =	vperm.xlane v17, v12;
	s21 =	simm.s32 $0x2C00;
	v19 =	vadd.s32 v3, v58  }
0x52: {  	[tilespmem:s21], [sflag:$0x1] =	stream.indirect_vreg.gather [hbm4b:s8+s3], $0x80, v56, vm0, $0xb8;
	[tilespmem:$0x1E400] =	vst v63  }
0x53: {  	v61 =	vperm.xlane v17, v13;
	v60 =	vadd.s32 v3, v59;
	s22 =	simm.s32 $0x2C80  }
0x54: {  	[tilespmem:s22], [sflag:$0x1] =	stream.indirect_vreg.gather [hbm4b:s8+s3], $0x80, v18, vm0, $0xb8;
	[tilespmem:$0x1E400] =	vst v63  }
0x55: {  	v62 =	vperm.xlane v17, v14;
	s21 =	simm.s32 $0x2D00;
	v18 =	vadd.s32 v3, v61  }
0x56: {  	[tilespmem:s21], [sflag:$0x1] =	stream.indirect_vreg.gather [hbm4b:s8+s3], $0x80, v19, vm0, $0xb8;
	[tilespmem:$0x1E400] =	vst v63  }
0x57: {  	v63 =	vperm.xlane v17, v15;
	s22 =	simm.s32 $0x2D80;
	v19 =	vadd.s32 v3, v62  }
0x58: {  	[tilespmem:s22], [sflag:$0x1] =	stream.indirect_vreg.gather [hbm4b:s8+s3], $0x80, v60, vm0, $0xb8;
	[tilespmem:$0x1E400] =	vst v63  }
0x59: {  	v17 =	vperm.xlane v17, v16;
	v24 =	vadd.s32 v3, v63;
	s21 =	simm.s32 $0x2E00  }
0x5a: {  	[tilespmem:s21], [sflag:$0x1] =	stream.indirect_vreg.gather [hbm4b:s8+s3], $0x80, v18, vm0, $0xb8;
	[tilespmem:$0x1E400] =	vst v63  }
0x5b: {  	v17 =	vadd.s32 v3, v17;
	s22 =	simm.s32 $0x2E80  }
0x5c: {  	[tilespmem:s22], [sflag:$0x1] =	stream.indirect_vreg.gather [hbm4b:s8+s3], $0x80, v19, vm0, $0xb8;
	[tilespmem:$0x1E400] =	vst v63  }
0x5d: {  	s21 =	simm.s32 $0x2F00  }
0x5e: {  	[tilespmem:s21], [sflag:$0x1] =	stream.indirect_vreg.gather [hbm4b:s8+s3], $0x80, v24, vm0, $0xb8;
	[tilespmem:$0x1E400] =	vst v63  }
0x5f: {  	s22 =	simm.s32 $0x2F80  }
0x60: {  	[tilespmem:s22], [sflag:$0x1] =	stream.indirect_vreg.gather [hbm4b:s8+s3], $0x80, v17, vm0, $0xb8;
	[tilespmem:$0x1E400] =	vst v63  }
0x61: {  	v17 =	vld [tilespmem:$0x10];
	_ =	sdelay $0x4  }
0x62: {  	v18 =	vshll.u32 v17, $0x1  }
0x63: {  	v17 =	vand.u32 $0x7, v17;
	v18 =	vand.u32 $0xFFFFFFF0, v18  }
0x64: {  	v17 =	vor.u32 v17, v18  }
0x65: {  	v18 =	vperm.xlane v17, v2;
	_ =	sdelay $0x1  }
0x66: {  	v19 =	vperm.xlane v17, v1;
	v18 =	vadd.s32 v3, v18;
	_ =	sdelay $0x1  }
0x67: {  	v25 =	vperm.xlane v17, v4;
	v19 =	vadd.s32 v3, v19;
	_ =	sdelay $0x1  }
0x68: {  	s21 =	simm.s32 $0x3000;
	v26 =	vperm.xlane v17, v5;
	v20 =	vadd.s32 v3, v25  }
0x69: {  	[tilespmem:s21], [sflag:$0x1] =	stream.indirect_vreg.gather [hbm4b:s8+s3], $0x80, v18, vm0, $0xb8;
	[tilespmem:$0x1E400] =	vst v63  }
0x6a: {  	s22 =	simm.s32 $0x3080;
	v27 =	vperm.xlane v17, v6;
	v18 =	vadd.s32 v3, v26  }
0x6b: {  	[tilespmem:s22], [sflag:$0x1] =	stream.indirect_vreg.gather [hbm4b:s8+s3], $0x80, v19, vm0, $0xb8;
	[tilespmem:$0x1E400] =	vst v63  }
0x6c: {  	v28 =	vperm.xlane v17, v7;
	s21 =	simm.s32 $0x3100;
	v19 =	vadd.s32 v3, v27  }
0x6d: {  	[tilespmem:s21], [sflag:$0x1] =	stream.indirect_vreg.gather [hbm4b:s8+s3], $0x80, v20, vm0, $0xb8;
	[tilespmem:$0x1E400] =	vst v63  }
0x6e: {  	v30 =	vperm.xlane v17, v8;
	v29 =	vadd.s32 v3, v28;
	s22 =	simm.s32 $0x3180  }
0x6f: {  	[tilespmem:s22], [sflag:$0x1] =	stream.indirect_vreg.gather [hbm4b:s8+s3], $0x80, v18, vm0, $0xb8;
	[tilespmem:$0x1E400] =	vst v63  }
0x70: {  	v31 =	vperm.xlane v17, v0;
	s21 =	simm.s32 $0x3200;
	v18 =	vadd.s32 v3, v30  }
0x71: {  	[tilespmem:s21], [sflag:$0x1] =	stream.indirect_vreg.gather [hbm4b:s8+s3], $0x80, v19, vm0, $0xb8;
	[tilespmem:$0x1E400] =	vst v63  }
0x72: {  	v32 =	vperm.xlane v17, v9;
	s22 =	simm.s32 $0x3280;
	v19 =	vadd.s32 v3, v31  }
0x73: {  	[tilespmem:s22], [sflag:$0x1] =	stream.indirect_vreg.gather [hbm4b:s8+s3], $0x80, v29, vm0, $0xb8;
	[tilespmem:$0x1E400] =	vst v63  }
0x74: {  	v34 =	vperm.xlane v17, v10;
	v33 =	vadd.s32 v3, v32;
	s21 =	simm.s32 $0x3300  }
0x75: {  	[tilespmem:s21], [sflag:$0x1] =	stream.indirect_vreg.gather [hbm4b:s8+s3], $0x80, v18, vm0, $0xb8;
	[tilespmem:$0x1E400] =	vst v63  }
0x76: {  	v35 =	vperm.xlane v17, v11;
	s22 =	simm.s32 $0x3380;
	v18 =	vadd.s32 v3, v34  }
0x77: {  	[tilespmem:s22], [sflag:$0x1] =	stream.indirect_vreg.gather [hbm4b:s8+s3], $0x80, v19, vm0, $0xb8;
	[tilespmem:$0x1E400] =	vst v63  }
0x78: {  	v36 =	vperm.xlane v17, v12;
	s21 =	simm.s32 $0x3400;
	v19 =	vadd.s32 v3, v35  }
0x79: {  	[tilespmem:s21], [sflag:$0x1] =	stream.indirect_vreg.gather [hbm4b:s8+s3], $0x80, v33, vm0, $0xb8;
	[tilespmem:$0x1E400] =	vst v63  }
0x7a: {  	v38 =	vperm.xlane v17, v13;
	v37 =	vadd.s32 v3, v36;
	s22 =	simm.s32 $0x3480  }
0x7b: {  	[tilespmem:s22], [sflag:$0x1] =	stream.indirect_vreg.gather [hbm4b:s8+s3], $0x80, v18, vm0, $0xb8;
	[tilespmem:$0x1E400] =	vst v63  }
0x7c: {  	v39 =	vperm.xlane v17, v14;
	s21 =	simm.s32 $0x3500;
	v18 =	vadd.s32 v3, v38  }
0x7d: {  	[tilespmem:s21], [sflag:$0x1] =	stream.indirect_vreg.gather [hbm4b:s8+s3], $0x80, v19, vm0, $0xb8;
	[tilespmem:$0x1E400] =	vst v63  }
0x7e: {  	v40 =	vperm.xlane v17, v15;
	s22 =	simm.s32 $0x3580;
	v19 =	vadd.s32 v3, v39  }
0x7f: {  	[tilespmem:s22], [sflag:$0x1] =	stream.indirect_vreg.gather [hbm4b:s8+s3], $0x80, v37, vm0, $0xb8;
	[tilespmem:$0x1E400] =	vst v63  }
0x80: {  	v17 =	vperm.xlane v17, v16;
	v41 =	vadd.s32 v3, v40;
	s21 =	simm.s32 $0x3600  }
0x81: {  	[tilespmem:s21], [sflag:$0x1] =	stream.indirect_vreg.gather [hbm4b:s8+s3], $0x80, v18, vm0, $0xb8;
	[tilespmem:$0x1E400] =	vst v63  }
0x82: {  	v17 =	vadd.s32 v3, v17;
	s22 =	simm.s32 $0x3680  }
0x83: {  	[tilespmem:s22], [sflag:$0x1] =	stream.indirect_vreg.gather [hbm4b:s8+s3], $0x80, v19, vm0, $0xb8;
	[tilespmem:$0x1E400] =	vst v63  }
0x84: {  	s21 =	simm.s32 $0x3700  }
0x85: {  	[tilespmem:s21], [sflag:$0x1] =	stream.indirect_vreg.gather [hbm4b:s8+s3], $0x80, v41, vm0, $0xb8;
	[tilespmem:$0x1E400] =	vst v63  }
0x86: {  	s22 =	simm.s32 $0x3780  }
0x87: {  	[tilespmem:s22], [sflag:$0x1] =	stream.indirect_vreg.gather [hbm4b:s8+s3], $0x80, v17, vm0, $0xb8;
	[tilespmem:$0x1E400] =	vst v63  }
0x88: {  	v17 =	vld [tilespmem:$0x20];
	_ =	sdelay $0x4  }
0x89: {  	v18 =	vshll.u32 v17, $0x1  }
0x8a: {  	v17 =	vand.u32 $0x7, v17;
	v18 =	vand.u32 $0xFFFFFFF0, v18  }
0x8b: {  	v17 =	vor.u32 v17, v18  }
0x8c: {  	v18 =	vperm.xlane v17, v2;
	_ =	sdelay $0x1  }
0x8d: {  	v19 =	vperm.xlane v17, v1;
	v18 =	vadd.s32 v3, v18;
	_ =	sdelay $0x1  }
0x8e: {  	v42 =	vperm.xlane v17, v4;
	v19 =	vadd.s32 v3, v19;
	_ =	sdelay $0x1  }
0x8f: {  	s21 =	simm.s32 $0x3800;
	v43 =	vperm.xlane v17, v5;
	v20 =	vadd.s32 v3, v42  }
0x90: {  	[tilespmem:s21], [sflag:$0x1] =	stream.indirect_vreg.gather [hbm4b:s8+s3], $0x80, v18, vm0, $0xb8;
	[tilespmem:$0x1E400] =	vst v63  }
0x91: {  	s22 =	simm.s32 $0x3880;
	v44 =	vperm.xlane v17, v6;
	v18 =	vadd.s32 v3, v43  }
0x92: {  	[tilespmem:s22], [sflag:$0x1] =	stream.indirect_vreg.gather [hbm4b:s8+s3], $0x80, v19, vm0, $0xb8;
	[tilespmem:$0x1E400] =	vst v63  }
0x93: {  	v45 =	vperm.xlane v17, v7;
	s21 =	simm.s32 $0x3900;
	v19 =	vadd.s32 v3, v44  }
0x94: {  	[tilespmem:s21], [sflag:$0x1] =	stream.indirect_vreg.gather [hbm4b:s8+s3], $0x80, v20, vm0, $0xb8;
	[tilespmem:$0x1E400] =	vst v63  }
0x95: {  	v47 =	vperm.xlane v17, v8;
	v46 =	vadd.s32 v3, v45;
	s22 =	simm.s32 $0x3980  }
0x96: {  	[tilespmem:s22], [sflag:$0x1] =	stream.indirect_vreg.gather [hbm4b:s8+s3], $0x80, v18, vm0, $0xb8;
	[tilespmem:$0x1E400] =	vst v63  }
0x97: {  	v48 =	vperm.xlane v17, v0;
	s21 =	simm.s32 $0x3A00;
	v18 =	vadd.s32 v3, v47  }
0x98: {  	[tilespmem:s21], [sflag:$0x1] =	stream.indirect_vreg.gather [hbm4b:s8+s3], $0x80, v19, vm0, $0xb8;
	[tilespmem:$0x1E400] =	vst v63  }
0x99: {  	v49 =	vperm.xlane v17, v9;
	s22 =	simm.s32 $0x3A80;
	v19 =	vadd.s32 v3, v48  }
0x9a: {  	[tilespmem:s22], [sflag:$0x1] =	stream.indirect_vreg.gather [hbm4b:s8+s3], $0x80, v46, vm0, $0xb8;
	[tilespmem:$0x1E400] =	vst v63  }
0x9b: {  	v51 =	vperm.xlane v17, v10;
	v50 =	vadd.s32 v3, v49;
	s21 =	simm.s32 $0x3B00  }
0x9c: {  	[tilespmem:s21], [sflag:$0x1] =	stream.indirect_vreg.gather [hbm4b:s8+s3], $0x80, v18, vm0, $0xb8;
	[tilespmem:$0x1E400] =	vst v63  }
0x9d: {  	v52 =	vperm.xlane v17, v11;
	s22 =	simm.s32 $0x3B80;
	v18 =	vadd.s32 v3, v51  }
0x9e: {  	[tilespmem:s22], [sflag:$0x1] =	stream.indirect_vreg.gather [hbm4b:s8+s3], $0x80, v19, vm0, $0xb8;
	[tilespmem:$0x1E400] =	vst v63  }
0x9f: {  	v53 =	vperm.xlane v17, v12;
	s21 =	simm.s32 $0x3C00;
	v19 =	vadd.s32 v3, v52  }
0xa0: {  	[tilespmem:s21], [sflag:$0x1] =	stream.indirect_vreg.gather [hbm4b:s8+s3], $0x80, v50, vm0, $0xb8;
	[tilespmem:$0x1E400] =	vst v63  }
0xa1: {  	v55 =	vperm.xlane v17, v13;
	v54 =	vadd.s32 v3, v53;
	s22 =	simm.s32 $0x3C80  }
0xa2: {  	[tilespmem:s22], [sflag:$0x1] =	stream.indirect_vreg.gather [hbm4b:s8+s3], $0x80, v18, vm0, $0xb8;
	[tilespmem:$0x1E400] =	vst v63  }
0xa3: {  	v56 =	vperm.xlane v17, v14;
	s21 =	simm.s32 $0x3D00;
	v18 =	vadd.s32 v3, v55  }
0xa4: {  	[tilespmem:s21], [sflag:$0x1] =	stream.indirect_vreg.gather [hbm4b:s8+s3], $0x80, v19, vm0, $0xb8;
	[tilespmem:$0x1E400] =	vst v63  }
0xa5: {  	v57 =	vperm.xlane v17, v15;
	s22 =	simm.s32 $0x3D80;
	v19 =	vadd.s32 v3, v56  }
0xa6: {  	[tilespmem:s22], [sflag:$0x1] =	stream.indirect_vreg.gather [hbm4b:s8+s3], $0x80, v54, vm0, $0xb8;
	[tilespmem:$0x1E400] =	vst v63  }
0xa7: {  	v17 =	vperm.xlane v17, v16;
	v58 =	vadd.s32 v3, v57;
	s21 =	simm.s32 $0x3E00  }
0xa8: {  	[tilespmem:s21], [sflag:$0x1] =	stream.indirect_vreg.gather [hbm4b:s8+s3], $0x80, v18, vm0, $0xb8;
	[tilespmem:$0x1E400] =	vst v63  }
0xa9: {  	v17 =	vadd.s32 v3, v17;
	s22 =	simm.s32 $0x3E80  }
0xaa: {  	[tilespmem:s22], [sflag:$0x1] =	stream.indirect_vreg.gather [hbm4b:s8+s3], $0x80, v19, vm0, $0xb8;
	[tilespmem:$0x1E400] =	vst v63  }
0xab: {  	s21 =	simm.s32 $0x3F00  }
0xac: {  	[tilespmem:s21], [sflag:$0x1] =	stream.indirect_vreg.gather [hbm4b:s8+s3], $0x80, v58, vm0, $0xb8;
	[tilespmem:$0x1E400] =	vst v63  }
0xad: {  	s22 =	simm.s32 $0x3F80  }
0xae: {  	[tilespmem:s22], [sflag:$0x1] =	stream.indirect_vreg.gather [hbm4b:s8+s3], $0x80, v17, vm0, $0xb8;
	[tilespmem:$0x1E400] =	vst v63  }
0xaf: {  	v17 =	vld [tilespmem:$0x30];
	_ =	sdelay $0x4  }
0xb0: {  	v18 =	vshll.u32 v17, $0x1  }
0xb1: {  	v17 =	vand.u32 $0x7, v17;
	v18 =	vand.u32 $0xFFFFFFF0, v18  }
0xb2: {  	v17 =	vor.u32 v17, v18  }
0xb3: {  	v18 =	vperm.xlane v17, v2;
	_ =	sdelay $0x1  }
0xb4: {  	v19 =	vperm.xlane v17, v1;
	v18 =	vadd.s32 v3, v18;
	_ =	sdelay $0x1  }
0xb5: {  	v59 =	vperm.xlane v17, v4;
	v19 =	vadd.s32 v3, v19;
	_ =	sdelay $0x1  }
0xb6: {  	s21 =	simm.s32 $0x4000;
	v60 =	vperm.xlane v17, v5;
	v20 =	vadd.s32 v3, v59  }
0xb7: {  	[tilespmem:s21], [sflag:$0x1] =	stream.indirect_vreg.gather [hbm4b:s8+s3], $0x80, v18, vm0, $0xb8;
	[tilespmem:$0x1E400] =	vst v63  }
0xb8: {  	s22 =	simm.s32 $0x4080;
	v61 =	vperm.xlane v17, v6;
	v18 =	vadd.s32 v3, v60  }
0xb9: {  	[tilespmem:s22], [sflag:$0x1] =	stream.indirect_vreg.gather [hbm4b:s8+s3], $0x80, v19, vm0, $0xb8;
	[tilespmem:$0x1E400] =	vst v63  }
0xba: {  	v62 =	vperm.xlane v17, v7;
	s21 =	simm.s32 $0x4100;
	v19 =	vadd.s32 v3, v61  }
0xbb: {  	[tilespmem:s21], [sflag:$0x1] =	stream.indirect_vreg.gather [hbm4b:s8+s3], $0x80, v20, vm0, $0xb8;
	[tilespmem:$0x1E400] =	vst v63  }
0xbc: {  	v24 =	vperm.xlane v17, v8;
	v63 =	vadd.s32 v3, v62;
	s22 =	simm.s32 $0x4180  }
0xbd: {  	[tilespmem:s22], [sflag:$0x1] =	stream.indirect_vreg.gather [hbm4b:s8+s3], $0x80, v18, vm0, $0xb8;
	[tilespmem:$0x1E400] =	vst v63  }
0xbe: {  	v25 =	vperm.xlane v17, v0;
	s21 =	simm.s32 $0x4200;
	v18 =	vadd.s32 v3, v24  }
0xbf: {  	[tilespmem:s21], [sflag:$0x1] =	stream.indirect_vreg.gather [hbm4b:s8+s3], $0x80, v19, vm0, $0xb8;
	[tilespmem:$0x1E400] =	vst v63  }
0xc0: {  	v26 =	vperm.xlane v17, v9;
	s22 =	simm.s32 $0x4280;
	v19 =	vadd.s32 v3, v25  }
0xc1: {  	[tilespmem:s22], [sflag:$0x1] =	stream.indirect_vreg.gather [hbm4b:s8+s3], $0x80, v63, vm0, $0xb8;
	[tilespmem:$0x1E400] =	vst v63  }
0xc2: {  	v28 =	vperm.xlane v17, v10;
	v27 =	vadd.s32 v3, v26;
	s21 =	simm.s32 $0x4300  }
0xc3: {  	[tilespmem:s21], [sflag:$0x1] =	stream.indirect_vreg.gather [hbm4b:s8+s3], $0x80, v18, vm0, $0xb8;
	[tilespmem:$0x1E400] =	vst v63  }
0xc4: {  	v29 =	vperm.xlane v17, v11;
	s22 =	simm.s32 $0x4380;
	v18 =	vadd.s32 v3, v28  }
0xc5: {  	[tilespmem:s22], [sflag:$0x1] =	stream.indirect_vreg.gather [hbm4b:s8+s3], $0x80, v19, vm0, $0xb8;
	[tilespmem:$0x1E400] =	vst v63  }
0xc6: {  	v30 =	vperm.xlane v17, v12;
	s21 =	simm.s32 $0x4400;
	v19 =	vadd.s32 v3, v29  }
0xc7: {  	[tilespmem:s21], [sflag:$0x1] =	stream.indirect_vreg.gather [hbm4b:s8+s3], $0x80, v27, vm0, $0xb8;
	[tilespmem:$0x1E400] =	vst v63  }
0xc8: {  	v32 =	vperm.xlane v17, v13;
	v31 =	vadd.s32 v3, v30;
	s22 =	simm.s32 $0x4480  }
0xc9: {  	[tilespmem:s22], [sflag:$0x1] =	stream.indirect_vreg.gather [hbm4b:s8+s3], $0x80, v18, vm0, $0xb8;
	[tilespmem:$0x1E400] =	vst v63  }
0xca: {  	v33 =	vperm.xlane v17, v14;
	s21 =	simm.s32 $0x4500;
	v18 =	vadd.s32 v3, v32  }
0xcb: {  	[tilespmem:s21], [sflag:$0x1] =	stream.indirect_vreg.gather [hbm4b:s8+s3], $0x80, v19, vm0, $0xb8;
	[tilespmem:$0x1E400] =	vst v63  }
0xcc: {  	v34 =	vperm.xlane v17, v15;
	s22 =	simm.s32 $0x4580;
	v19 =	vadd.s32 v3, v33  }
0xcd: {  	[tilespmem:s22], [sflag:$0x1] =	stream.indirect_vreg.gather [hbm4b:s8+s3], $0x80, v31, vm0, $0xb8;
	[tilespmem:$0x1E400] =	vst v63  }
0xce: {  	v17 =	vperm.xlane v17, v16;
	v35 =	vadd.s32 v3, v34;
	s21 =	simm.s32 $0x4600  }
0xcf: {  	[tilespmem:s21], [sflag:$0x1] =	stream.indirect_vreg.gather [hbm4b:s8+s3], $0x80, v18, vm0, $0xb8;
	[tilespmem:$0x1E400] =	vst v63  }
0xd0: {  	v17 =	vadd.s32 v3, v17;
	s22 =	simm.s32 $0x4680  }
0xd1: {  	[tilespmem:s22], [sflag:$0x1] =	stream.indirect_vreg.gather [hbm4b:s8+s3], $0x80, v19, vm0, $0xb8;
	[tilespmem:$0x1E400] =	vst v63  }
0xd2: {  	s21 =	simm.s32 $0x4700  }
0xd3: {  	[tilespmem:s21], [sflag:$0x1] =	stream.indirect_vreg.gather [hbm4b:s8+s3], $0x80, v35, vm0, $0xb8;
	[tilespmem:$0x1E400] =	vst v63  }
0xd4: {  	s22 =	simm.s32 $0x4780  }
0xd5: {  	[tilespmem:s22], [sflag:$0x1] =	stream.indirect_vreg.gather [hbm4b:s8+s3], $0x80, v17, vm0, $0xb8;
	[tilespmem:$0x1E400] =	vst v63  }
0xd6: {  	v17 =	vld [tilespmem:$0x40];
	_ =	sdelay $0x4  }
0xd7: {  	v18 =	vshll.u32 v17, $0x1  }
0xd8: {  	v17 =	vand.u32 $0x7, v17;
	v18 =	vand.u32 $0xFFFFFFF0, v18  }
0xd9: {  	v17 =	vor.u32 v17, v18  }
0xda: {  	v18 =	vperm.xlane v17, v2;
	_ =	sdelay $0x1  }
0xdb: {  	v19 =	vperm.xlane v17, v1;
	v18 =	vadd.s32 v3, v18;
	_ =	sdelay $0x1  }
0xdc: {  	v36 =	vperm.xlane v17, v4;
	v19 =	vadd.s32 v3, v19;
	_ =	sdelay $0x1  }
0xdd: {  	s21 =	simm.s32 $0x4800;
	v37 =	vperm.xlane v17, v5;
	v20 =	vadd.s32 v3, v36  }
0xde: {  	[tilespmem:s21], [sflag:$0x1] =	stream.indirect_vreg.gather [hbm4b:s8+s3], $0x80, v18, vm0, $0xb8;
	[tilespmem:$0x1E400] =	vst v63  }
0xdf: {  	s22 =	simm.s32 $0x4880;
	v38 =	vperm.xlane v17, v6;
	v18 =	vadd.s32 v3, v37  }
0xe0: {  	[tilespmem:s22], [sflag:$0x1] =	stream.indirect_vreg.gather [hbm4b:s8+s3], $0x80, v19, vm0, $0xb8;
	[tilespmem:$0x1E400] =	vst v63  }
0xe1: {  	v39 =	vperm.xlane v17, v7;
	s21 =	simm.s32 $0x4900;
	v19 =	vadd.s32 v3, v38  }
0xe2: {  	[tilespmem:s21], [sflag:$0x1] =	stream.indirect_vreg.gather [hbm4b:s8+s3], $0x80, v20, vm0, $0xb8;
	[tilespmem:$0x1E400] =	vst v63  }
0xe3: {  	v41 =	vperm.xlane v17, v8;
	v40 =	vadd.s32 v3, v39;
	s22 =	simm.s32 $0x4980  }
0xe4: {  	[tilespmem:s22], [sflag:$0x1] =	stream.indirect_vreg.gather [hbm4b:s8+s3], $0x80, v18, vm0, $0xb8;
	[tilespmem:$0x1E400] =	vst v63  }
0xe5: {  	v42 =	vperm.xlane v17, v0;
	s21 =	simm.s32 $0x4A00;
	v18 =	vadd.s32 v3, v41  }
0xe6: {  	[tilespmem:s21], [sflag:$0x1] =	stream.indirect_vreg.gather [hbm4b:s8+s3], $0x80, v19, vm0, $0xb8;
	[tilespmem:$0x1E400] =	vst v63  }
0xe7: {  	v43 =	vperm.xlane v17, v9;
	s22 =	simm.s32 $0x4A80;
	v19 =	vadd.s32 v3, v42  }
0xe8: {  	[tilespmem:s22], [sflag:$0x1] =	stream.indirect_vreg.gather [hbm4b:s8+s3], $0x80, v40, vm0, $0xb8;
	[tilespmem:$0x1E400] =	vst v63  }
0xe9: {  	v45 =	vperm.xlane v17, v10;
	v44 =	vadd.s32 v3, v43;
	s21 =	simm.s32 $0x4B00  }
0xea: {  	[tilespmem:s21], [sflag:$0x1] =	stream.indirect_vreg.gather [hbm4b:s8+s3], $0x80, v18, vm0, $0xb8;
	[tilespmem:$0x1E400] =	vst v63  }
0xeb: {  	v46 =	vperm.xlane v17, v11;
	s22 =	simm.s32 $0x4B80;
	v18 =	vadd.s32 v3, v45  }
0xec: {  	[tilespmem:s22], [sflag:$0x1] =	stream.indirect_vreg.gather [hbm4b:s8+s3], $0x80, v19, vm0, $0xb8;
	[tilespmem:$0x1E400] =	vst v63  }
0xed: {  	v47 =	vperm.xlane v17, v12;
	s21 =	simm.s32 $0x4C00;
	v19 =	vadd.s32 v3, v46  }
0xee: {  	[tilespmem:s21], [sflag:$0x1] =	stream.indirect_vreg.gather [hbm4b:s8+s3], $0x80, v44, vm0, $0xb8;
	[tilespmem:$0x1E400] =	vst v63  }
0xef: {  	v49 =	vperm.xlane v17, v13;
	v48 =	vadd.s32 v3, v47;
	s22 =	simm.s32 $0x4C80  }
0xf0: {  	[tilespmem:s22], [sflag:$0x1] =	stream.indirect_vreg.gather [hbm4b:s8+s3], $0x80, v18, vm0, $0xb8;
	[tilespmem:$0x1E400] =	vst v63  }
0xf1: {  	v50 =	vperm.xlane v17, v14;
	s21 =	simm.s32 $0x4D00;
	v18 =	vadd.s32 v3, v49  }
0xf2: {  	[tilespmem:s21], [sflag:$0x1] =	stream.indirect_vreg.gather [hbm4b:s8+s3], $0x80, v19, vm0, $0xb8;
	[tilespmem:$0x1E400] =	vst v63  }
0xf3: {  	v51 =	vperm.xlane v17, v15;
	s22 =	simm.s32 $0x4D80;
	v19 =	vadd.s32 v3, v50  }
0xf4: {  	[tilespmem:s22], [sflag:$0x1] =	stream.indirect_vreg.gather [hbm4b:s8+s3], $0x80, v48, vm0, $0xb8;
	[tilespmem:$0x1E400] =	vst v63  }
0xf5: {  	v17 =	vperm.xlane v17, v16;
	v52 =	vadd.s32 v3, v51;
	s21 =	simm.s32 $0x4E00  }
0xf6: {  	[tilespmem:s21], [sflag:$0x1] =	stream.indirect_vreg.gather [hbm4b:s8+s3], $0x80, v18, vm0, $0xb8;
	[tilespmem:$0x1E400] =	vst v63  }
0xf7: {  	v17 =	vadd.s32 v3, v17;
	s22 =	simm.s32 $0x4E80  }
0xf8: {  	[tilespmem:s22], [sflag:$0x1] =	stream.indirect_vreg.gather [hbm4b:s8+s3], $0x80, v19, vm0, $0xb8;
	[tilespmem:$0x1E400] =	vst v63  }
0xf9: {  	s21 =	simm.s32 $0x4F00  }
0xfa: {  	[tilespmem:s21], [sflag:$0x1] =	stream.indirect_vreg.gather [hbm4b:s8+s3], $0x80, v52, vm0, $0xb8;
	[tilespmem:$0x1E400] =	vst v63  }
0xfb: {  	s22 =	simm.s32 $0x4F80  }
0xfc: {  	[tilespmem:s22], [sflag:$0x1] =	stream.indirect_vreg.gather [hbm4b:s8+s3], $0x80, v17, vm0, $0xb8;
	[tilespmem:$0x1E400] =	vst v63  }
0xfd: {  	v17 =	vld [tilespmem:$0x50];
	_ =	sdelay $0x4  }
0xfe: {  	v18 =	vshll.u32 v17, $0x1  }
0xff: {  	v17 =	vand.u32 $0x7, v17;
	v18 =	vand.u32 $0xFFFFFFF0, v18  }
0x100: {  	v17 =	vor.u32 v17, v18  }
0x101: {  	v18 =	vperm.xlane v17, v2;
	_ =	sdelay $0x1  }
0x102: {  	v19 =	vperm.xlane v17, v1;
	v18 =	vadd.s32 v3, v18;
	_ =	sdelay $0x1  }
0x103: {  	v53 =	vperm.xlane v17, v4;
	v19 =	vadd.s32 v3, v19;
	_ =	sdelay $0x1  }
0x104: {  	s21 =	simm.s32 $0x5000;
	v54 =	vperm.xlane v17, v5;
	v20 =	vadd.s32 v3, v53  }
0x105: {  	[tilespmem:s21], [sflag:$0x1] =	stream.indirect_vreg.gather [hbm4b:s8+s3], $0x80, v18, vm0, $0xb8;
	[tilespmem:$0x1E400] =	vst v63  }
0x106: {  	s22 =	simm.s32 $0x5080;
	v55 =	vperm.xlane v17, v6;
	v18 =	vadd.s32 v3, v54  }
0x107: {  	[tilespmem:s22], [sflag:$0x1] =	stream.indirect_vreg.gather [hbm4b:s8+s3], $0x80, v19, vm0, $0xb8;
	[tilespmem:$0x1E400] =	vst v63  }
0x108: {  	v56 =	vperm.xlane v17, v7;
	s21 =	simm.s32 $0x5100;
	v19 =	vadd.s32 v3, v55  }
0x109: {  	[tilespmem:s21], [sflag:$0x1] =	stream.indirect_vreg.gather [hbm4b:s8+s3], $0x80, v20, vm0, $0xb8;
	[tilespmem:$0x1E400] =	vst v63  }
0x10a: {  	v58 =	vperm.xlane v17, v8;
	v57 =	vadd.s32 v3, v56;
	s22 =	simm.s32 $0x5180  }
0x10b: {  	[tilespmem:s22], [sflag:$0x1] =	stream.indirect_vreg.gather [hbm4b:s8+s3], $0x80, v18, vm0, $0xb8;
	[tilespmem:$0x1E400] =	vst v63  }
0x10c: {  	v59 =	vperm.xlane v17, v0;
	s21 =	simm.s32 $0x5200;
	v18 =	vadd.s32 v3, v58  }
0x10d: {  	[tilespmem:s21], [sflag:$0x1] =	stream.indirect_vreg.gather [hbm4b:s8+s3], $0x80, v19, vm0, $0xb8;
	[tilespmem:$0x1E400] =	vst v63  }
0x10e: {  	v60 =	vperm.xlane v17, v9;
	s22 =	simm.s32 $0x5280;
	v19 =	vadd.s32 v3, v59  }
0x10f: {  	[tilespmem:s22], [sflag:$0x1] =	stream.indirect_vreg.gather [hbm4b:s8+s3], $0x80, v57, vm0, $0xb8;
	[tilespmem:$0x1E400] =	vst v63  }
0x110: {  	v62 =	vperm.xlane v17, v10;
	v61 =	vadd.s32 v3, v60;
	s21 =	simm.s32 $0x5300  }
0x111: {  	[tilespmem:s21], [sflag:$0x1] =	stream.indirect_vreg.gather [hbm4b:s8+s3], $0x80, v18, vm0, $0xb8;
	[tilespmem:$0x1E400] =	vst v63  }
0x112: {  	v63 =	vperm.xlane v17, v11;
	s22 =	simm.s32 $0x5380;
	v18 =	vadd.s32 v3, v62  }
0x113: {  	[tilespmem:s22], [sflag:$0x1] =	stream.indirect_vreg.gather [hbm4b:s8+s3], $0x80, v19, vm0, $0xb8;
	[tilespmem:$0x1E400] =	vst v63  }
0x114: {  	v24 =	vperm.xlane v17, v12;
	s21 =	simm.s32 $0x5400;
	v19 =	vadd.s32 v3, v63  }
0x115: {  	[tilespmem:s21], [sflag:$0x1] =	stream.indirect_vreg.gather [hbm4b:s8+s3], $0x80, v61, vm0, $0xb8;
	[tilespmem:$0x1E400] =	vst v63  }
0x116: {  	v26 =	vperm.xlane v17, v13;
	v25 =	vadd.s32 v3, v24;
	s22 =	simm.s32 $0x5480  }
0x117: {  	[tilespmem:s22], [sflag:$0x1] =	stream.indirect_vreg.gather [hbm4b:s8+s3], $0x80, v18, vm0, $0xb8;
	[tilespmem:$0x1E400] =	vst v63  }
0x118: {  	v27 =	vperm.xlane v17, v14;
	s21 =	simm.s32 $0x5500;
	v18 =	vadd.s32 v3, v26  }
0x119: {  	[tilespmem:s21], [sflag:$0x1] =	stream.indirect_vreg.gather [hbm4b:s8+s3], $0x80, v19, vm0, $0xb8;
	[tilespmem:$0x1E400] =	vst v63  }
0x11a: {  	v28 =	vperm.xlane v17, v15;
	s22 =	simm.s32 $0x5580;
	v19 =	vadd.s32 v3, v27  }
0x11b: {  	[tilespmem:s22], [sflag:$0x1] =	stream.indirect_vreg.gather [hbm4b:s8+s3], $0x80, v25, vm0, $0xb8;
	[tilespmem:$0x1E400] =	vst v63  }
0x11c: {  	v17 =	vperm.xlane v17, v16;
	v29 =	vadd.s32 v3, v28;
	s21 =	simm.s32 $0x5600  }
0x11d: {  	[tilespmem:s21], [sflag:$0x1] =	stream.indirect_vreg.gather [hbm4b:s8+s3], $0x80, v18, vm0, $0xb8;
	[tilespmem:$0x1E400] =	vst v63  }
0x11e: {  	v17 =	vadd.s32 v3, v17;
	s22 =	simm.s32 $0x5680  }
0x11f: {  	[tilespmem:s22], [sflag:$0x1] =	stream.indirect_vreg.gather [hbm4b:s8+s3], $0x80, v19, vm0, $0xb8;
	[tilespmem:$0x1E400] =	vst v63  }
0x120: {  	s21 =	simm.s32 $0x5700  }
0x121: {  	[tilespmem:s21], [sflag:$0x1] =	stream.indirect_vreg.gather [hbm4b:s8+s3], $0x80, v29, vm0, $0xb8;
	[tilespmem:$0x1E400] =	vst v63  }
0x122: {  	s22 =	simm.s32 $0x5780  }
0x123: {  	[tilespmem:s22], [sflag:$0x1] =	stream.indirect_vreg.gather [hbm4b:s8+s3], $0x80, v17, vm0, $0xb8;
	[tilespmem:$0x1E400] =	vst v63  }
0x124: {  	v17 =	vld [tilespmem:$0x60];
	_ =	sdelay $0x4  }
0x125: {  	v18 =	vshll.u32 v17, $0x1  }
0x126: {  	v17 =	vand.u32 $0x7, v17;
	v18 =	vand.u32 $0xFFFFFFF0, v18  }
0x127: {  	v17 =	vor.u32 v17, v18  }
0x128: {  	v18 =	vperm.xlane v17, v2;
	_ =	sdelay $0x1  }
0x129: {  	v19 =	vperm.xlane v17, v1;
	v18 =	vadd.s32 v3, v18;
	_ =	sdelay $0x1  }
0x12a: {  	v30 =	vperm.xlane v17, v4;
	v19 =	vadd.s32 v3, v19;
	_ =	sdelay $0x1  }
0x12b: {  	s21 =	simm.s32 $0x5800;
	v31 =	vperm.xlane v17, v5;
	v20 =	vadd.s32 v3, v30  }
0x12c: {  	[tilespmem:s21], [sflag:$0x1] =	stream.indirect_vreg.gather [hbm4b:s8+s3], $0x80, v18, vm0, $0xb8;
	[tilespmem:$0x1E400] =	vst v63  }
0x12d: {  	s22 =	simm.s32 $0x5880;
	v32 =	vperm.xlane v17, v6;
	v18 =	vadd.s32 v3, v31  }
0x12e: {  	[tilespmem:s22], [sflag:$0x1] =	stream.indirect_vreg.gather [hbm4b:s8+s3], $0x80, v19, vm0, $0xb8;
	[tilespmem:$0x1E400] =	vst v63  }
0x12f: {  	v33 =	vperm.xlane v17, v7;
	s21 =	simm.s32 $0x5900;
	v19 =	vadd.s32 v3, v32  }
0x130: {  	[tilespmem:s21], [sflag:$0x1] =	stream.indirect_vreg.gather [hbm4b:s8+s3], $0x80, v20, vm0, $0xb8;
	[tilespmem:$0x1E400] =	vst v63  }
0x131: {  	v35 =	vperm.xlane v17, v8;
	v34 =	vadd.s32 v3, v33;
	s22 =	simm.s32 $0x5980  }
0x132: {  	[tilespmem:s22], [sflag:$0x1] =	stream.indirect_vreg.gather [hbm4b:s8+s3], $0x80, v18, vm0, $0xb8;
	[tilespmem:$0x1E400] =	vst v63  }
0x133: {  	v36 =	vperm.xlane v17, v0;
	s21 =	simm.s32 $0x5A00;
	v18 =	vadd.s32 v3, v35  }
0x134: {  	[tilespmem:s21], [sflag:$0x1] =	stream.indirect_vreg.gather [hbm4b:s8+s3], $0x80, v19, vm0, $0xb8;
	[tilespmem:$0x1E400] =	vst v63  }
0x135: {  	v37 =	vperm.xlane v17, v9;
	s22 =	simm.s32 $0x5A80;
	v19 =	vadd.s32 v3, v36  }
0x136: {  	[tilespmem:s22], [sflag:$0x1] =	stream.indirect_vreg.gather [hbm4b:s8+s3], $0x80, v34, vm0, $0xb8;
	[tilespmem:$0x1E400] =	vst v63  }
0x137: {  	v39 =	vperm.xlane v17, v10;
	v38 =	vadd.s32 v3, v37;
	s21 =	simm.s32 $0x5B00  }
0x138: {  	[tilespmem:s21], [sflag:$0x1] =	stream.indirect_vreg.gather [hbm4b:s8+s3], $0x80, v18, vm0, $0xb8;
	[tilespmem:$0x1E400] =	vst v63  }
0x139: {  	v40 =	vperm.xlane v17, v11;
	s22 =	simm.s32 $0x5B80;
	v18 =	vadd.s32 v3, v39  }
0x13a: {  	[tilespmem:s22], [sflag:$0x1] =	stream.indirect_vreg.gather [hbm4b:s8+s3], $0x80, v19, vm0, $0xb8;
	[tilespmem:$0x1E400] =	vst v63  }
0x13b: {  	v41 =	vperm.xlane v17, v12;
	s21 =	simm.s32 $0x5C00;
	v19 =	vadd.s32 v3, v40  }
0x13c: {  	[tilespmem:s21], [sflag:$0x1] =	stream.indirect_vreg.gather [hbm4b:s8+s3], $0x80, v38, vm0, $0xb8;
	[tilespmem:$0x1E400] =	vst v63  }
0x13d: {  	v43 =	vperm.xlane v17, v13;
	v42 =	vadd.s32 v3, v41;
	s22 =	simm.s32 $0x5C80  }
0x13e: {  	[tilespmem:s22], [sflag:$0x1] =	stream.indirect_vreg.gather [hbm4b:s8+s3], $0x80, v18, vm0, $0xb8;
	[tilespmem:$0x1E400] =	vst v63  }
0x13f: {  	v44 =	vperm.xlane v17, v14;
	s21 =	simm.s32 $0x5D00;
	v18 =	vadd.s32 v3, v43  }
0x140: {  	[tilespmem:s21], [sflag:$0x1] =	stream.indirect_vreg.gather [hbm4b:s8+s3], $0x80, v19, vm0, $0xb8;
	[tilespmem:$0x1E400] =	vst v63  }
0x141: {  	v45 =	vperm.xlane v17, v15;
	s22 =	simm.s32 $0x5D80;
	v19 =	vadd.s32 v3, v44  }
0x142: {  	[tilespmem:s22], [sflag:$0x1] =	stream.indirect_vreg.gather [hbm4b:s8+s3], $0x80, v42, vm0, $0xb8;
	[tilespmem:$0x1E400] =	vst v63  }
0x143: {  	v17 =	vperm.xlane v17, v16;
	v46 =	vadd.s32 v3, v45;
	s21 =	simm.s32 $0x5E00  }
0x144: {  	[tilespmem:s21], [sflag:$0x1] =	stream.indirect_vreg.gather [hbm4b:s8+s3], $0x80, v18, vm0, $0xb8;
	[tilespmem:$0x1E400] =	vst v63  }
0x145: {  	v17 =	vadd.s32 v3, v17;
	s22 =	simm.s32 $0x5E80  }
0x146: {  	[tilespmem:s22], [sflag:$0x1] =	stream.indirect_vreg.gather [hbm4b:s8+s3], $0x80, v19, vm0, $0xb8;
	[tilespmem:$0x1E400] =	vst v63  }
0x147: {  	s21 =	simm.s32 $0x5F00  }
0x148: {  	[tilespmem:s21], [sflag:$0x1] =	stream.indirect_vreg.gather [hbm4b:s8+s3], $0x80, v46, vm0, $0xb8;
	[tilespmem:$0x1E400] =	vst v63  }
0x149: {  	s22 =	simm.s32 $0x5F80  }
0x14a: {  	[tilespmem:s22], [sflag:$0x1] =	stream.indirect_vreg.gather [hbm4b:s8+s3], $0x80, v17, vm0, $0xb8;
	[tilespmem:$0x1E400] =	vst v63  }
0x14b: {  	v17 =	vld [tilespmem:$0x70];
	_ =	sdelay $0x4  }
0x14c: {  	v18 =	vshll.u32 v17, $0x1  }
0x14d: {  	v17 =	vand.u32 $0x7, v17;
	v18 =	vand.u32 $0xFFFFFFF0, v18  }
0x14e: {  	v17 =	vor.u32 v17, v18  }
0x14f: {  	v18 =	vperm.xlane v17, v2;
	_ =	sdelay $0x1  }
0x150: {  	v19 =	vperm.xlane v17, v1;
	v18 =	vadd.s32 v3, v18;
	_ =	sdelay $0x1  }
0x151: {  	v47 =	vperm.xlane v17, v4;
	v19 =	vadd.s32 v3, v19;
	_ =	sdelay $0x1  }
0x152: {  	s21 =	simm.s32 $0x6000;
	v48 =	vperm.xlane v17, v5;
	v20 =	vadd.s32 v3, v47  }
0x153: {  	[tilespmem:s21], [sflag:$0x1] =	stream.indirect_vreg.gather [hbm4b:s8+s3], $0x80, v18, vm0, $0xb8;
	[tilespmem:$0x1E400] =	vst v63  }
0x154: {  	s22 =	simm.s32 $0x6080;
	v49 =	vperm.xlane v17, v6;
	v18 =	vadd.s32 v3, v48  }
0x155: {  	[tilespmem:s22], [sflag:$0x1] =	stream.indirect_vreg.gather [hbm4b:s8+s3], $0x80, v19, vm0, $0xb8;
	[tilespmem:$0x1E400] =	vst v63  }
0x156: {  	v50 =	vperm.xlane v17, v7;
	s21 =	simm.s32 $0x6100;
	v19 =	vadd.s32 v3, v49  }
0x157: {  	[tilespmem:s21], [sflag:$0x1] =	stream.indirect_vreg.gather [hbm4b:s8+s3], $0x80, v20, vm0, $0xb8;
	[tilespmem:$0x1E400] =	vst v63  }
0x158: {  	v52 =	vperm.xlane v17, v8;
	v51 =	vadd.s32 v3, v50;
	s22 =	simm.s32 $0x6180  }
0x159: {  	[tilespmem:s22], [sflag:$0x1] =	stream.indirect_vreg.gather [hbm4b:s8+s3], $0x80, v18, vm0, $0xb8;
	[tilespmem:$0x1E400] =	vst v63  }
0x15a: {  	v53 =	vperm.xlane v17, v0;
	s21 =	simm.s32 $0x6200;
	v18 =	vadd.s32 v3, v52  }
0x15b: {  	[tilespmem:s21], [sflag:$0x1] =	stream.indirect_vreg.gather [hbm4b:s8+s3], $0x80, v19, vm0, $0xb8;
	[tilespmem:$0x1E400] =	vst v63  }
0x15c: {  	v54 =	vperm.xlane v17, v9;
	s22 =	simm.s32 $0x6280;
	v19 =	vadd.s32 v3, v53  }
0x15d: {  	[tilespmem:s22], [sflag:$0x1] =	stream.indirect_vreg.gather [hbm4b:s8+s3], $0x80, v51, vm0, $0xb8;
	[tilespmem:$0x1E400] =	vst v63  }
0x15e: {  	v56 =	vperm.xlane v17, v10;
	v55 =	vadd.s32 v3, v54;
	s21 =	simm.s32 $0x6300  }
0x15f: {  	[tilespmem:s21], [sflag:$0x1] =	stream.indirect_vreg.gather [hbm4b:s8+s3], $0x80, v18, vm0, $0xb8;
	[tilespmem:$0x1E400] =	vst v63  }
0x160: {  	v57 =	vperm.xlane v17, v11;
	s22 =	simm.s32 $0x6380;
	v18 =	vadd.s32 v3, v56  }
0x161: {  	[tilespmem:s22], [sflag:$0x1] =	stream.indirect_vreg.gather [hbm4b:s8+s3], $0x80, v19, vm0, $0xb8;
	[tilespmem:$0x1E400] =	vst v63  }
0x162: {  	v58 =	vperm.xlane v17, v12;
	s21 =	simm.s32 $0x6400;
	v19 =	vadd.s32 v3, v57  }
0x163: {  	[tilespmem:s21], [sflag:$0x1] =	stream.indirect_vreg.gather [hbm4b:s8+s3], $0x80, v55, vm0, $0xb8;
	[tilespmem:$0x1E400] =	vst v63  }
0x164: {  	v60 =	vperm.xlane v17, v13;
	v59 =	vadd.s32 v3, v58;
	s22 =	simm.s32 $0x6480  }
0x165: {  	[tilespmem:s22], [sflag:$0x1] =	stream.indirect_vreg.gather [hbm4b:s8+s3], $0x80, v18, vm0, $0xb8;
	[tilespmem:$0x1E400] =	vst v63  }
0x166: {  	v61 =	vperm.xlane v17, v14;
	s21 =	simm.s32 $0x6500;
	v18 =	vadd.s32 v3, v60  }
0x167: {  	[tilespmem:s21], [sflag:$0x1] =	stream.indirect_vreg.gather [hbm4b:s8+s3], $0x80, v19, vm0, $0xb8;
	[tilespmem:$0x1E400] =	vst v63  }
0x168: {  	s22 =	simm.s32 $0x6580;
	v19 =	vadd.s32 v3, v61  }
0x169: {  	v62 =	vperm.xlane v17, v15;
	[tilespmem:s22], [sflag:$0x1] =	stream.indirect_vreg.gather [hbm4b:s8+s3], $0x80, v59, vm0, $0xb8;
	[tilespmem:$0x1E400] =	vst v63  }
0x16a: {  	s21 =	simm.s32 $0x6600  }
0x16b: {  	v17 =	vperm.xlane v17, v16;
	v63 =	vadd.s32 v3, v62;
	[tilespmem:s21], [sflag:$0x1] =	stream.indirect_vreg.gather [hbm4b:s8+s3], $0x80, v18, vm0, $0xb8;
	[tilespmem:$0x1E400] =	vst v63  }
0x16c: {  	s22 =	simm.s32 $0x6680  }
0x16d: {  	v17 =	vadd.s32 v3, v17;
	[tilespmem:s22], [sflag:$0x1] =	stream.indirect_vreg.gather [hbm4b:s8+s3], $0x80, v19, vm0, $0xb8;
	[tilespmem:$0x1E400] =	vst v63  }
.Ltmp2:
0x16e: {  	_ = 	snop;
	(pc) =	sbr.rel .LBB2_2-.Ltmp2, $4  }
0x16f: {  	s21 =	simm.s32 $0x6700  }
0x170: {  	[tilespmem:s21], [sflag:$0x1] =	stream.indirect_vreg.gather [hbm4b:s8+s3], $0x80, v63, vm0, $0xb8;
	[tilespmem:$0x1E400] =	vst v63  }
0x171: {  	s20 =	simm.s32 $0x0;
	s22 =	simm.s32 $0x6780  }
0x172: {  	[tilespmem:s22], [sflag:$0x1] =	stream.indirect_vreg.gather [hbm4b:s8+s3], $0x80, v17, vm0, $0xb8;
	[tilespmem:$0x1E400] =	vst v63  }
.LBB2_4:
0x173: {  	_ =	swait.ge [sflag:s19], $0x4000;
	s20 =	sadd.s32 $0x400, s20  }
0x174: {  	[sflag:s19] =	ssyncset.done $0x0;
	p0 =	sne.s32 s20, $0x5000  }
.Ltmp3:
0x175: {  	s21 =	sadd.s32 $0x1480, s21;
	[sflag:s19] =	ssyncadd.s32 $0xFFFFC000;
	(pc) =	sbr.rel @!p0 .LBB2_5-.Ltmp3, $4  }
0x176: {  	[spmem:s2] =	stream.indirect.scatter.add.f32 [tilespmem:s12], [sflag:$0x3], $0x80, s21, s18, $0xb8;
	[tilespmem:$0x1E400] =	vst v63  }
0x177: {  	_ =	swait.ge [sflag:s14], $0x4000  }
0x178: {  	[sflag:s14] =	ssyncset.done $0x0  }
0x179: {  	[sflag:s14] =	ssyncadd.s32 $0xFFFFC000  }
.LBB2_2:
0x17a: {  	s21 =	sshra.s32 s20, $0x2  }
0x17b: {  	v17 =	vld [tilespmem:s21+$0x80];
	_ =	sdelay $0x4  }
0x17c: {  	v18 =	vshll.u32 v17, $0x1  }
0x17d: {  	v17 =	vand.u32 $0x7, v17;
	v18 =	vand.u32 $0xFFFFFFF0, v18  }
0x17e: {  	v17 =	vor.u32 v17, v18  }
0x17f: {  	v18 =	vperm.xlane v17, v2;
	_ =	sdelay $0x1  }
0x180: {  	v19 =	vperm.xlane v17, v1;
	v18 =	vadd.s32 v3, v18;
	_ =	sdelay $0x1  }
0x181: {  	v20 =	vperm.xlane v17, v4;
	v19 =	vadd.s32 v3, v19;
	_ =	sdelay $0x1  }
0x182: {  	v21 =	vperm.xlane v17, v5;
	v20 =	vadd.s32 v3, v20  }
0x183: {  	[tilespmem:s12], [sflag:$0x2] =	stream.indirect_vreg.gather [hbm4b:s8+s3], $0x80, v18, vm0, $0xb8;
	[tilespmem:$0x1E400] =	vst v63  }
0x184: {  	s22 =	simm.s32 $0x6880;
	v50 =	vperm.xlane v17, v6;
	v18 =	vadd.s32 v3, v21  }
0x185: {  	[tilespmem:s22], [sflag:$0x2] =	stream.indirect_vreg.gather [hbm4b:s8+s3], $0x80, v19, vm0, $0xb8;
	[tilespmem:$0x1E400] =	vst v63  }
0x186: {  	v51 =	vperm.xlane v17, v7;
	v19 =	vadd.s32 v3, v50;
	s22 =	simm.s32 $0x6900  }
0x187: {  	[tilespmem:s22], [sflag:$0x2] =	stream.indirect_vreg.gather [hbm4b:s8+s3], $0x80, v20, vm0, $0xb8;
	[tilespmem:$0x1E400] =	vst v63  }
0x188: {  	v53 =	vperm.xlane v17, v8;
	v52 =	vadd.s32 v3, v51;
	s22 =	simm.s32 $0x6980  }
0x189: {  	[tilespmem:s22], [sflag:$0x2] =	stream.indirect_vreg.gather [hbm4b:s8+s3], $0x80, v18, vm0, $0xb8;
	[tilespmem:$0x1E400] =	vst v63  }
0x18a: {  	v54 =	vperm.xlane v17, v0;
	v18 =	vadd.s32 v3, v53;
	s22 =	simm.s32 $0x6A00  }
0x18b: {  	[tilespmem:s22], [sflag:$0x2] =	stream.indirect_vreg.gather [hbm4b:s8+s3], $0x80, v19, vm0, $0xb8;
	[tilespmem:$0x1E400] =	vst v63  }
0x18c: {  	v55 =	vperm.xlane v17, v9;
	v19 =	vadd.s32 v3, v54;
	s22 =	simm.s32 $0x6A80  }
0x18d: {  	[tilespmem:s22], [sflag:$0x2] =	stream.indirect_vreg.gather [hbm4b:s8+s3], $0x80, v52, vm0, $0xb8;
	[tilespmem:$0x1E400] =	vst v63  }
0x18e: {  	v57 =	vperm.xlane v17, v10;
	v56 =	vadd.s32 v3, v55;
	s22 =	simm.s32 $0x6B00  }
0x18f: {  	[tilespmem:s22], [sflag:$0x2] =	stream.indirect_vreg.gather [hbm4b:s8+s3], $0x80, v18, vm0, $0xb8;
	[tilespmem:$0x1E400] =	vst v63  }
0x190: {  	v58 =	vperm.xlane v17, v11;
	v18 =	vadd.s32 v3, v57;
	s22 =	simm.s32 $0x6B80  }
0x191: {  	[tilespmem:s22], [sflag:$0x2] =	stream.indirect_vreg.gather [hbm4b:s8+s3], $0x80, v19, vm0, $0xb8;
	[tilespmem:$0x1E400] =	vst v63  }
0x192: {  	v59 =	vperm.xlane v17, v12;
	v19 =	vadd.s32 v3, v58;
	s22 =	simm.s32 $0x6C00  }
0x193: {  	[tilespmem:s22], [sflag:$0x2] =	stream.indirect_vreg.gather [hbm4b:s8+s3], $0x80, v56, vm0, $0xb8;
	[tilespmem:$0x1E400] =	vst v63  }
0x194: {  	v61 =	vperm.xlane v17, v13;
	v60 =	vadd.s32 v3, v59;
	s22 =	simm.s32 $0x6C80  }
0x195: {  	[tilespmem:s22], [sflag:$0x2] =	stream.indirect_vreg.gather [hbm4b:s8+s3], $0x80, v18, vm0, $0xb8;
	[tilespmem:$0x1E400] =	vst v63  }
0x196: {  	v62 =	vperm.xlane v17, v14;
	v18 =	vadd.s32 v3, v61;
	s22 =	simm.s32 $0x6D00  }
0x197: {  	[tilespmem:s22], [sflag:$0x2] =	stream.indirect_vreg.gather [hbm4b:s8+s3], $0x80, v19, vm0, $0xb8;
	[tilespmem:$0x1E400] =	vst v63  }
0x198: {  	v63 =	vperm.xlane v17, v15;
	v19 =	vadd.s32 v3, v62;
	s22 =	simm.s32 $0x6D80  }
0x199: {  	[tilespmem:s22], [sflag:$0x2] =	stream.indirect_vreg.gather [hbm4b:s8+s3], $0x80, v60, vm0, $0xb8;
	[tilespmem:$0x1E400] =	vst v63  }
0x19a: {  	v17 =	vperm.xlane v17, v16;
	v24 =	vadd.s32 v3, v63;
	s22 =	simm.s32 $0x6E00  }
0x19b: {  	[tilespmem:s22], [sflag:$0x2] =	stream.indirect_vreg.gather [hbm4b:s8+s3], $0x80, v18, vm0, $0xb8;
	[tilespmem:$0x1E400] =	vst v63  }
0x19c: {  	v17 =	vadd.s32 v3, v17;
	s22 =	simm.s32 $0x6E80  }
0x19d: {  	[tilespmem:s22], [sflag:$0x2] =	stream.indirect_vreg.gather [hbm4b:s8+s3], $0x80, v19, vm0, $0xb8;
	[tilespmem:$0x1E400] =	vst v63  }
0x19e: {  	s22 =	simm.s32 $0x6F00  }
0x19f: {  	[tilespmem:s22], [sflag:$0x2] =	stream.indirect_vreg.gather [hbm4b:s8+s3], $0x80, v24, vm0, $0xb8;
	[tilespmem:$0x1E400] =	vst v63  }
0x1a0: {  	s22 =	simm.s32 $0x6F80  }
0x1a1: {  	[tilespmem:s22], [sflag:$0x2] =	stream.indirect_vreg.gather [hbm4b:s8+s3], $0x80, v17, vm0, $0xb8;
	[tilespmem:$0x1E400] =	vst v63  }
0x1a2: {  	v17 =	vld [tilespmem:s21+$0x90];
	_ =	sdelay $0x4  }
0x1a3: {  	v18 =	vshll.u32 v17, $0x1  }
0x1a4: {  	v17 =	vand.u32 $0x7, v17;
	v18 =	vand.u32 $0xFFFFFFF0, v18  }
0x1a5: {  	v17 =	vor.u32 v17, v18  }
0x1a6: {  	v18 =	vperm.xlane v17, v2;
	_ =	sdelay $0x1  }
0x1a7: {  	v19 =	vperm.xlane v17, v1;
	v18 =	vadd.s32 v3, v18;
	_ =	sdelay $0x1  }
0x1a8: {  	v25 =	vperm.xlane v17, v4;
	v19 =	vadd.s32 v3, v19;
	_ =	sdelay $0x1  }
0x1a9: {  	s22 =	simm.s32 $0x7000;
	v26 =	vperm.xlane v17, v5;
	v20 =	vadd.s32 v3, v25  }
0x1aa: {  	[tilespmem:s22], [sflag:$0x2] =	stream.indirect_vreg.gather [hbm4b:s8+s3], $0x80, v18, vm0, $0xb8;
	[tilespmem:$0x1E400] =	vst v63  }
0x1ab: {  	v27 =	vperm.xlane v17, v6;
	v18 =	vadd.s32 v3, v26;
	s22 =	simm.s32 $0x7080  }
0x1ac: {  	[tilespmem:s22], [sflag:$0x2] =	stream.indirect_vreg.gather [hbm4b:s8+s3], $0x80, v19, vm0, $0xb8;
	[tilespmem:$0x1E400] =	vst v63  }
0x1ad: {  	v28 =	vperm.xlane v17, v7;
	v19 =	vadd.s32 v3, v27;
	s22 =	simm.s32 $0x7100  }
0x1ae: {  	[tilespmem:s22], [sflag:$0x2] =	stream.indirect_vreg.gather [hbm4b:s8+s3], $0x80, v20, vm0, $0xb8;
	[tilespmem:$0x1E400] =	vst v63  }
0x1af: {  	v30 =	vperm.xlane v17, v8;
	v29 =	vadd.s32 v3, v28;
	s22 =	simm.s32 $0x7180  }
0x1b0: {  	[tilespmem:s22], [sflag:$0x2] =	stream.indirect_vreg.gather [hbm4b:s8+s3], $0x80, v18, vm0, $0xb8;
	[tilespmem:$0x1E400] =	vst v63  }
0x1b1: {  	v31 =	vperm.xlane v17, v0;
	v18 =	vadd.s32 v3, v30;
	s22 =	simm.s32 $0x7200  }
0x1b2: {  	[tilespmem:s22], [sflag:$0x2] =	stream.indirect_vreg.gather [hbm4b:s8+s3], $0x80, v19, vm0, $0xb8;
	[tilespmem:$0x1E400] =	vst v63  }
0x1b3: {  	v32 =	vperm.xlane v17, v9;
	v19 =	vadd.s32 v3, v31;
	s22 =	simm.s32 $0x7280  }
0x1b4: {  	[tilespmem:s22], [sflag:$0x2] =	stream.indirect_vreg.gather [hbm4b:s8+s3], $0x80, v29, vm0, $0xb8;
	[tilespmem:$0x1E400] =	vst v63  }
0x1b5: {  	v34 =	vperm.xlane v17, v10;
	v33 =	vadd.s32 v3, v32;
	s22 =	simm.s32 $0x7300  }
0x1b6: {  	[tilespmem:s22], [sflag:$0x2] =	stream.indirect_vreg.gather [hbm4b:s8+s3], $0x80, v18, vm0, $0xb8;
	[tilespmem:$0x1E400] =	vst v63  }
0x1b7: {  	v35 =	vperm.xlane v17, v11;
	v18 =	vadd.s32 v3, v34;
	s22 =	simm.s32 $0x7380  }
0x1b8: {  	[tilespmem:s22], [sflag:$0x2] =	stream.indirect_vreg.gather [hbm4b:s8+s3], $0x80, v19, vm0, $0xb8;
	[tilespmem:$0x1E400] =	vst v63  }
0x1b9: {  	v36 =	vperm.xlane v17, v12;
	v19 =	vadd.s32 v3, v35;
	s22 =	simm.s32 $0x7400  }
0x1ba: {  	[tilespmem:s22], [sflag:$0x2] =	stream.indirect_vreg.gather [hbm4b:s8+s3], $0x80, v33, vm0, $0xb8;
	[tilespmem:$0x1E400] =	vst v63  }
0x1bb: {  	v38 =	vperm.xlane v17, v13;
	v37 =	vadd.s32 v3, v36;
	s22 =	simm.s32 $0x7480  }
0x1bc: {  	[tilespmem:s22], [sflag:$0x2] =	stream.indirect_vreg.gather [hbm4b:s8+s3], $0x80, v18, vm0, $0xb8;
	[tilespmem:$0x1E400] =	vst v63  }
0x1bd: {  	v39 =	vperm.xlane v17, v14;
	v18 =	vadd.s32 v3, v38;
	s22 =	simm.s32 $0x7500  }
0x1be: {  	[tilespmem:s22], [sflag:$0x2] =	stream.indirect_vreg.gather [hbm4b:s8+s3], $0x80, v19, vm0, $0xb8;
	[tilespmem:$0x1E400] =	vst v63  }
0x1bf: {  	v40 =	vperm.xlane v17, v15;
	v19 =	vadd.s32 v3, v39;
	s22 =	simm.s32 $0x7580  }
0x1c0: {  	[tilespmem:s22], [sflag:$0x2] =	stream.indirect_vreg.gather [hbm4b:s8+s3], $0x80, v37, vm0, $0xb8;
	[tilespmem:$0x1E400] =	vst v63  }
0x1c1: {  	v17 =	vperm.xlane v17, v16;
	v41 =	vadd.s32 v3, v40;
	s22 =	simm.s32 $0x7600  }
0x1c2: {  	[tilespmem:s22], [sflag:$0x2] =	stream.indirect_vreg.gather [hbm4b:s8+s3], $0x80, v18, vm0, $0xb8;
	[tilespmem:$0x1E400] =	vst v63  }
0x1c3: {  	v17 =	vadd.s32 v3, v17;
	s22 =	simm.s32 $0x7680  }
0x1c4: {  	[tilespmem:s22], [sflag:$0x2] =	stream.indirect_vreg.gather [hbm4b:s8+s3], $0x80, v19, vm0, $0xb8;
	[tilespmem:$0x1E400] =	vst v63  }
0x1c5: {  	s22 =	simm.s32 $0x7700  }
0x1c6: {  	[tilespmem:s22], [sflag:$0x2] =	stream.indirect_vreg.gather [hbm4b:s8+s3], $0x80, v41, vm0, $0xb8;
	[tilespmem:$0x1E400] =	vst v63  }
0x1c7: {  	s22 =	simm.s32 $0x7780  }
0x1c8: {  	[tilespmem:s22], [sflag:$0x2] =	stream.indirect_vreg.gather [hbm4b:s8+s3], $0x80, v17, vm0, $0xb8;
	[tilespmem:$0x1E400] =	vst v63  }
0x1c9: {  	v17 =	vld [tilespmem:s21+$0xA0];
	_ =	sdelay $0x4  }
0x1ca: {  	v18 =	vshll.u32 v17, $0x1  }
0x1cb: {  	v17 =	vand.u32 $0x7, v17;
	v18 =	vand.u32 $0xFFFFFFF0, v18  }
0x1cc: {  	v17 =	vor.u32 v17, v18  }
0x1cd: {  	v18 =	vperm.xlane v17, v2;
	_ =	sdelay $0x1  }
0x1ce: {  	v19 =	vperm.xlane v17, v1;
	v18 =	vadd.s32 v3, v18;
	_ =	sdelay $0x1  }
0x1cf: {  	v42 =	vperm.xlane v17, v4;
	v19 =	vadd.s32 v3, v19;
	_ =	sdelay $0x1  }
0x1d0: {  	s22 =	simm.s32 $0x7800;
	v43 =	vperm.xlane v17, v5;
	v20 =	vadd.s32 v3, v42  }
0x1d1: {  	[tilespmem:s22], [sflag:$0x2] =	stream.indirect_vreg.gather [hbm4b:s8+s3], $0x80, v18, vm0, $0xb8;
	[tilespmem:$0x1E400] =	vst v63  }
0x1d2: {  	v44 =	vperm.xlane v17, v6;
	v18 =	vadd.s32 v3, v43;
	s22 =	simm.s32 $0x7880  }
0x1d3: {  	[tilespmem:s22], [sflag:$0x2] =	stream.indirect_vreg.gather [hbm4b:s8+s3], $0x80, v19, vm0, $0xb8;
	[tilespmem:$0x1E400] =	vst v63  }
0x1d4: {  	v45 =	vperm.xlane v17, v7;
	v19 =	vadd.s32 v3, v44;
	s22 =	simm.s32 $0x7900  }
0x1d5: {  	[tilespmem:s22], [sflag:$0x2] =	stream.indirect_vreg.gather [hbm4b:s8+s3], $0x80, v20, vm0, $0xb8;
	[tilespmem:$0x1E400] =	vst v63  }
0x1d6: {  	v47 =	vperm.xlane v17, v8;
	v46 =	vadd.s32 v3, v45;
	s22 =	simm.s32 $0x7980  }
0x1d7: {  	[tilespmem:s22], [sflag:$0x2] =	stream.indirect_vreg.gather [hbm4b:s8+s3], $0x80, v18, vm0, $0xb8;
	[tilespmem:$0x1E400] =	vst v63  }
0x1d8: {  	v48 =	vperm.xlane v17, v0;
	v18 =	vadd.s32 v3, v47;
	s22 =	simm.s32 $0x7A00  }
0x1d9: {  	[tilespmem:s22], [sflag:$0x2] =	stream.indirect_vreg.gather [hbm4b:s8+s3], $0x80, v19, vm0, $0xb8;
	[tilespmem:$0x1E400] =	vst v63  }
0x1da: {  	v49 =	vperm.xlane v17, v9;
	v19 =	vadd.s32 v3, v48;
	s22 =	simm.s32 $0x7A80  }
0x1db: {  	[tilespmem:s22], [sflag:$0x2] =	stream.indirect_vreg.gather [hbm4b:s8+s3], $0x80, v46, vm0, $0xb8;
	[tilespmem:$0x1E400] =	vst v63  }
0x1dc: {  	v51 =	vperm.xlane v17, v10;
	v50 =	vadd.s32 v3, v49;
	s22 =	simm.s32 $0x7B00  }
0x1dd: {  	[tilespmem:s22], [sflag:$0x2] =	stream.indirect_vreg.gather [hbm4b:s8+s3], $0x80, v18, vm0, $0xb8;
	[tilespmem:$0x1E400] =	vst v63  }
0x1de: {  	v52 =	vperm.xlane v17, v11;
	v18 =	vadd.s32 v3, v51;
	s22 =	simm.s32 $0x7B80  }
0x1df: {  	[tilespmem:s22], [sflag:$0x2] =	stream.indirect_vreg.gather [hbm4b:s8+s3], $0x80, v19, vm0, $0xb8;
	[tilespmem:$0x1E400] =	vst v63  }
0x1e0: {  	v53 =	vperm.xlane v17, v12;
	v19 =	vadd.s32 v3, v52;
	s22 =	simm.s32 $0x7C00  }
0x1e1: {  	[tilespmem:s22], [sflag:$0x2] =	stream.indirect_vreg.gather [hbm4b:s8+s3], $0x80, v50, vm0, $0xb8;
	[tilespmem:$0x1E400] =	vst v63  }
0x1e2: {  	v55 =	vperm.xlane v17, v13;
	v54 =	vadd.s32 v3, v53;
	s22 =	simm.s32 $0x7C80  }
0x1e3: {  	[tilespmem:s22], [sflag:$0x2] =	stream.indirect_vreg.gather [hbm4b:s8+s3], $0x80, v18, vm0, $0xb8;
	[tilespmem:$0x1E400] =	vst v63  }
0x1e4: {  	v56 =	vperm.xlane v17, v14;
	v18 =	vadd.s32 v3, v55;
	s22 =	simm.s32 $0x7D00  }
0x1e5: {  	[tilespmem:s22], [sflag:$0x2] =	stream.indirect_vreg.gather [hbm4b:s8+s3], $0x80, v19, vm0, $0xb8;
	[tilespmem:$0x1E400] =	vst v63  }
0x1e6: {  	v57 =	vperm.xlane v17, v15;
	v19 =	vadd.s32 v3, v56;
	s22 =	simm.s32 $0x7D80  }
0x1e7: {  	[tilespmem:s22], [sflag:$0x2] =	stream.indirect_vreg.gather [hbm4b:s8+s3], $0x80, v54, vm0, $0xb8;
	[tilespmem:$0x1E400] =	vst v63  }
0x1e8: {  	v17 =	vperm.xlane v17, v16;
	v58 =	vadd.s32 v3, v57;
	s22 =	simm.s32 $0x7E00  }
0x1e9: {  	[tilespmem:s22], [sflag:$0x2] =	stream.indirect_vreg.gather [hbm4b:s8+s3], $0x80, v18, vm0, $0xb8;
	[tilespmem:$0x1E400] =	vst v63  }
0x1ea: {  	v17 =	vadd.s32 v3, v17;
	s22 =	simm.s32 $0x7E80  }
0x1eb: {  	[tilespmem:s22], [sflag:$0x2] =	stream.indirect_vreg.gather [hbm4b:s8+s3], $0x80, v19, vm0, $0xb8;
	[tilespmem:$0x1E400] =	vst v63  }
0x1ec: {  	s22 =	simm.s32 $0x7F00  }
0x1ed: {  	[tilespmem:s22], [sflag:$0x2] =	stream.indirect_vreg.gather [hbm4b:s8+s3], $0x80, v58, vm0, $0xb8;
	[tilespmem:$0x1E400] =	vst v63  }
0x1ee: {  	s22 =	simm.s32 $0x7F80  }
0x1ef: {  	[tilespmem:s22], [sflag:$0x2] =	stream.indirect_vreg.gather [hbm4b:s8+s3], $0x80, v17, vm0, $0xb8;
	[tilespmem:$0x1E400] =	vst v63  }
0x1f0: {  	v17 =	vld [tilespmem:s21+$0xB0];
	_ =	sdelay $0x4  }
0x1f1: {  	v18 =	vshll.u32 v17, $0x1  }
0x1f2: {  	v17 =	vand.u32 $0x7, v17;
	v18 =	vand.u32 $0xFFFFFFF0, v18  }
0x1f3: {  	v17 =	vor.u32 v17, v18  }
0x1f4: {  	v18 =	vperm.xlane v17, v2;
	_ =	sdelay $0x1  }
0x1f5: {  	v19 =	vperm.xlane v17, v1;
	v18 =	vadd.s32 v3, v18;
	_ =	sdelay $0x1  }
0x1f6: {  	v59 =	vperm.xlane v17, v4;
	v19 =	vadd.s32 v3, v19;
	_ =	sdelay $0x1  }
0x1f7: {  	s22 =	simm.s32 $0x8000;
	v60 =	vperm.xlane v17, v5;
	v20 =	vadd.s32 v3, v59  }
0x1f8: {  	[tilespmem:s22], [sflag:$0x2] =	stream.indirect_vreg.gather [hbm4b:s8+s3], $0x80, v18, vm0, $0xb8;
	[tilespmem:$0x1E400] =	vst v63  }
0x1f9: {  	v61 =	vperm.xlane v17, v6;
	v18 =	vadd.s32 v3, v60;
	s22 =	simm.s32 $0x8080  }
0x1fa: {  	[tilespmem:s22], [sflag:$0x2] =	stream.indirect_vreg.gather [hbm4b:s8+s3], $0x80, v19, vm0, $0xb8;
	[tilespmem:$0x1E400] =	vst v63  }
0x1fb: {  	v62 =	vperm.xlane v17, v7;
	v19 =	vadd.s32 v3, v61;
	s22 =	simm.s32 $0x8100  }
0x1fc: {  	[tilespmem:s22], [sflag:$0x2] =	stream.indirect_vreg.gather [hbm4b:s8+s3], $0x80, v20, vm0, $0xb8;
	[tilespmem:$0x1E400] =	vst v63  }
0x1fd: {  	v24 =	vperm.xlane v17, v8;
	v63 =	vadd.s32 v3, v62;
	s22 =	simm.s32 $0x8180  }
0x1fe: {  	[tilespmem:s22], [sflag:$0x2] =	stream.indirect_vreg.gather [hbm4b:s8+s3], $0x80, v18, vm0, $0xb8;
	[tilespmem:$0x1E400] =	vst v63  }
0x1ff: {  	v25 =	vperm.xlane v17, v0;
	v18 =	vadd.s32 v3, v24;
	s22 =	simm.s32 $0x8200  }
0x200: {  	[tilespmem:s22], [sflag:$0x2] =	stream.indirect_vreg.gather [hbm4b:s8+s3], $0x80, v19, vm0, $0xb8;
	[tilespmem:$0x1E400] =	vst v63  }
0x201: {  	v26 =	vperm.xlane v17, v9;
	v19 =	vadd.s32 v3, v25;
	s22 =	simm.s32 $0x8280  }
0x202: {  	[tilespmem:s22], [sflag:$0x2] =	stream.indirect_vreg.gather [hbm4b:s8+s3], $0x80, v63, vm0, $0xb8;
	[tilespmem:$0x1E400] =	vst v63  }
0x203: {  	v28 =	vperm.xlane v17, v10;
	v27 =	vadd.s32 v3, v26;
	s22 =	simm.s32 $0x8300  }
0x204: {  	[tilespmem:s22], [sflag:$0x2] =	stream.indirect_vreg.gather [hbm4b:s8+s3], $0x80, v18, vm0, $0xb8;
	[tilespmem:$0x1E400] =	vst v63  }
0x205: {  	v29 =	vperm.xlane v17, v11;
	v18 =	vadd.s32 v3, v28;
	s22 =	simm.s32 $0x8380  }
0x206: {  	[tilespmem:s22], [sflag:$0x2] =	stream.indirect_vreg.gather [hbm4b:s8+s3], $0x80, v19, vm0, $0xb8;
	[tilespmem:$0x1E400] =	vst v63  }
0x207: {  	v30 =	vperm.xlane v17, v12;
	v19 =	vadd.s32 v3, v29;
	s22 =	simm.s32 $0x8400  }
0x208: {  	[tilespmem:s22], [sflag:$0x2] =	stream.indirect_vreg.gather [hbm4b:s8+s3], $0x80, v27, vm0, $0xb8;
	[tilespmem:$0x1E400] =	vst v63  }
0x209: {  	v32 =	vperm.xlane v17, v13;
	v31 =	vadd.s32 v3, v30;
	s22 =	simm.s32 $0x8480  }
0x20a: {  	[tilespmem:s22], [sflag:$0x2] =	stream.indirect_vreg.gather [hbm4b:s8+s3], $0x80, v18, vm0, $0xb8;
	[tilespmem:$0x1E400] =	vst v63  }
0x20b: {  	v33 =	vperm.xlane v17, v14;
	v18 =	vadd.s32 v3, v32;
	s22 =	simm.s32 $0x8500  }
0x20c: {  	[tilespmem:s22], [sflag:$0x2] =	stream.indirect_vreg.gather [hbm4b:s8+s3], $0x80, v19, vm0, $0xb8;
	[tilespmem:$0x1E400] =	vst v63  }
0x20d: {  	v34 =	vperm.xlane v17, v15;
	v19 =	vadd.s32 v3, v33;
	s22 =	simm.s32 $0x8580  }
0x20e: {  	[tilespmem:s22], [sflag:$0x2] =	stream.indirect_vreg.gather [hbm4b:s8+s3], $0x80, v31, vm0, $0xb8;
	[tilespmem:$0x1E400] =	vst v63  }
0x20f: {  	v17 =	vperm.xlane v17, v16;
	v35 =	vadd.s32 v3, v34;
	s22 =	simm.s32 $0x8600  }
0x210: {  	[tilespmem:s22], [sflag:$0x2] =	stream.indirect_vreg.gather [hbm4b:s8+s3], $0x80, v18, vm0, $0xb8;
	[tilespmem:$0x1E400] =	vst v63  }
0x211: {  	v17 =	vadd.s32 v3, v17;
	s22 =	simm.s32 $0x8680  }
0x212: {  	[tilespmem:s22], [sflag:$0x2] =	stream.indirect_vreg.gather [hbm4b:s8+s3], $0x80, v19, vm0, $0xb8;
	[tilespmem:$0x1E400] =	vst v63  }
0x213: {  	s22 =	simm.s32 $0x8700  }
0x214: {  	[tilespmem:s22], [sflag:$0x2] =	stream.indirect_vreg.gather [hbm4b:s8+s3], $0x80, v35, vm0, $0xb8;
	[tilespmem:$0x1E400] =	vst v63  }
0x215: {  	s22 =	simm.s32 $0x8780  }
0x216: {  	[tilespmem:s22], [sflag:$0x2] =	stream.indirect_vreg.gather [hbm4b:s8+s3], $0x80, v17, vm0, $0xb8;
	[tilespmem:$0x1E400] =	vst v63  }
0x217: {  	v17 =	vld [tilespmem:s21+$0xC0];
	_ =	sdelay $0x4  }
0x218: {  	v18 =	vshll.u32 v17, $0x1  }
0x219: {  	v17 =	vand.u32 $0x7, v17;
	v18 =	vand.u32 $0xFFFFFFF0, v18  }
0x21a: {  	v17 =	vor.u32 v17, v18  }
0x21b: {  	v18 =	vperm.xlane v17, v2;
	_ =	sdelay $0x1  }
0x21c: {  	v19 =	vperm.xlane v17, v1;
	v18 =	vadd.s32 v3, v18;
	_ =	sdelay $0x1  }
0x21d: {  	v36 =	vperm.xlane v17, v4;
	v19 =	vadd.s32 v3, v19;
	_ =	sdelay $0x1  }
0x21e: {  	s22 =	simm.s32 $0x8800;
	v37 =	vperm.xlane v17, v5;
	v20 =	vadd.s32 v3, v36  }
0x21f: {  	[tilespmem:s22], [sflag:$0x2] =	stream.indirect_vreg.gather [hbm4b:s8+s3], $0x80, v18, vm0, $0xb8;
	[tilespmem:$0x1E400] =	vst v63  }
0x220: {  	v38 =	vperm.xlane v17, v6;
	v18 =	vadd.s32 v3, v37;
	s22 =	simm.s32 $0x8880  }
0x221: {  	[tilespmem:s22], [sflag:$0x2] =	stream.indirect_vreg.gather [hbm4b:s8+s3], $0x80, v19, vm0, $0xb8;
	[tilespmem:$0x1E400] =	vst v63  }
0x222: {  	v39 =	vperm.xlane v17, v7;
	v19 =	vadd.s32 v3, v38;
	s22 =	simm.s32 $0x8900  }
0x223: {  	[tilespmem:s22], [sflag:$0x2] =	stream.indirect_vreg.gather [hbm4b:s8+s3], $0x80, v20, vm0, $0xb8;
	[tilespmem:$0x1E400] =	vst v63  }
0x224: {  	v41 =	vperm.xlane v17, v8;
	v40 =	vadd.s32 v3, v39;
	s22 =	simm.s32 $0x8980  }
0x225: {  	[tilespmem:s22], [sflag:$0x2] =	stream.indirect_vreg.gather [hbm4b:s8+s3], $0x80, v18, vm0, $0xb8;
	[tilespmem:$0x1E400] =	vst v63  }
0x226: {  	v42 =	vperm.xlane v17, v0;
	v18 =	vadd.s32 v3, v41;
	s22 =	simm.s32 $0x8A00  }
0x227: {  	[tilespmem:s22], [sflag:$0x2] =	stream.indirect_vreg.gather [hbm4b:s8+s3], $0x80, v19, vm0, $0xb8;
	[tilespmem:$0x1E400] =	vst v63  }
0x228: {  	v43 =	vperm.xlane v17, v9;
	v19 =	vadd.s32 v3, v42;
	s22 =	simm.s32 $0x8A80  }
0x229: {  	[tilespmem:s22], [sflag:$0x2] =	stream.indirect_vreg.gather [hbm4b:s8+s3], $0x80, v40, vm0, $0xb8;
	[tilespmem:$0x1E400] =	vst v63  }
0x22a: {  	v45 =	vperm.xlane v17, v10;
	v44 =	vadd.s32 v3, v43;
	s22 =	simm.s32 $0x8B00  }
0x22b: {  	[tilespmem:s22], [sflag:$0x2] =	stream.indirect_vreg.gather [hbm4b:s8+s3], $0x80, v18, vm0, $0xb8;
	[tilespmem:$0x1E400] =	vst v63  }
0x22c: {  	v46 =	vperm.xlane v17, v11;
	v18 =	vadd.s32 v3, v45;
	s22 =	simm.s32 $0x8B80  }
0x22d: {  	[tilespmem:s22], [sflag:$0x2] =	stream.indirect_vreg.gather [hbm4b:s8+s3], $0x80, v19, vm0, $0xb8;
	[tilespmem:$0x1E400] =	vst v63  }
0x22e: {  	v47 =	vperm.xlane v17, v12;
	v19 =	vadd.s32 v3, v46;
	s22 =	simm.s32 $0x8C00  }
0x22f: {  	[tilespmem:s22], [sflag:$0x2] =	stream.indirect_vreg.gather [hbm4b:s8+s3], $0x80, v44, vm0, $0xb8;
	[tilespmem:$0x1E400] =	vst v63  }
0x230: {  	v49 =	vperm.xlane v17, v13;
	v48 =	vadd.s32 v3, v47;
	s22 =	simm.s32 $0x8C80  }
0x231: {  	[tilespmem:s22], [sflag:$0x2] =	stream.indirect_vreg.gather [hbm4b:s8+s3], $0x80, v18, vm0, $0xb8;
	[tilespmem:$0x1E400] =	vst v63  }
0x232: {  	v50 =	vperm.xlane v17, v14;
	v18 =	vadd.s32 v3, v49;
	s22 =	simm.s32 $0x8D00  }
0x233: {  	[tilespmem:s22], [sflag:$0x2] =	stream.indirect_vreg.gather [hbm4b:s8+s3], $0x80, v19, vm0, $0xb8;
	[tilespmem:$0x1E400] =	vst v63  }
0x234: {  	v51 =	vperm.xlane v17, v15;
	v19 =	vadd.s32 v3, v50;
	s22 =	simm.s32 $0x8D80  }
0x235: {  	[tilespmem:s22], [sflag:$0x2] =	stream.indirect_vreg.gather [hbm4b:s8+s3], $0x80, v48, vm0, $0xb8;
	[tilespmem:$0x1E400] =	vst v63  }
0x236: {  	v17 =	vperm.xlane v17, v16;
	v52 =	vadd.s32 v3, v51;
	s22 =	simm.s32 $0x8E00  }
0x237: {  	[tilespmem:s22], [sflag:$0x2] =	stream.indirect_vreg.gather [hbm4b:s8+s3], $0x80, v18, vm0, $0xb8;
	[tilespmem:$0x1E400] =	vst v63  }
0x238: {  	v17 =	vadd.s32 v3, v17;
	s22 =	simm.s32 $0x8E80  }
0x239: {  	[tilespmem:s22], [sflag:$0x2] =	stream.indirect_vreg.gather [hbm4b:s8+s3], $0x80, v19, vm0, $0xb8;
	[tilespmem:$0x1E400] =	vst v63  }
0x23a: {  	s22 =	simm.s32 $0x8F00  }
0x23b: {  	[tilespmem:s22], [sflag:$0x2] =	stream.indirect_vreg.gather [hbm4b:s8+s3], $0x80, v52, vm0, $0xb8;
	[tilespmem:$0x1E400] =	vst v63  }
0x23c: {  	s22 =	simm.s32 $0x8F80  }
0x23d: {  	[tilespmem:s22], [sflag:$0x2] =	stream.indirect_vreg.gather [hbm4b:s8+s3], $0x80, v17, vm0, $0xb8;
	[tilespmem:$0x1E400] =	vst v63  }
0x23e: {  	v17 =	vld [tilespmem:s21+$0xD0];
	_ =	sdelay $0x4  }
0x23f: {  	v18 =	vshll.u32 v17, $0x1  }
0x240: {  	v17 =	vand.u32 $0x7, v17;
	v18 =	vand.u32 $0xFFFFFFF0, v18  }
0x241: {  	v17 =	vor.u32 v17, v18  }
0x242: {  	v18 =	vperm.xlane v17, v2;
	_ =	sdelay $0x1  }
0x243: {  	v19 =	vperm.xlane v17, v1;
	v18 =	vadd.s32 v3, v18;
	_ =	sdelay $0x1  }
0x244: {  	v53 =	vperm.xlane v17, v4;
	v19 =	vadd.s32 v3, v19;
	_ =	sdelay $0x1  }
0x245: {  	s22 =	simm.s32 $0x9000;
	v54 =	vperm.xlane v17, v5;
	v20 =	vadd.s32 v3, v53  }
0x246: {  	[tilespmem:s22], [sflag:$0x2] =	stream.indirect_vreg.gather [hbm4b:s8+s3], $0x80, v18, vm0, $0xb8;
	[tilespmem:$0x1E400] =	vst v63  }
0x247: {  	v55 =	vperm.xlane v17, v6;
	v18 =	vadd.s32 v3, v54;
	s22 =	simm.s32 $0x9080  }
0x248: {  	[tilespmem:s22], [sflag:$0x2] =	stream.indirect_vreg.gather [hbm4b:s8+s3], $0x80, v19, vm0, $0xb8;
	[tilespmem:$0x1E400] =	vst v63  }
0x249: {  	v56 =	vperm.xlane v17, v7;
	v19 =	vadd.s32 v3, v55;
	s22 =	simm.s32 $0x9100  }
0x24a: {  	[tilespmem:s22], [sflag:$0x2] =	stream.indirect_vreg.gather [hbm4b:s8+s3], $0x80, v20, vm0, $0xb8;
	[tilespmem:$0x1E400] =	vst v63  }
0x24b: {  	v58 =	vperm.xlane v17, v8;
	v57 =	vadd.s32 v3, v56;
	s22 =	simm.s32 $0x9180  }
0x24c: {  	[tilespmem:s22], [sflag:$0x2] =	stream.indirect_vreg.gather [hbm4b:s8+s3], $0x80, v18, vm0, $0xb8;
	[tilespmem:$0x1E400] =	vst v63  }
0x24d: {  	v59 =	vperm.xlane v17, v0;
	v18 =	vadd.s32 v3, v58;
	s22 =	simm.s32 $0x9200  }
0x24e: {  	[tilespmem:s22], [sflag:$0x2] =	stream.indirect_vreg.gather [hbm4b:s8+s3], $0x80, v19, vm0, $0xb8;
	[tilespmem:$0x1E400] =	vst v63  }
0x24f: {  	v60 =	vperm.xlane v17, v9;
	v19 =	vadd.s32 v3, v59;
	s22 =	simm.s32 $0x9280  }
0x250: {  	[tilespmem:s22], [sflag:$0x2] =	stream.indirect_vreg.gather [hbm4b:s8+s3], $0x80, v57, vm0, $0xb8;
	[tilespmem:$0x1E400] =	vst v63  }
0x251: {  	v62 =	vperm.xlane v17, v10;
	v61 =	vadd.s32 v3, v60;
	s22 =	simm.s32 $0x9300  }
0x252: {  	[tilespmem:s22], [sflag:$0x2] =	stream.indirect_vreg.gather [hbm4b:s8+s3], $0x80, v18, vm0, $0xb8;
	[tilespmem:$0x1E400] =	vst v63  }
0x253: {  	v63 =	vperm.xlane v17, v11;
	v18 =	vadd.s32 v3, v62;
	s22 =	simm.s32 $0x9380  }
0x254: {  	[tilespmem:s22], [sflag:$0x2] =	stream.indirect_vreg.gather [hbm4b:s8+s3], $0x80, v19, vm0, $0xb8;
	[tilespmem:$0x1E400] =	vst v63  }
0x255: {  	v24 =	vperm.xlane v17, v12;
	v19 =	vadd.s32 v3, v63;
	s22 =	simm.s32 $0x9400  }
0x256: {  	[tilespmem:s22], [sflag:$0x2] =	stream.indirect_vreg.gather [hbm4b:s8+s3], $0x80, v61, vm0, $0xb8;
	[tilespmem:$0x1E400] =	vst v63  }
0x257: {  	v26 =	vperm.xlane v17, v13;
	v25 =	vadd.s32 v3, v24;
	s22 =	simm.s32 $0x9480  }
0x258: {  	[tilespmem:s22], [sflag:$0x2] =	stream.indirect_vreg.gather [hbm4b:s8+s3], $0x80, v18, vm0, $0xb8;
	[tilespmem:$0x1E400] =	vst v63  }
0x259: {  	v27 =	vperm.xlane v17, v14;
	v18 =	vadd.s32 v3, v26;
	s22 =	simm.s32 $0x9500  }
0x25a: {  	[tilespmem:s22], [sflag:$0x2] =	stream.indirect_vreg.gather [hbm4b:s8+s3], $0x80, v19, vm0, $0xb8;
	[tilespmem:$0x1E400] =	vst v63  }
0x25b: {  	v28 =	vperm.xlane v17, v15;
	v19 =	vadd.s32 v3, v27;
	s22 =	simm.s32 $0x9580  }
0x25c: {  	[tilespmem:s22], [sflag:$0x2] =	stream.indirect_vreg.gather [hbm4b:s8+s3], $0x80, v25, vm0, $0xb8;
	[tilespmem:$0x1E400] =	vst v63  }
0x25d: {  	v17 =	vperm.xlane v17, v16;
	v29 =	vadd.s32 v3, v28;
	s22 =	simm.s32 $0x9600  }
0x25e: {  	[tilespmem:s22], [sflag:$0x2] =	stream.indirect_vreg.gather [hbm4b:s8+s3], $0x80, v18, vm0, $0xb8;
	[tilespmem:$0x1E400] =	vst v63  }
0x25f: {  	v17 =	vadd.s32 v3, v17;
	s22 =	simm.s32 $0x9680  }
0x260: {  	[tilespmem:s22], [sflag:$0x2] =	stream.indirect_vreg.gather [hbm4b:s8+s3], $0x80, v19, vm0, $0xb8;
	[tilespmem:$0x1E400] =	vst v63  }
0x261: {  	s22 =	simm.s32 $0x9700  }
0x262: {  	[tilespmem:s22], [sflag:$0x2] =	stream.indirect_vreg.gather [hbm4b:s8+s3], $0x80, v29, vm0, $0xb8;
	[tilespmem:$0x1E400] =	vst v63  }
0x263: {  	s22 =	simm.s32 $0x9780  }
0x264: {  	[tilespmem:s22], [sflag:$0x2] =	stream.indirect_vreg.gather [hbm4b:s8+s3], $0x80, v17, vm0, $0xb8;
	[tilespmem:$0x1E400] =	vst v63  }
0x265: {  	v17 =	vld [tilespmem:s21+$0xE0];
	_ =	sdelay $0x4  }
0x266: {  	v18 =	vshll.u32 v17, $0x1  }
0x267: {  	v17 =	vand.u32 $0x7, v17;
	v18 =	vand.u32 $0xFFFFFFF0, v18  }
0x268: {  	v17 =	vor.u32 v17, v18  }
0x269: {  	v18 =	vperm.xlane v17, v2;
	_ =	sdelay $0x1  }
0x26a: {  	v19 =	vperm.xlane v17, v1;
	v18 =	vadd.s32 v3, v18;
	_ =	sdelay $0x1  }
0x26b: {  	v30 =	vperm.xlane v17, v4;
	v19 =	vadd.s32 v3, v19;
	_ =	sdelay $0x1  }
0x26c: {  	s22 =	simm.s32 $0x9800;
	v31 =	vperm.xlane v17, v5;
	v20 =	vadd.s32 v3, v30  }
0x26d: {  	[tilespmem:s22], [sflag:$0x2] =	stream.indirect_vreg.gather [hbm4b:s8+s3], $0x80, v18, vm0, $0xb8;
	[tilespmem:$0x1E400] =	vst v63  }
0x26e: {  	v32 =	vperm.xlane v17, v6;
	v18 =	vadd.s32 v3, v31;
	s22 =	simm.s32 $0x9880  }
0x26f: {  	[tilespmem:s22], [sflag:$0x2] =	stream.indirect_vreg.gather [hbm4b:s8+s3], $0x80, v19, vm0, $0xb8;
	[tilespmem:$0x1E400] =	vst v63  }
0x270: {  	v33 =	vperm.xlane v17, v7;
	v19 =	vadd.s32 v3, v32;
	s22 =	simm.s32 $0x9900  }
0x271: {  	[tilespmem:s22], [sflag:$0x2] =	stream.indirect_vreg.gather [hbm4b:s8+s3], $0x80, v20, vm0, $0xb8;
	[tilespmem:$0x1E400] =	vst v63  }
0x272: {  	v35 =	vperm.xlane v17, v8;
	v34 =	vadd.s32 v3, v33;
	s22 =	simm.s32 $0x9980  }
0x273: {  	[tilespmem:s22], [sflag:$0x2] =	stream.indirect_vreg.gather [hbm4b:s8+s3], $0x80, v18, vm0, $0xb8;
	[tilespmem:$0x1E400] =	vst v63  }
0x274: {  	v36 =	vperm.xlane v17, v0;
	v18 =	vadd.s32 v3, v35;
	s22 =	simm.s32 $0x9A00  }
0x275: {  	[tilespmem:s22], [sflag:$0x2] =	stream.indirect_vreg.gather [hbm4b:s8+s3], $0x80, v19, vm0, $0xb8;
	[tilespmem:$0x1E400] =	vst v63  }
0x276: {  	v37 =	vperm.xlane v17, v9;
	v19 =	vadd.s32 v3, v36;
	s22 =	simm.s32 $0x9A80  }
0x277: {  	[tilespmem:s22], [sflag:$0x2] =	stream.indirect_vreg.gather [hbm4b:s8+s3], $0x80, v34, vm0, $0xb8;
	[tilespmem:$0x1E400] =	vst v63  }
0x278: {  	v39 =	vperm.xlane v17, v10;
	v38 =	vadd.s32 v3, v37;
	s22 =	simm.s32 $0x9B00  }
0x279: {  	[tilespmem:s22], [sflag:$0x2] =	stream.indirect_vreg.gather [hbm4b:s8+s3], $0x80, v18, vm0, $0xb8;
	[tilespmem:$0x1E400] =	vst v63  }
0x27a: {  	v40 =	vperm.xlane v17, v11;
	v18 =	vadd.s32 v3, v39;
	s22 =	simm.s32 $0x9B80  }
0x27b: {  	[tilespmem:s22], [sflag:$0x2] =	stream.indirect_vreg.gather [hbm4b:s8+s3], $0x80, v19, vm0, $0xb8;
	[tilespmem:$0x1E400] =	vst v63  }
0x27c: {  	v41 =	vperm.xlane v17, v12;
	v19 =	vadd.s32 v3, v40;
	s22 =	simm.s32 $0x9C00  }
0x27d: {  	[tilespmem:s22], [sflag:$0x2] =	stream.indirect_vreg.gather [hbm4b:s8+s3], $0x80, v38, vm0, $0xb8;
	[tilespmem:$0x1E400] =	vst v63  }
0x27e: {  	v43 =	vperm.xlane v17, v13;
	v42 =	vadd.s32 v3, v41;
	s22 =	simm.s32 $0x9C80  }
0x27f: {  	[tilespmem:s22], [sflag:$0x2] =	stream.indirect_vreg.gather [hbm4b:s8+s3], $0x80, v18, vm0, $0xb8;
	[tilespmem:$0x1E400] =	vst v63  }
0x280: {  	v44 =	vperm.xlane v17, v14;
	v18 =	vadd.s32 v3, v43;
	s22 =	simm.s32 $0x9D00  }
0x281: {  	[tilespmem:s22], [sflag:$0x2] =	stream.indirect_vreg.gather [hbm4b:s8+s3], $0x80, v19, vm0, $0xb8;
	[tilespmem:$0x1E400] =	vst v63  }
0x282: {  	v45 =	vperm.xlane v17, v15;
	v19 =	vadd.s32 v3, v44;
	s22 =	simm.s32 $0x9D80  }
0x283: {  	[tilespmem:s22], [sflag:$0x2] =	stream.indirect_vreg.gather [hbm4b:s8+s3], $0x80, v42, vm0, $0xb8;
	[tilespmem:$0x1E400] =	vst v63  }
0x284: {  	v17 =	vperm.xlane v17, v16;
	v46 =	vadd.s32 v3, v45;
	s22 =	simm.s32 $0x9E00  }
0x285: {  	[tilespmem:s22], [sflag:$0x2] =	stream.indirect_vreg.gather [hbm4b:s8+s3], $0x80, v18, vm0, $0xb8;
	[tilespmem:$0x1E400] =	vst v63  }
0x286: {  	v17 =	vadd.s32 v3, v17  }
0x287: {  	[tilespmem:s23], [sflag:$0x2] =	stream.indirect_vreg.gather [hbm4b:s8+s3], $0x80, v19, vm0, $0xb8;
	[tilespmem:$0x1E400] =	vst v63  }
0x288: {  	_ = 	snop  }
0x289: {  	[tilespmem:s24], [sflag:$0x2] =	stream.indirect_vreg.gather [hbm4b:s8+s3], $0x80, v46, vm0, $0xb8;
	[tilespmem:$0x1E400] =	vst v63  }
0x28a: {  	_ = 	snop  }
0x28b: {  	[tilespmem:s25], [sflag:$0x2] =	stream.indirect_vreg.gather [hbm4b:s8+s3], $0x80, v17, vm0, $0xb8;
	[tilespmem:$0x1E400] =	vst v63  }
0x28c: {  	v17 =	vld [tilespmem:s21+$0xF0];
	_ =	sdelay $0x4  }
0x28d: {  	v18 =	vshll.u32 v17, $0x1  }
0x28e: {  	v17 =	vand.u32 $0x7, v17;
	v18 =	vand.u32 $0xFFFFFFF0, v18  }
0x28f: {  	v17 =	vor.u32 v17, v18  }
0x290: {  	v18 =	vperm.xlane v17, v2;
	_ =	sdelay $0x1  }
0x291: {  	v19 =	vperm.xlane v17, v1;
	v18 =	vadd.s32 v3, v18;
	_ =	sdelay $0x1  }
0x292: {  	v47 =	vperm.xlane v17, v4;
	v19 =	vadd.s32 v3, v19;
	_ =	sdelay $0x1  }
0x293: {  	v48 =	vperm.xlane v17, v5;
	v20 =	vadd.s32 v3, v47  }
0x294: {  	[tilespmem:s9], [sflag:$0x2] =	stream.indirect_vreg.gather [hbm4b:s8+s3], $0x80, v18, vm0, $0xb8;
	[tilespmem:$0x1E400] =	vst v63  }
0x295: {  	v49 =	vperm.xlane v17, v6;
	v18 =	vadd.s32 v3, v48  }
0x296: {  	[tilespmem:s26], [sflag:$0x2] =	stream.indirect_vreg.gather [hbm4b:s8+s3], $0x80, v19, vm0, $0xb8;
	[tilespmem:$0x1E400] =	vst v63  }
0x297: {  	v50 =	vperm.xlane v17, v7;
	v19 =	vadd.s32 v3, v49  }
0x298: {  	[tilespmem:s29], [sflag:$0x2] =	stream.indirect_vreg.gather [hbm4b:s8+s3], $0x80, v20, vm0, $0xb8;
	[tilespmem:$0x1E400] =	vst v63  }
0x299: {  	v52 =	vperm.xlane v17, v8;
	v51 =	vadd.s32 v3, v50  }
0x29a: {  	[tilespmem:s4], [sflag:$0x2] =	stream.indirect_vreg.gather [hbm4b:s8+s3], $0x80, v18, vm0, $0xb8;
	[tilespmem:$0x1E400] =	vst v63  }
0x29b: {  	v53 =	vperm.xlane v17, v0;
	v18 =	vadd.s32 v3, v52  }
0x29c: {  	[tilespmem:s7], [sflag:$0x2] =	stream.indirect_vreg.gather [hbm4b:s8+s3], $0x80, v19, vm0, $0xb8;
	[tilespmem:$0x1E400] =	vst v63  }
0x29d: {  	v54 =	vperm.xlane v17, v9;
	v19 =	vadd.s32 v3, v53  }
0x29e: {  	[tilespmem:s6], [sflag:$0x2] =	stream.indirect_vreg.gather [hbm4b:s8+s3], $0x80, v51, vm0, $0xb8;
	[tilespmem:$0x1E400] =	vst v63  }
0x29f: {  	v56 =	vperm.xlane v17, v10;
	v55 =	vadd.s32 v3, v54  }
0x2a0: {  	[tilespmem:s1], [sflag:$0x2] =	stream.indirect_vreg.gather [hbm4b:s8+s3], $0x80, v18, vm0, $0xb8;
	[tilespmem:$0x1E400] =	vst v63  }
0x2a1: {  	v57 =	vperm.xlane v17, v11;
	v18 =	vadd.s32 v3, v56  }
0x2a2: {  	[tilespmem:s15], [sflag:$0x2] =	stream.indirect_vreg.gather [hbm4b:s8+s3], $0x80, v19, vm0, $0xb8;
	[tilespmem:$0x1E400] =	vst v63  }
0x2a3: {  	v58 =	vperm.xlane v17, v12;
	v19 =	vadd.s32 v3, v57  }
0x2a4: {  	[tilespmem:s0], [sflag:$0x2] =	stream.indirect_vreg.gather [hbm4b:s8+s3], $0x80, v55, vm0, $0xb8;
	[tilespmem:$0x1E400] =	vst v63  }
0x2a5: {  	v60 =	vperm.xlane v17, v13;
	v59 =	vadd.s32 v3, v58  }
0x2a6: {  	[tilespmem:s31], [sflag:$0x2] =	stream.indirect_vreg.gather [hbm4b:s8+s3], $0x80, v18, vm0, $0xb8;
	[tilespmem:$0x1E400] =	vst v63  }
0x2a7: {  	v61 =	vperm.xlane v17, v14;
	v18 =	vadd.s32 v3, v60  }
0x2a8: {  	[tilespmem:s30], [sflag:$0x2] =	stream.indirect_vreg.gather [hbm4b:s8+s3], $0x80, v19, vm0, $0xb8;
	[tilespmem:$0x1E400] =	vst v63  }
0x2a9: {  	v62 =	vperm.xlane v17, v15;
	v19 =	vadd.s32 v3, v61  }
0x2aa: {  	[tilespmem:s28], [sflag:$0x2] =	stream.indirect_vreg.gather [hbm4b:s8+s3], $0x80, v59, vm0, $0xb8;
	[tilespmem:$0x1E400] =	vst v63  }
0x2ab: {  	v17 =	vperm.xlane v17, v16;
	v63 =	vadd.s32 v3, v62  }
0x2ac: {  	[tilespmem:s10], [sflag:$0x2] =	stream.indirect_vreg.gather [hbm4b:s8+s3], $0x80, v18, vm0, $0xb8;
	[tilespmem:$0x1E400] =	vst v63  }
0x2ad: {  	v17 =	vadd.s32 v3, v17  }
0x2ae: {  	[tilespmem:s11], [sflag:$0x2] =	stream.indirect_vreg.gather [hbm4b:s8+s3], $0x80, v19, vm0, $0xb8;
	[tilespmem:$0x1E400] =	vst v63  }
0x2af: {  	_ = 	snop  }
0x2b0: {  	[tilespmem:s5], [sflag:$0x2] =	stream.indirect_vreg.gather [hbm4b:s8+s3], $0x80, v63, vm0, $0xb8;
	[tilespmem:$0x1E400] =	vst v63  }
0x2b1: {  	_ = 	snop  }
0x2b2: {  	[tilespmem:s13], [sflag:$0x2] =	stream.indirect_vreg.gather [hbm4b:s8+s3], $0x80, v17, vm0, $0xb8;
	[tilespmem:$0x1E400] =	vst v63  }
0x2b3: {  	_ =	swait.ge [sflag:s17], $0x4000  }
0x2b4: {  	p0 =	seq.s32 s20, $0x4C00;
	[sflag:s17] =	ssyncset.done $0x0  }
.Ltmp4:
0x2b5: {  	s22 =	sadd.s32 $0x1400, s21;
	[sflag:s17] =	ssyncadd.s32 $0xFFFFC000;
	(pc) =	sbr.rel @p0 .LBB2_4-.Ltmp4, $4  }
0x2b6: {  	[spmem:s2] =	stream.indirect.scatter.add.f32 [tilespmem:s16], [sflag:$0x3], $0x80, s22, s18, $0xb8;
	[tilespmem:$0x1E400] =	vst v63  }
0x2b7: {  	_ =	swait.ge [sflag:s14], $0x4000  }
0x2b8: {  	[sflag:s14] =	ssyncset.done $0x0  }
0x2b9: {  	[sflag:s14] =	ssyncadd.s32 $0xFFFFC000  }
0x2ba: {  	v17 =	vld [tilespmem:s21+$0x100];
	_ =	sdelay $0x4  }
0x2bb: {  	v18 =	vshll.u32 v17, $0x1  }
0x2bc: {  	v17 =	vand.u32 $0x7, v17;
	v18 =	vand.u32 $0xFFFFFFF0, v18  }
0x2bd: {  	v17 =	vor.u32 v17, v18  }
0x2be: {  	v18 =	vperm.xlane v17, v2;
	_ =	sdelay $0x1  }
0x2bf: {  	v19 =	vperm.xlane v17, v1;
	v18 =	vadd.s32 v3, v18;
	_ =	sdelay $0x1  }
0x2c0: {  	v20 =	vperm.xlane v17, v4;
	v19 =	vadd.s32 v3, v19;
	_ =	sdelay $0x1  }
0x2c1: {  	v21 =	vperm.xlane v17, v5;
	v20 =	vadd.s32 v3, v20  }
0x2c2: {  	[tilespmem:s16], [sflag:$0x1] =	stream.indirect_vreg.gather [hbm4b:s8+s3], $0x80, v18, vm0, $0xb8;
	[tilespmem:$0x1E400] =	vst v63  }
0x2c3: {  	s22 =	simm.s32 $0x2880;
	v50 =	vperm.xlane v17, v6;
	v18 =	vadd.s32 v3, v21  }
0x2c4: {  	[tilespmem:s22], [sflag:$0x1] =	stream.indirect_vreg.gather [hbm4b:s8+s3], $0x80, v19, vm0, $0xb8;
	[tilespmem:$0x1E400] =	vst v63  }
0x2c5: {  	v51 =	vperm.xlane v17, v7;
	v19 =	vadd.s32 v3, v50;
	s22 =	simm.s32 $0x2900  }
0x2c6: {  	[tilespmem:s22], [sflag:$0x1] =	stream.indirect_vreg.gather [hbm4b:s8+s3], $0x80, v20, vm0, $0xb8;
	[tilespmem:$0x1E400] =	vst v63  }
0x2c7: {  	v53 =	vperm.xlane v17, v8;
	v52 =	vadd.s32 v3, v51;
	s22 =	simm.s32 $0x2980  }
0x2c8: {  	[tilespmem:s22], [sflag:$0x1] =	stream.indirect_vreg.gather [hbm4b:s8+s3], $0x80, v18, vm0, $0xb8;
	[tilespmem:$0x1E400] =	vst v63  }
0x2c9: {  	v54 =	vperm.xlane v17, v0;
	v18 =	vadd.s32 v3, v53;
	s22 =	simm.s32 $0x2A00  }
0x2ca: {  	[tilespmem:s22], [sflag:$0x1] =	stream.indirect_vreg.gather [hbm4b:s8+s3], $0x80, v19, vm0, $0xb8;
	[tilespmem:$0x1E400] =	vst v63  }
0x2cb: {  	v55 =	vperm.xlane v17, v9;
	v19 =	vadd.s32 v3, v54;
	s22 =	simm.s32 $0x2A80  }
0x2cc: {  	[tilespmem:s22], [sflag:$0x1] =	stream.indirect_vreg.gather [hbm4b:s8+s3], $0x80, v52, vm0, $0xb8;
	[tilespmem:$0x1E400] =	vst v63  }
0x2cd: {  	v57 =	vperm.xlane v17, v10;
	v56 =	vadd.s32 v3, v55;
	s22 =	simm.s32 $0x2B00  }
0x2ce: {  	[tilespmem:s22], [sflag:$0x1] =	stream.indirect_vreg.gather [hbm4b:s8+s3], $0x80, v18, vm0, $0xb8;
	[tilespmem:$0x1E400] =	vst v63  }
0x2cf: {  	v58 =	vperm.xlane v17, v11;
	v18 =	vadd.s32 v3, v57;
	s22 =	simm.s32 $0x2B80  }
0x2d0: {  	[tilespmem:s22], [sflag:$0x1] =	stream.indirect_vreg.gather [hbm4b:s8+s3], $0x80, v19, vm0, $0xb8;
	[tilespmem:$0x1E400] =	vst v63  }
0x2d1: {  	v59 =	vperm.xlane v17, v12;
	v19 =	vadd.s32 v3, v58;
	s22 =	simm.s32 $0x2C00  }
0x2d2: {  	[tilespmem:s22], [sflag:$0x1] =	stream.indirect_vreg.gather [hbm4b:s8+s3], $0x80, v56, vm0, $0xb8;
	[tilespmem:$0x1E400] =	vst v63  }
0x2d3: {  	v61 =	vperm.xlane v17, v13;
	v60 =	vadd.s32 v3, v59;
	s22 =	simm.s32 $0x2C80  }
0x2d4: {  	[tilespmem:s22], [sflag:$0x1] =	stream.indirect_vreg.gather [hbm4b:s8+s3], $0x80, v18, vm0, $0xb8;
	[tilespmem:$0x1E400] =	vst v63  }
0x2d5: {  	v62 =	vperm.xlane v17, v14;
	v18 =	vadd.s32 v3, v61;
	s22 =	simm.s32 $0x2D00  }
0x2d6: {  	[tilespmem:s22], [sflag:$0x1] =	stream.indirect_vreg.gather [hbm4b:s8+s3], $0x80, v19, vm0, $0xb8;
	[tilespmem:$0x1E400] =	vst v63  }
0x2d7: {  	v63 =	vperm.xlane v17, v15;
	v19 =	vadd.s32 v3, v62;
	s22 =	simm.s32 $0x2D80  }
0x2d8: {  	[tilespmem:s22], [sflag:$0x1] =	stream.indirect_vreg.gather [hbm4b:s8+s3], $0x80, v60, vm0, $0xb8;
	[tilespmem:$0x1E400] =	vst v63  }
0x2d9: {  	v17 =	vperm.xlane v17, v16;
	v24 =	vadd.s32 v3, v63;
	s22 =	simm.s32 $0x2E00  }
0x2da: {  	[tilespmem:s22], [sflag:$0x1] =	stream.indirect_vreg.gather [hbm4b:s8+s3], $0x80, v18, vm0, $0xb8;
	[tilespmem:$0x1E400] =	vst v63  }
0x2db: {  	v17 =	vadd.s32 v3, v17;
	s22 =	simm.s32 $0x2E80  }
0x2dc: {  	[tilespmem:s22], [sflag:$0x1] =	stream.indirect_vreg.gather [hbm4b:s8+s3], $0x80, v19, vm0, $0xb8;
	[tilespmem:$0x1E400] =	vst v63  }
0x2dd: {  	s22 =	simm.s32 $0x2F00  }
0x2de: {  	[tilespmem:s22], [sflag:$0x1] =	stream.indirect_vreg.gather [hbm4b:s8+s3], $0x80, v24, vm0, $0xb8;
	[tilespmem:$0x1E400] =	vst v63  }
0x2df: {  	s22 =	simm.s32 $0x2F80  }
0x2e0: {  	[tilespmem:s22], [sflag:$0x1] =	stream.indirect_vreg.gather [hbm4b:s8+s3], $0x80, v17, vm0, $0xb8;
	[tilespmem:$0x1E400] =	vst v63  }
0x2e1: {  	v17 =	vld [tilespmem:s21+$0x110];
	_ =	sdelay $0x4  }
0x2e2: {  	v18 =	vshll.u32 v17, $0x1  }
0x2e3: {  	v17 =	vand.u32 $0x7, v17;
	v18 =	vand.u32 $0xFFFFFFF0, v18  }
0x2e4: {  	v17 =	vor.u32 v17, v18  }
0x2e5: {  	v18 =	vperm.xlane v17, v2;
	_ =	sdelay $0x1  }
0x2e6: {  	v19 =	vperm.xlane v17, v1;
	v18 =	vadd.s32 v3, v18;
	_ =	sdelay $0x1  }
0x2e7: {  	v25 =	vperm.xlane v17, v4;
	v19 =	vadd.s32 v3, v19;
	_ =	sdelay $0x1  }
0x2e8: {  	s22 =	simm.s32 $0x3000;
	v26 =	vperm.xlane v17, v5;
	v20 =	vadd.s32 v3, v25  }
0x2e9: {  	[tilespmem:s22], [sflag:$0x1] =	stream.indirect_vreg.gather [hbm4b:s8+s3], $0x80, v18, vm0, $0xb8;
	[tilespmem:$0x1E400] =	vst v63  }
0x2ea: {  	v27 =	vperm.xlane v17, v6;
	v18 =	vadd.s32 v3, v26;
	s22 =	simm.s32 $0x3080  }
0x2eb: {  	[tilespmem:s22], [sflag:$0x1] =	stream.indirect_vreg.gather [hbm4b:s8+s3], $0x80, v19, vm0, $0xb8;
	[tilespmem:$0x1E400] =	vst v63  }
0x2ec: {  	v28 =	vperm.xlane v17, v7;
	v19 =	vadd.s32 v3, v27;
	s22 =	simm.s32 $0x3100  }
0x2ed: {  	[tilespmem:s22], [sflag:$0x1] =	stream.indirect_vreg.gather [hbm4b:s8+s3], $0x80, v20, vm0, $0xb8;
	[tilespmem:$0x1E400] =	vst v63  }
0x2ee: {  	v30 =	vperm.xlane v17, v8;
	v29 =	vadd.s32 v3, v28;
	s22 =	simm.s32 $0x3180  }
0x2ef: {  	[tilespmem:s22], [sflag:$0x1] =	stream.indirect_vreg.gather [hbm4b:s8+s3], $0x80, v18, vm0, $0xb8;
	[tilespmem:$0x1E400] =	vst v63  }
0x2f0: {  	v31 =	vperm.xlane v17, v0;
	v18 =	vadd.s32 v3, v30;
	s22 =	simm.s32 $0x3200  }
0x2f1: {  	[tilespmem:s22], [sflag:$0x1] =	stream.indirect_vreg.gather [hbm4b:s8+s3], $0x80, v19, vm0, $0xb8;
	[tilespmem:$0x1E400] =	vst v63  }
0x2f2: {  	v32 =	vperm.xlane v17, v9;
	v19 =	vadd.s32 v3, v31;
	s22 =	simm.s32 $0x3280  }
0x2f3: {  	[tilespmem:s22], [sflag:$0x1] =	stream.indirect_vreg.gather [hbm4b:s8+s3], $0x80, v29, vm0, $0xb8;
	[tilespmem:$0x1E400] =	vst v63  }
0x2f4: {  	v34 =	vperm.xlane v17, v10;
	v33 =	vadd.s32 v3, v32;
	s22 =	simm.s32 $0x3300  }
0x2f5: {  	[tilespmem:s22], [sflag:$0x1] =	stream.indirect_vreg.gather [hbm4b:s8+s3], $0x80, v18, vm0, $0xb8;
	[tilespmem:$0x1E400] =	vst v63  }
0x2f6: {  	v35 =	vperm.xlane v17, v11;
	v18 =	vadd.s32 v3, v34;
	s22 =	simm.s32 $0x3380  }
0x2f7: {  	[tilespmem:s22], [sflag:$0x1] =	stream.indirect_vreg.gather [hbm4b:s8+s3], $0x80, v19, vm0, $0xb8;
	[tilespmem:$0x1E400] =	vst v63  }
0x2f8: {  	v36 =	vperm.xlane v17, v12;
	v19 =	vadd.s32 v3, v35;
	s22 =	simm.s32 $0x3400  }
0x2f9: {  	[tilespmem:s22], [sflag:$0x1] =	stream.indirect_vreg.gather [hbm4b:s8+s3], $0x80, v33, vm0, $0xb8;
	[tilespmem:$0x1E400] =	vst v63  }
0x2fa: {  	v38 =	vperm.xlane v17, v13;
	v37 =	vadd.s32 v3, v36;
	s22 =	simm.s32 $0x3480  }
0x2fb: {  	[tilespmem:s22], [sflag:$0x1] =	stream.indirect_vreg.gather [hbm4b:s8+s3], $0x80, v18, vm0, $0xb8;
	[tilespmem:$0x1E400] =	vst v63  }
0x2fc: {  	v39 =	vperm.xlane v17, v14;
	v18 =	vadd.s32 v3, v38;
	s22 =	simm.s32 $0x3500  }
0x2fd: {  	[tilespmem:s22], [sflag:$0x1] =	stream.indirect_vreg.gather [hbm4b:s8+s3], $0x80, v19, vm0, $0xb8;
	[tilespmem:$0x1E400] =	vst v63  }
0x2fe: {  	v40 =	vperm.xlane v17, v15;
	v19 =	vadd.s32 v3, v39;
	s22 =	simm.s32 $0x3580  }
0x2ff: {  	[tilespmem:s22], [sflag:$0x1] =	stream.indirect_vreg.gather [hbm4b:s8+s3], $0x80, v37, vm0, $0xb8;
	[tilespmem:$0x1E400] =	vst v63  }
0x300: {  	v17 =	vperm.xlane v17, v16;
	v41 =	vadd.s32 v3, v40;
	s22 =	simm.s32 $0x3600  }
0x301: {  	[tilespmem:s22], [sflag:$0x1] =	stream.indirect_vreg.gather [hbm4b:s8+s3], $0x80, v18, vm0, $0xb8;
	[tilespmem:$0x1E400] =	vst v63  }
0x302: {  	v17 =	vadd.s32 v3, v17;
	s22 =	simm.s32 $0x3680  }
0x303: {  	[tilespmem:s22], [sflag:$0x1] =	stream.indirect_vreg.gather [hbm4b:s8+s3], $0x80, v19, vm0, $0xb8;
	[tilespmem:$0x1E400] =	vst v63  }
0x304: {  	s22 =	simm.s32 $0x3700  }
0x305: {  	[tilespmem:s22], [sflag:$0x1] =	stream.indirect_vreg.gather [hbm4b:s8+s3], $0x80, v41, vm0, $0xb8;
	[tilespmem:$0x1E400] =	vst v63  }
0x306: {  	s22 =	simm.s32 $0x3780  }
0x307: {  	[tilespmem:s22], [sflag:$0x1] =	stream.indirect_vreg.gather [hbm4b:s8+s3], $0x80, v17, vm0, $0xb8;
	[tilespmem:$0x1E400] =	vst v63  }
0x308: {  	v17 =	vld [tilespmem:s21+$0x120];
	_ =	sdelay $0x4  }
0x309: {  	v18 =	vshll.u32 v17, $0x1  }
0x30a: {  	v17 =	vand.u32 $0x7, v17;
	v18 =	vand.u32 $0xFFFFFFF0, v18  }
0x30b: {  	v17 =	vor.u32 v17, v18  }
0x30c: {  	v18 =	vperm.xlane v17, v2;
	_ =	sdelay $0x1  }
0x30d: {  	v19 =	vperm.xlane v17, v1;
	v18 =	vadd.s32 v3, v18;
	_ =	sdelay $0x1  }
0x30e: {  	v42 =	vperm.xlane v17, v4;
	v19 =	vadd.s32 v3, v19;
	_ =	sdelay $0x1  }
0x30f: {  	s22 =	simm.s32 $0x3800;
	v43 =	vperm.xlane v17, v5;
	v20 =	vadd.s32 v3, v42  }
0x310: {  	[tilespmem:s22], [sflag:$0x1] =	stream.indirect_vreg.gather [hbm4b:s8+s3], $0x80, v18, vm0, $0xb8;
	[tilespmem:$0x1E400] =	vst v63  }
0x311: {  	v44 =	vperm.xlane v17, v6;
	v18 =	vadd.s32 v3, v43;
	s22 =	simm.s32 $0x3880  }
0x312: {  	[tilespmem:s22], [sflag:$0x1] =	stream.indirect_vreg.gather [hbm4b:s8+s3], $0x80, v19, vm0, $0xb8;
	[tilespmem:$0x1E400] =	vst v63  }
0x313: {  	v45 =	vperm.xlane v17, v7;
	v19 =	vadd.s32 v3, v44;
	s22 =	simm.s32 $0x3900  }
0x314: {  	[tilespmem:s22], [sflag:$0x1] =	stream.indirect_vreg.gather [hbm4b:s8+s3], $0x80, v20, vm0, $0xb8;
	[tilespmem:$0x1E400] =	vst v63  }
0x315: {  	v47 =	vperm.xlane v17, v8;
	v46 =	vadd.s32 v3, v45;
	s22 =	simm.s32 $0x3980  }
0x316: {  	[tilespmem:s22], [sflag:$0x1] =	stream.indirect_vreg.gather [hbm4b:s8+s3], $0x80, v18, vm0, $0xb8;
	[tilespmem:$0x1E400] =	vst v63  }
0x317: {  	v48 =	vperm.xlane v17, v0;
	v18 =	vadd.s32 v3, v47;
	s22 =	simm.s32 $0x3A00  }
0x318: {  	[tilespmem:s22], [sflag:$0x1] =	stream.indirect_vreg.gather [hbm4b:s8+s3], $0x80, v19, vm0, $0xb8;
	[tilespmem:$0x1E400] =	vst v63  }
0x319: {  	v49 =	vperm.xlane v17, v9;
	v19 =	vadd.s32 v3, v48;
	s22 =	simm.s32 $0x3A80  }
0x31a: {  	[tilespmem:s22], [sflag:$0x1] =	stream.indirect_vreg.gather [hbm4b:s8+s3], $0x80, v46, vm0, $0xb8;
	[tilespmem:$0x1E400] =	vst v63  }
0x31b: {  	v51 =	vperm.xlane v17, v10;
	v50 =	vadd.s32 v3, v49;
	s22 =	simm.s32 $0x3B00  }
0x31c: {  	[tilespmem:s22], [sflag:$0x1] =	stream.indirect_vreg.gather [hbm4b:s8+s3], $0x80, v18, vm0, $0xb8;
	[tilespmem:$0x1E400] =	vst v63  }
0x31d: {  	v52 =	vperm.xlane v17, v11;
	v18 =	vadd.s32 v3, v51;
	s22 =	simm.s32 $0x3B80  }
0x31e: {  	[tilespmem:s22], [sflag:$0x1] =	stream.indirect_vreg.gather [hbm4b:s8+s3], $0x80, v19, vm0, $0xb8;
	[tilespmem:$0x1E400] =	vst v63  }
0x31f: {  	v53 =	vperm.xlane v17, v12;
	v19 =	vadd.s32 v3, v52;
	s22 =	simm.s32 $0x3C00  }
0x320: {  	[tilespmem:s22], [sflag:$0x1] =	stream.indirect_vreg.gather [hbm4b:s8+s3], $0x80, v50, vm0, $0xb8;
	[tilespmem:$0x1E400] =	vst v63  }
0x321: {  	v55 =	vperm.xlane v17, v13;
	v54 =	vadd.s32 v3, v53;
	s22 =	simm.s32 $0x3C80  }
0x322: {  	[tilespmem:s22], [sflag:$0x1] =	stream.indirect_vreg.gather [hbm4b:s8+s3], $0x80, v18, vm0, $0xb8;
	[tilespmem:$0x1E400] =	vst v63  }
0x323: {  	v56 =	vperm.xlane v17, v14;
	v18 =	vadd.s32 v3, v55;
	s22 =	simm.s32 $0x3D00  }
0x324: {  	[tilespmem:s22], [sflag:$0x1] =	stream.indirect_vreg.gather [hbm4b:s8+s3], $0x80, v19, vm0, $0xb8;
	[tilespmem:$0x1E400] =	vst v63  }
0x325: {  	v57 =	vperm.xlane v17, v15;
	v19 =	vadd.s32 v3, v56;
	s22 =	simm.s32 $0x3D80  }
0x326: {  	[tilespmem:s22], [sflag:$0x1] =	stream.indirect_vreg.gather [hbm4b:s8+s3], $0x80, v54, vm0, $0xb8;
	[tilespmem:$0x1E400] =	vst v63  }
0x327: {  	v17 =	vperm.xlane v17, v16;
	v58 =	vadd.s32 v3, v57;
	s22 =	simm.s32 $0x3E00  }
0x328: {  	[tilespmem:s22], [sflag:$0x1] =	stream.indirect_vreg.gather [hbm4b:s8+s3], $0x80, v18, vm0, $0xb8;
	[tilespmem:$0x1E400] =	vst v63  }
0x329: {  	v17 =	vadd.s32 v3, v17;
	s22 =	simm.s32 $0x3E80  }
0x32a: {  	[tilespmem:s22], [sflag:$0x1] =	stream.indirect_vreg.gather [hbm4b:s8+s3], $0x80, v19, vm0, $0xb8;
	[tilespmem:$0x1E400] =	vst v63  }
0x32b: {  	s22 =	simm.s32 $0x3F00  }
0x32c: {  	[tilespmem:s22], [sflag:$0x1] =	stream.indirect_vreg.gather [hbm4b:s8+s3], $0x80, v58, vm0, $0xb8;
	[tilespmem:$0x1E400] =	vst v63  }
0x32d: {  	s22 =	simm.s32 $0x3F80  }
0x32e: {  	[tilespmem:s22], [sflag:$0x1] =	stream.indirect_vreg.gather [hbm4b:s8+s3], $0x80, v17, vm0, $0xb8;
	[tilespmem:$0x1E400] =	vst v63  }
0x32f: {  	v17 =	vld [tilespmem:s21+$0x130];
	_ =	sdelay $0x4  }
0x330: {  	v18 =	vshll.u32 v17, $0x1  }
0x331: {  	v17 =	vand.u32 $0x7, v17;
	v18 =	vand.u32 $0xFFFFFFF0, v18  }
0x332: {  	v17 =	vor.u32 v17, v18  }
0x333: {  	v18 =	vperm.xlane v17, v2;
	_ =	sdelay $0x1  }
0x334: {  	v19 =	vperm.xlane v17, v1;
	v18 =	vadd.s32 v3, v18;
	_ =	sdelay $0x1  }
0x335: {  	v59 =	vperm.xlane v17, v4;
	v19 =	vadd.s32 v3, v19;
	_ =	sdelay $0x1  }
0x336: {  	s22 =	simm.s32 $0x4000;
	v60 =	vperm.xlane v17, v5;
	v20 =	vadd.s32 v3, v59  }
0x337: {  	[tilespmem:s22], [sflag:$0x1] =	stream.indirect_vreg.gather [hbm4b:s8+s3], $0x80, v18, vm0, $0xb8;
	[tilespmem:$0x1E400] =	vst v63  }
0x338: {  	v61 =	vperm.xlane v17, v6;
	v18 =	vadd.s32 v3, v60;
	s22 =	simm.s32 $0x4080  }
0x339: {  	[tilespmem:s22], [sflag:$0x1] =	stream.indirect_vreg.gather [hbm4b:s8+s3], $0x80, v19, vm0, $0xb8;
	[tilespmem:$0x1E400] =	vst v63  }
0x33a: {  	v62 =	vperm.xlane v17, v7;
	v19 =	vadd.s32 v3, v61;
	s22 =	simm.s32 $0x4100  }
0x33b: {  	[tilespmem:s22], [sflag:$0x1] =	stream.indirect_vreg.gather [hbm4b:s8+s3], $0x80, v20, vm0, $0xb8;
	[tilespmem:$0x1E400] =	vst v63  }
0x33c: {  	v24 =	vperm.xlane v17, v8;
	v63 =	vadd.s32 v3, v62;
	s22 =	simm.s32 $0x4180  }
0x33d: {  	[tilespmem:s22], [sflag:$0x1] =	stream.indirect_vreg.gather [hbm4b:s8+s3], $0x80, v18, vm0, $0xb8;
	[tilespmem:$0x1E400] =	vst v63  }
0x33e: {  	v25 =	vperm.xlane v17, v0;
	v18 =	vadd.s32 v3, v24;
	s22 =	simm.s32 $0x4200  }
0x33f: {  	[tilespmem:s22], [sflag:$0x1] =	stream.indirect_vreg.gather [hbm4b:s8+s3], $0x80, v19, vm0, $0xb8;
	[tilespmem:$0x1E400] =	vst v63  }
0x340: {  	v26 =	vperm.xlane v17, v9;
	v19 =	vadd.s32 v3, v25;
	s22 =	simm.s32 $0x4280  }
0x341: {  	[tilespmem:s22], [sflag:$0x1] =	stream.indirect_vreg.gather [hbm4b:s8+s3], $0x80, v63, vm0, $0xb8;
	[tilespmem:$0x1E400] =	vst v63  }
0x342: {  	v28 =	vperm.xlane v17, v10;
	v27 =	vadd.s32 v3, v26;
	s22 =	simm.s32 $0x4300  }
0x343: {  	[tilespmem:s22], [sflag:$0x1] =	stream.indirect_vreg.gather [hbm4b:s8+s3], $0x80, v18, vm0, $0xb8;
	[tilespmem:$0x1E400] =	vst v63  }
0x344: {  	v29 =	vperm.xlane v17, v11;
	v18 =	vadd.s32 v3, v28;
	s22 =	simm.s32 $0x4380  }
0x345: {  	[tilespmem:s22], [sflag:$0x1] =	stream.indirect_vreg.gather [hbm4b:s8+s3], $0x80, v19, vm0, $0xb8;
	[tilespmem:$0x1E400] =	vst v63  }
0x346: {  	v30 =	vperm.xlane v17, v12;
	v19 =	vadd.s32 v3, v29;
	s22 =	simm.s32 $0x4400  }
0x347: {  	[tilespmem:s22], [sflag:$0x1] =	stream.indirect_vreg.gather [hbm4b:s8+s3], $0x80, v27, vm0, $0xb8;
	[tilespmem:$0x1E400] =	vst v63  }
0x348: {  	v32 =	vperm.xlane v17, v13;
	v31 =	vadd.s32 v3, v30;
	s22 =	simm.s32 $0x4480  }
0x349: {  	[tilespmem:s22], [sflag:$0x1] =	stream.indirect_vreg.gather [hbm4b:s8+s3], $0x80, v18, vm0, $0xb8;
	[tilespmem:$0x1E400] =	vst v63  }
0x34a: {  	v33 =	vperm.xlane v17, v14;
	v18 =	vadd.s32 v3, v32;
	s22 =	simm.s32 $0x4500  }
0x34b: {  	[tilespmem:s22], [sflag:$0x1] =	stream.indirect_vreg.gather [hbm4b:s8+s3], $0x80, v19, vm0, $0xb8;
	[tilespmem:$0x1E400] =	vst v63  }
0x34c: {  	v34 =	vperm.xlane v17, v15;
	v19 =	vadd.s32 v3, v33;
	s22 =	simm.s32 $0x4580  }
0x34d: {  	[tilespmem:s22], [sflag:$0x1] =	stream.indirect_vreg.gather [hbm4b:s8+s3], $0x80, v31, vm0, $0xb8;
	[tilespmem:$0x1E400] =	vst v63  }
0x34e: {  	v17 =	vperm.xlane v17, v16;
	v35 =	vadd.s32 v3, v34;
	s22 =	simm.s32 $0x4600  }
0x34f: {  	[tilespmem:s22], [sflag:$0x1] =	stream.indirect_vreg.gather [hbm4b:s8+s3], $0x80, v18, vm0, $0xb8;
	[tilespmem:$0x1E400] =	vst v63  }
0x350: {  	v17 =	vadd.s32 v3, v17;
	s22 =	simm.s32 $0x4680  }
0x351: {  	[tilespmem:s22], [sflag:$0x1] =	stream.indirect_vreg.gather [hbm4b:s8+s3], $0x80, v19, vm0, $0xb8;
	[tilespmem:$0x1E400] =	vst v63  }
0x352: {  	s22 =	simm.s32 $0x4700  }
0x353: {  	[tilespmem:s22], [sflag:$0x1] =	stream.indirect_vreg.gather [hbm4b:s8+s3], $0x80, v35, vm0, $0xb8;
	[tilespmem:$0x1E400] =	vst v63  }
0x354: {  	s22 =	simm.s32 $0x4780  }
0x355: {  	[tilespmem:s22], [sflag:$0x1] =	stream.indirect_vreg.gather [hbm4b:s8+s3], $0x80, v17, vm0, $0xb8;
	[tilespmem:$0x1E400] =	vst v63  }
0x356: {  	v17 =	vld [tilespmem:s21+$0x140];
	_ =	sdelay $0x4  }
0x357: {  	v18 =	vshll.u32 v17, $0x1  }
0x358: {  	v17 =	vand.u32 $0x7, v17;
	v18 =	vand.u32 $0xFFFFFFF0, v18  }
0x359: {  	v17 =	vor.u32 v17, v18  }
0x35a: {  	v18 =	vperm.xlane v17, v2;
	_ =	sdelay $0x1  }
0x35b: {  	v19 =	vperm.xlane v17, v1;
	v18 =	vadd.s32 v3, v18;
	_ =	sdelay $0x1  }
0x35c: {  	v36 =	vperm.xlane v17, v4;
	v19 =	vadd.s32 v3, v19;
	_ =	sdelay $0x1  }
0x35d: {  	s22 =	simm.s32 $0x4800;
	v37 =	vperm.xlane v17, v5;
	v20 =	vadd.s32 v3, v36  }
0x35e: {  	[tilespmem:s22], [sflag:$0x1] =	stream.indirect_vreg.gather [hbm4b:s8+s3], $0x80, v18, vm0, $0xb8;
	[tilespmem:$0x1E400] =	vst v63  }
0x35f: {  	v38 =	vperm.xlane v17, v6;
	v18 =	vadd.s32 v3, v37;
	s22 =	simm.s32 $0x4880  }
0x360: {  	[tilespmem:s22], [sflag:$0x1] =	stream.indirect_vreg.gather [hbm4b:s8+s3], $0x80, v19, vm0, $0xb8;
	[tilespmem:$0x1E400] =	vst v63  }
0x361: {  	v39 =	vperm.xlane v17, v7;
	v19 =	vadd.s32 v3, v38;
	s22 =	simm.s32 $0x4900  }
0x362: {  	[tilespmem:s22], [sflag:$0x1] =	stream.indirect_vreg.gather [hbm4b:s8+s3], $0x80, v20, vm0, $0xb8;
	[tilespmem:$0x1E400] =	vst v63  }
0x363: {  	v41 =	vperm.xlane v17, v8;
	v40 =	vadd.s32 v3, v39;
	s22 =	simm.s32 $0x4980  }
0x364: {  	[tilespmem:s22], [sflag:$0x1] =	stream.indirect_vreg.gather [hbm4b:s8+s3], $0x80, v18, vm0, $0xb8;
	[tilespmem:$0x1E400] =	vst v63  }
0x365: {  	v42 =	vperm.xlane v17, v0;
	v18 =	vadd.s32 v3, v41;
	s22 =	simm.s32 $0x4A00  }
0x366: {  	[tilespmem:s22], [sflag:$0x1] =	stream.indirect_vreg.gather [hbm4b:s8+s3], $0x80, v19, vm0, $0xb8;
	[tilespmem:$0x1E400] =	vst v63  }
0x367: {  	v43 =	vperm.xlane v17, v9;
	v19 =	vadd.s32 v3, v42;
	s22 =	simm.s32 $0x4A80  }
0x368: {  	[tilespmem:s22], [sflag:$0x1] =	stream.indirect_vreg.gather [hbm4b:s8+s3], $0x80, v40, vm0, $0xb8;
	[tilespmem:$0x1E400] =	vst v63  }
0x369: {  	v45 =	vperm.xlane v17, v10;
	v44 =	vadd.s32 v3, v43;
	s22 =	simm.s32 $0x4B00  }
0x36a: {  	[tilespmem:s22], [sflag:$0x1] =	stream.indirect_vreg.gather [hbm4b:s8+s3], $0x80, v18, vm0, $0xb8;
	[tilespmem:$0x1E400] =	vst v63  }
0x36b: {  	v46 =	vperm.xlane v17, v11;
	v18 =	vadd.s32 v3, v45;
	s22 =	simm.s32 $0x4B80  }
0x36c: {  	[tilespmem:s22], [sflag:$0x1] =	stream.indirect_vreg.gather [hbm4b:s8+s3], $0x80, v19, vm0, $0xb8;
	[tilespmem:$0x1E400] =	vst v63  }
0x36d: {  	v47 =	vperm.xlane v17, v12;
	v19 =	vadd.s32 v3, v46;
	s22 =	simm.s32 $0x4C00  }
0x36e: {  	[tilespmem:s22], [sflag:$0x1] =	stream.indirect_vreg.gather [hbm4b:s8+s3], $0x80, v44, vm0, $0xb8;
	[tilespmem:$0x1E400] =	vst v63  }
0x36f: {  	v49 =	vperm.xlane v17, v13;
	v48 =	vadd.s32 v3, v47;
	s22 =	simm.s32 $0x4C80  }
0x370: {  	[tilespmem:s22], [sflag:$0x1] =	stream.indirect_vreg.gather [hbm4b:s8+s3], $0x80, v18, vm0, $0xb8;
	[tilespmem:$0x1E400] =	vst v63  }
0x371: {  	v50 =	vperm.xlane v17, v14;
	v18 =	vadd.s32 v3, v49;
	s22 =	simm.s32 $0x4D00  }
0x372: {  	[tilespmem:s22], [sflag:$0x1] =	stream.indirect_vreg.gather [hbm4b:s8+s3], $0x80, v19, vm0, $0xb8;
	[tilespmem:$0x1E400] =	vst v63  }
0x373: {  	v51 =	vperm.xlane v17, v15;
	v19 =	vadd.s32 v3, v50;
	s22 =	simm.s32 $0x4D80  }
0x374: {  	[tilespmem:s22], [sflag:$0x1] =	stream.indirect_vreg.gather [hbm4b:s8+s3], $0x80, v48, vm0, $0xb8;
	[tilespmem:$0x1E400] =	vst v63  }
0x375: {  	v17 =	vperm.xlane v17, v16;
	v52 =	vadd.s32 v3, v51;
	s22 =	simm.s32 $0x4E00  }
0x376: {  	[tilespmem:s22], [sflag:$0x1] =	stream.indirect_vreg.gather [hbm4b:s8+s3], $0x80, v18, vm0, $0xb8;
	[tilespmem:$0x1E400] =	vst v63  }
0x377: {  	v17 =	vadd.s32 v3, v17;
	s22 =	simm.s32 $0x4E80  }
0x378: {  	[tilespmem:s22], [sflag:$0x1] =	stream.indirect_vreg.gather [hbm4b:s8+s3], $0x80, v19, vm0, $0xb8;
	[tilespmem:$0x1E400] =	vst v63  }
0x379: {  	s22 =	simm.s32 $0x4F00  }
0x37a: {  	[tilespmem:s22], [sflag:$0x1] =	stream.indirect_vreg.gather [hbm4b:s8+s3], $0x80, v52, vm0, $0xb8;
	[tilespmem:$0x1E400] =	vst v63  }
0x37b: {  	s22 =	simm.s32 $0x4F80  }
0x37c: {  	[tilespmem:s22], [sflag:$0x1] =	stream.indirect_vreg.gather [hbm4b:s8+s3], $0x80, v17, vm0, $0xb8;
	[tilespmem:$0x1E400] =	vst v63  }
0x37d: {  	v17 =	vld [tilespmem:s21+$0x150];
	_ =	sdelay $0x4  }
0x37e: {  	v18 =	vshll.u32 v17, $0x1  }
0x37f: {  	v17 =	vand.u32 $0x7, v17;
	v18 =	vand.u32 $0xFFFFFFF0, v18  }
0x380: {  	v17 =	vor.u32 v17, v18  }
0x381: {  	v18 =	vperm.xlane v17, v2;
	_ =	sdelay $0x1  }
0x382: {  	v19 =	vperm.xlane v17, v1;
	v18 =	vadd.s32 v3, v18;
	_ =	sdelay $0x1  }
0x383: {  	v53 =	vperm.xlane v17, v4;
	v19 =	vadd.s32 v3, v19;
	_ =	sdelay $0x1  }
0x384: {  	s22 =	simm.s32 $0x5000;
	v54 =	vperm.xlane v17, v5;
	v20 =	vadd.s32 v3, v53  }
0x385: {  	[tilespmem:s22], [sflag:$0x1] =	stream.indirect_vreg.gather [hbm4b:s8+s3], $0x80, v18, vm0, $0xb8;
	[tilespmem:$0x1E400] =	vst v63  }
0x386: {  	v55 =	vperm.xlane v17, v6;
	v18 =	vadd.s32 v3, v54;
	s22 =	simm.s32 $0x5080  }
0x387: {  	[tilespmem:s22], [sflag:$0x1] =	stream.indirect_vreg.gather [hbm4b:s8+s3], $0x80, v19, vm0, $0xb8;
	[tilespmem:$0x1E400] =	vst v63  }
0x388: {  	v56 =	vperm.xlane v17, v7;
	v19 =	vadd.s32 v3, v55;
	s22 =	simm.s32 $0x5100  }
0x389: {  	[tilespmem:s22], [sflag:$0x1] =	stream.indirect_vreg.gather [hbm4b:s8+s3], $0x80, v20, vm0, $0xb8;
	[tilespmem:$0x1E400] =	vst v63  }
0x38a: {  	v58 =	vperm.xlane v17, v8;
	v57 =	vadd.s32 v3, v56;
	s22 =	simm.s32 $0x5180  }
0x38b: {  	[tilespmem:s22], [sflag:$0x1] =	stream.indirect_vreg.gather [hbm4b:s8+s3], $0x80, v18, vm0, $0xb8;
	[tilespmem:$0x1E400] =	vst v63  }
0x38c: {  	v59 =	vperm.xlane v17, v0;
	v18 =	vadd.s32 v3, v58;
	s22 =	simm.s32 $0x5200  }
0x38d: {  	[tilespmem:s22], [sflag:$0x1] =	stream.indirect_vreg.gather [hbm4b:s8+s3], $0x80, v19, vm0, $0xb8;
	[tilespmem:$0x1E400] =	vst v63  }
0x38e: {  	v60 =	vperm.xlane v17, v9;
	v19 =	vadd.s32 v3, v59;
	s22 =	simm.s32 $0x5280  }
0x38f: {  	[tilespmem:s22], [sflag:$0x1] =	stream.indirect_vreg.gather [hbm4b:s8+s3], $0x80, v57, vm0, $0xb8;
	[tilespmem:$0x1E400] =	vst v63  }
0x390: {  	v62 =	vperm.xlane v17, v10;
	v61 =	vadd.s32 v3, v60;
	s22 =	simm.s32 $0x5300  }
0x391: {  	[tilespmem:s22], [sflag:$0x1] =	stream.indirect_vreg.gather [hbm4b:s8+s3], $0x80, v18, vm0, $0xb8;
	[tilespmem:$0x1E400] =	vst v63  }
0x392: {  	v63 =	vperm.xlane v17, v11;
	v18 =	vadd.s32 v3, v62;
	s22 =	simm.s32 $0x5380  }
0x393: {  	[tilespmem:s22], [sflag:$0x1] =	stream.indirect_vreg.gather [hbm4b:s8+s3], $0x80, v19, vm0, $0xb8;
	[tilespmem:$0x1E400] =	vst v63  }
0x394: {  	v24 =	vperm.xlane v17, v12;
	v19 =	vadd.s32 v3, v63;
	s22 =	simm.s32 $0x5400  }
0x395: {  	[tilespmem:s22], [sflag:$0x1] =	stream.indirect_vreg.gather [hbm4b:s8+s3], $0x80, v61, vm0, $0xb8;
	[tilespmem:$0x1E400] =	vst v63  }
0x396: {  	v26 =	vperm.xlane v17, v13;
	v25 =	vadd.s32 v3, v24;
	s22 =	simm.s32 $0x5480  }
0x397: {  	[tilespmem:s22], [sflag:$0x1] =	stream.indirect_vreg.gather [hbm4b:s8+s3], $0x80, v18, vm0, $0xb8;
	[tilespmem:$0x1E400] =	vst v63  }
0x398: {  	v27 =	vperm.xlane v17, v14;
	v18 =	vadd.s32 v3, v26;
	s22 =	simm.s32 $0x5500  }
0x399: {  	[tilespmem:s22], [sflag:$0x1] =	stream.indirect_vreg.gather [hbm4b:s8+s3], $0x80, v19, vm0, $0xb8;
	[tilespmem:$0x1E400] =	vst v63  }
0x39a: {  	v28 =	vperm.xlane v17, v15;
	v19 =	vadd.s32 v3, v27;
	s22 =	simm.s32 $0x5580  }
0x39b: {  	[tilespmem:s22], [sflag:$0x1] =	stream.indirect_vreg.gather [hbm4b:s8+s3], $0x80, v25, vm0, $0xb8;
	[tilespmem:$0x1E400] =	vst v63  }
0x39c: {  	v17 =	vperm.xlane v17, v16;
	v29 =	vadd.s32 v3, v28;
	s22 =	simm.s32 $0x5600  }
0x39d: {  	[tilespmem:s22], [sflag:$0x1] =	stream.indirect_vreg.gather [hbm4b:s8+s3], $0x80, v18, vm0, $0xb8;
	[tilespmem:$0x1E400] =	vst v63  }
0x39e: {  	v17 =	vadd.s32 v3, v17;
	s22 =	simm.s32 $0x5680  }
0x39f: {  	[tilespmem:s22], [sflag:$0x1] =	stream.indirect_vreg.gather [hbm4b:s8+s3], $0x80, v19, vm0, $0xb8;
	[tilespmem:$0x1E400] =	vst v63  }
0x3a0: {  	s22 =	simm.s32 $0x5700  }
0x3a1: {  	[tilespmem:s22], [sflag:$0x1] =	stream.indirect_vreg.gather [hbm4b:s8+s3], $0x80, v29, vm0, $0xb8;
	[tilespmem:$0x1E400] =	vst v63  }
0x3a2: {  	s22 =	simm.s32 $0x5780  }
0x3a3: {  	[tilespmem:s22], [sflag:$0x1] =	stream.indirect_vreg.gather [hbm4b:s8+s3], $0x80, v17, vm0, $0xb8;
	[tilespmem:$0x1E400] =	vst v63  }
0x3a4: {  	v17 =	vld [tilespmem:s21+$0x160];
	_ =	sdelay $0x4  }
0x3a5: {  	v18 =	vshll.u32 v17, $0x1  }
0x3a6: {  	v17 =	vand.u32 $0x7, v17;
	v18 =	vand.u32 $0xFFFFFFF0, v18  }
0x3a7: {  	v17 =	vor.u32 v17, v18  }
0x3a8: {  	v18 =	vperm.xlane v17, v2;
	_ =	sdelay $0x1  }
0x3a9: {  	v19 =	vperm.xlane v17, v1;
	v18 =	vadd.s32 v3, v18;
	_ =	sdelay $0x1  }
0x3aa: {  	v30 =	vperm.xlane v17, v4;
	v19 =	vadd.s32 v3, v19;
	_ =	sdelay $0x1  }
0x3ab: {  	s22 =	simm.s32 $0x5800;
	v31 =	vperm.xlane v17, v5;
	v20 =	vadd.s32 v3, v30  }
0x3ac: {  	[tilespmem:s22], [sflag:$0x1] =	stream.indirect_vreg.gather [hbm4b:s8+s3], $0x80, v18, vm0, $0xb8;
	[tilespmem:$0x1E400] =	vst v63  }
0x3ad: {  	v32 =	vperm.xlane v17, v6;
	v18 =	vadd.s32 v3, v31;
	s22 =	simm.s32 $0x5880  }
0x3ae: {  	[tilespmem:s22], [sflag:$0x1] =	stream.indirect_vreg.gather [hbm4b:s8+s3], $0x80, v19, vm0, $0xb8;
	[tilespmem:$0x1E400] =	vst v63  }
0x3af: {  	v33 =	vperm.xlane v17, v7;
	v19 =	vadd.s32 v3, v32;
	s22 =	simm.s32 $0x5900  }
0x3b0: {  	[tilespmem:s22], [sflag:$0x1] =	stream.indirect_vreg.gather [hbm4b:s8+s3], $0x80, v20, vm0, $0xb8;
	[tilespmem:$0x1E400] =	vst v63  }
0x3b1: {  	v35 =	vperm.xlane v17, v8;
	v34 =	vadd.s32 v3, v33;
	s22 =	simm.s32 $0x5980  }
0x3b2: {  	[tilespmem:s22], [sflag:$0x1] =	stream.indirect_vreg.gather [hbm4b:s8+s3], $0x80, v18, vm0, $0xb8;
	[tilespmem:$0x1E400] =	vst v63  }
0x3b3: {  	v36 =	vperm.xlane v17, v0;
	v18 =	vadd.s32 v3, v35;
	s22 =	simm.s32 $0x5A00  }
0x3b4: {  	[tilespmem:s22], [sflag:$0x1] =	stream.indirect_vreg.gather [hbm4b:s8+s3], $0x80, v19, vm0, $0xb8;
	[tilespmem:$0x1E400] =	vst v63  }
0x3b5: {  	v37 =	vperm.xlane v17, v9;
	v19 =	vadd.s32 v3, v36;
	s22 =	simm.s32 $0x5A80  }
0x3b6: {  	[tilespmem:s22], [sflag:$0x1] =	stream.indirect_vreg.gather [hbm4b:s8+s3], $0x80, v34, vm0, $0xb8;
	[tilespmem:$0x1E400] =	vst v63  }
0x3b7: {  	v39 =	vperm.xlane v17, v10;
	v38 =	vadd.s32 v3, v37;
	s22 =	simm.s32 $0x5B00  }
0x3b8: {  	[tilespmem:s22], [sflag:$0x1] =	stream.indirect_vreg.gather [hbm4b:s8+s3], $0x80, v18, vm0, $0xb8;
	[tilespmem:$0x1E400] =	vst v63  }
0x3b9: {  	v40 =	vperm.xlane v17, v11;
	v18 =	vadd.s32 v3, v39;
	s22 =	simm.s32 $0x5B80  }
0x3ba: {  	[tilespmem:s22], [sflag:$0x1] =	stream.indirect_vreg.gather [hbm4b:s8+s3], $0x80, v19, vm0, $0xb8;
	[tilespmem:$0x1E400] =	vst v63  }
0x3bb: {  	v41 =	vperm.xlane v17, v12;
	v19 =	vadd.s32 v3, v40;
	s22 =	simm.s32 $0x5C00  }
0x3bc: {  	[tilespmem:s22], [sflag:$0x1] =	stream.indirect_vreg.gather [hbm4b:s8+s3], $0x80, v38, vm0, $0xb8;
	[tilespmem:$0x1E400] =	vst v63  }
0x3bd: {  	v43 =	vperm.xlane v17, v13;
	v42 =	vadd.s32 v3, v41;
	s22 =	simm.s32 $0x5C80  }
0x3be: {  	[tilespmem:s22], [sflag:$0x1] =	stream.indirect_vreg.gather [hbm4b:s8+s3], $0x80, v18, vm0, $0xb8;
	[tilespmem:$0x1E400] =	vst v63  }
0x3bf: {  	v44 =	vperm.xlane v17, v14;
	v18 =	vadd.s32 v3, v43;
	s22 =	simm.s32 $0x5D00  }
0x3c0: {  	[tilespmem:s22], [sflag:$0x1] =	stream.indirect_vreg.gather [hbm4b:s8+s3], $0x80, v19, vm0, $0xb8;
	[tilespmem:$0x1E400] =	vst v63  }
0x3c1: {  	v45 =	vperm.xlane v17, v15;
	v19 =	vadd.s32 v3, v44;
	s22 =	simm.s32 $0x5D80  }
0x3c2: {  	[tilespmem:s22], [sflag:$0x1] =	stream.indirect_vreg.gather [hbm4b:s8+s3], $0x80, v42, vm0, $0xb8;
	[tilespmem:$0x1E400] =	vst v63  }
0x3c3: {  	v17 =	vperm.xlane v17, v16;
	v46 =	vadd.s32 v3, v45;
	s22 =	simm.s32 $0x5E00  }
0x3c4: {  	[tilespmem:s22], [sflag:$0x1] =	stream.indirect_vreg.gather [hbm4b:s8+s3], $0x80, v18, vm0, $0xb8;
	[tilespmem:$0x1E400] =	vst v63  }
0x3c5: {  	v17 =	vadd.s32 v3, v17;
	s22 =	simm.s32 $0x5E80  }
0x3c6: {  	[tilespmem:s22], [sflag:$0x1] =	stream.indirect_vreg.gather [hbm4b:s8+s3], $0x80, v19, vm0, $0xb8;
	[tilespmem:$0x1E400] =	vst v63  }
0x3c7: {  	s22 =	simm.s32 $0x5F00  }
0x3c8: {  	[tilespmem:s22], [sflag:$0x1] =	stream.indirect_vreg.gather [hbm4b:s8+s3], $0x80, v46, vm0, $0xb8;
	[tilespmem:$0x1E400] =	vst v63  }
0x3c9: {  	s22 =	simm.s32 $0x5F80  }
0x3ca: {  	[tilespmem:s22], [sflag:$0x1] =	stream.indirect_vreg.gather [hbm4b:s8+s3], $0x80, v17, vm0, $0xb8;
	[tilespmem:$0x1E400] =	vst v63  }
0x3cb: {  	v17 =	vld [tilespmem:s21+$0x170];
	_ =	sdelay $0x4  }
0x3cc: {  	v18 =	vshll.u32 v17, $0x1  }
0x3cd: {  	v17 =	vand.u32 $0x7, v17;
	v18 =	vand.u32 $0xFFFFFFF0, v18  }
0x3ce: {  	v17 =	vor.u32 v17, v18  }
0x3cf: {  	v18 =	vperm.xlane v17, v2;
	_ =	sdelay $0x1  }
0x3d0: {  	v19 =	vperm.xlane v17, v1;
	v18 =	vadd.s32 v3, v18;
	_ =	sdelay $0x1  }
0x3d1: {  	v47 =	vperm.xlane v17, v4;
	v19 =	vadd.s32 v3, v19;
	_ =	sdelay $0x1  }
0x3d2: {  	s22 =	simm.s32 $0x6000;
	v48 =	vperm.xlane v17, v5;
	v20 =	vadd.s32 v3, v47  }
0x3d3: {  	[tilespmem:s22], [sflag:$0x1] =	stream.indirect_vreg.gather [hbm4b:s8+s3], $0x80, v18, vm0, $0xb8;
	[tilespmem:$0x1E400] =	vst v63  }
0x3d4: {  	v49 =	vperm.xlane v17, v6;
	v18 =	vadd.s32 v3, v48;
	s22 =	simm.s32 $0x6080  }
0x3d5: {  	[tilespmem:s22], [sflag:$0x1] =	stream.indirect_vreg.gather [hbm4b:s8+s3], $0x80, v19, vm0, $0xb8;
	[tilespmem:$0x1E400] =	vst v63  }
0x3d6: {  	v50 =	vperm.xlane v17, v7;
	v19 =	vadd.s32 v3, v49;
	s22 =	simm.s32 $0x6100  }
0x3d7: {  	[tilespmem:s22], [sflag:$0x1] =	stream.indirect_vreg.gather [hbm4b:s8+s3], $0x80, v20, vm0, $0xb8;
	[tilespmem:$0x1E400] =	vst v63  }
0x3d8: {  	v52 =	vperm.xlane v17, v8;
	v51 =	vadd.s32 v3, v50;
	s22 =	simm.s32 $0x6180  }
0x3d9: {  	[tilespmem:s22], [sflag:$0x1] =	stream.indirect_vreg.gather [hbm4b:s8+s3], $0x80, v18, vm0, $0xb8;
	[tilespmem:$0x1E400] =	vst v63  }
0x3da: {  	v53 =	vperm.xlane v17, v0;
	v18 =	vadd.s32 v3, v52;
	s22 =	simm.s32 $0x6200  }
0x3db: {  	[tilespmem:s22], [sflag:$0x1] =	stream.indirect_vreg.gather [hbm4b:s8+s3], $0x80, v19, vm0, $0xb8;
	[tilespmem:$0x1E400] =	vst v63  }
0x3dc: {  	v54 =	vperm.xlane v17, v9;
	v19 =	vadd.s32 v3, v53;
	s22 =	simm.s32 $0x6280  }
0x3dd: {  	[tilespmem:s22], [sflag:$0x1] =	stream.indirect_vreg.gather [hbm4b:s8+s3], $0x80, v51, vm0, $0xb8;
	[tilespmem:$0x1E400] =	vst v63  }
0x3de: {  	v56 =	vperm.xlane v17, v10;
	v55 =	vadd.s32 v3, v54;
	s22 =	simm.s32 $0x6300  }
0x3df: {  	[tilespmem:s22], [sflag:$0x1] =	stream.indirect_vreg.gather [hbm4b:s8+s3], $0x80, v18, vm0, $0xb8;
	[tilespmem:$0x1E400] =	vst v63  }
0x3e0: {  	v57 =	vperm.xlane v17, v11;
	v18 =	vadd.s32 v3, v56;
	s22 =	simm.s32 $0x6380  }
0x3e1: {  	[tilespmem:s22], [sflag:$0x1] =	stream.indirect_vreg.gather [hbm4b:s8+s3], $0x80, v19, vm0, $0xb8;
	[tilespmem:$0x1E400] =	vst v63  }
0x3e2: {  	v58 =	vperm.xlane v17, v12;
	v19 =	vadd.s32 v3, v57;
	s22 =	simm.s32 $0x6400  }
0x3e3: {  	[tilespmem:s22], [sflag:$0x1] =	stream.indirect_vreg.gather [hbm4b:s8+s3], $0x80, v55, vm0, $0xb8;
	[tilespmem:$0x1E400] =	vst v63  }
0x3e4: {  	v60 =	vperm.xlane v17, v13;
	v59 =	vadd.s32 v3, v58;
	s22 =	simm.s32 $0x6480  }
0x3e5: {  	[tilespmem:s22], [sflag:$0x1] =	stream.indirect_vreg.gather [hbm4b:s8+s3], $0x80, v18, vm0, $0xb8;
	[tilespmem:$0x1E400] =	vst v63  }
0x3e6: {  	v61 =	vperm.xlane v17, v14;
	v18 =	vadd.s32 v3, v60;
	s22 =	simm.s32 $0x6500  }
0x3e7: {  	[tilespmem:s22], [sflag:$0x1] =	stream.indirect_vreg.gather [hbm4b:s8+s3], $0x80, v19, vm0, $0xb8;
	[tilespmem:$0x1E400] =	vst v63  }
0x3e8: {  	v19 =	vadd.s32 v3, v61;
	s22 =	simm.s32 $0x6580  }
0x3e9: {  	v62 =	vperm.xlane v17, v15;
	[tilespmem:s22], [sflag:$0x1] =	stream.indirect_vreg.gather [hbm4b:s8+s3], $0x80, v59, vm0, $0xb8;
	[tilespmem:$0x1E400] =	vst v63  }
0x3ea: {  	s22 =	simm.s32 $0x6600  }
0x3eb: {  	v17 =	vperm.xlane v17, v16;
	v63 =	vadd.s32 v3, v62;
	[tilespmem:s22], [sflag:$0x1] =	stream.indirect_vreg.gather [hbm4b:s8+s3], $0x80, v18, vm0, $0xb8;
	[tilespmem:$0x1E400] =	vst v63  }
0x3ec: {  	s22 =	simm.s32 $0x6680  }
0x3ed: {  	v17 =	vadd.s32 v3, v17;
	[tilespmem:s22], [sflag:$0x1] =	stream.indirect_vreg.gather [hbm4b:s8+s3], $0x80, v19, vm0, $0xb8;
	[tilespmem:$0x1E400] =	vst v63  }
.Ltmp5:
0x3ee: {  	_ = 	snop;
	(pc) =	sbr.rel .LBB2_4-.Ltmp5, $4  }
0x3ef: {  	s22 =	simm.s32 $0x6700  }
0x3f0: {  	[tilespmem:s22], [sflag:$0x1] =	stream.indirect_vreg.gather [hbm4b:s8+s3], $0x80, v63, vm0, $0xb8;
	[tilespmem:$0x1E400] =	vst v63  }
0x3f1: {  	s22 =	simm.s32 $0x6780  }
0x3f2: {  	[tilespmem:s22], [sflag:$0x1] =	stream.indirect_vreg.gather [hbm4b:s8+s3], $0x80, v17, vm0, $0xb8;
	[tilespmem:$0x1E400] =	vst v63  }
.LBB2_5:
0x3f3: {  	s20 =	simm.s32 $0x0;
	s21 =	rddreg [dreg:$0xb]  }
0x3f4: {  	[tilespmem:s20], [sflag:$0x3] =	stream.linear.gather [hbm4b:s21+s20], $0x1400, $0x38;
	[tilespmem:$0x1E400] =	vst v63  }
0x3f5: {  	_ =	swait.ge [sflag:s14], $0x1400  }
0x3f6: {  	[sflag:s14] =	ssyncset.done $0x0  }
0x3f7: {  	s22 =	simm.s32 $0x1400;
	s21 =	rddreg [dreg:$0xc];
	[sflag:s14] =	ssyncadd.s32 $0xFFFFEC00  }
0x3f8: {  	[tilespmem:s22], [sflag:$0x3] =	stream.linear.gather [hbm4b:s21+s20], $0x1400, $0x38;
	[tilespmem:$0x1E400] =	vst v63  }
0x3f9: {  	_ =	swait.ge [sflag:s14], $0x1400  }
0x3fa: {  	[sflag:s14] =	ssyncset.done $0x0  }
0x3fb: {  	[sflag:s14] =	ssyncadd.s32 $0xFFFFEC00  }
0x3fc: {  	v17 =	vld [tilespmem:$0x0];
	_ =	sdelay $0x4  }
0x3fd: {  	v18 =	vshll.u32 v17, $0x1  }
0x3fe: {  	v17 =	vand.u32 $0x7, v17;
	v18 =	vand.u32 $0xFFFFFFF0, v18  }
0x3ff: {  	v17 =	vor.u32 v17, v18  }
0x400: {  	v18 =	vperm.xlane v17, v2;
	_ =	sdelay $0x1  }
0x401: {  	v19 =	vperm.xlane v17, v1;
	v18 =	vadd.s32 v3, v18;
	_ =	sdelay $0x1  }
0x402: {  	v20 =	vperm.xlane v17, v4;
	v19 =	vadd.s32 v3, v19;
	_ =	sdelay $0x1  }
0x403: {  	v21 =	vperm.xlane v17, v5;
	v20 =	vadd.s32 v3, v20  }
0x404: {  	[tilespmem:s16], [sflag:$0x1] =	stream.indirect_vreg.gather [hbm4b:s8+s20], $0x80, v18, vm0, $0xb8;
	[tilespmem:$0x1E400] =	vst v63  }
0x405: {  	s22 =	simm.s32 $0x2880;
	v50 =	vperm.xlane v17, v6;
	v18 =	vadd.s32 v3, v21  }
0x406: {  	[tilespmem:s22], [sflag:$0x1] =	stream.indirect_vreg.gather [hbm4b:s8+s20], $0x80, v19, vm0, $0xb8;
	[tilespmem:$0x1E400] =	vst v63  }
0x407: {  	v51 =	vperm.xlane v17, v7;
	v19 =	vadd.s32 v3, v50;
	s22 =	simm.s32 $0x2900  }
0x408: {  	[tilespmem:s22], [sflag:$0x1] =	stream.indirect_vreg.gather [hbm4b:s8+s20], $0x80, v20, vm0, $0xb8;
	[tilespmem:$0x1E400] =	vst v63  }
0x409: {  	v53 =	vperm.xlane v17, v8;
	v52 =	vadd.s32 v3, v51;
	s22 =	simm.s32 $0x2980  }
0x40a: {  	[tilespmem:s22], [sflag:$0x1] =	stream.indirect_vreg.gather [hbm4b:s8+s20], $0x80, v18, vm0, $0xb8;
	[tilespmem:$0x1E400] =	vst v63  }
0x40b: {  	v54 =	vperm.xlane v17, v0;
	v18 =	vadd.s32 v3, v53;
	s22 =	simm.s32 $0x2A00  }
0x40c: {  	[tilespmem:s22], [sflag:$0x1] =	stream.indirect_vreg.gather [hbm4b:s8+s20], $0x80, v19, vm0, $0xb8;
	[tilespmem:$0x1E400] =	vst v63  }
0x40d: {  	v55 =	vperm.xlane v17, v9;
	v19 =	vadd.s32 v3, v54;
	s22 =	simm.s32 $0x2A80  }
0x40e: {  	[tilespmem:s22], [sflag:$0x1] =	stream.indirect_vreg.gather [hbm4b:s8+s20], $0x80, v52, vm0, $0xb8;
	[tilespmem:$0x1E400] =	vst v63  }
0x40f: {  	v57 =	vperm.xlane v17, v10;
	v56 =	vadd.s32 v3, v55;
	s22 =	simm.s32 $0x2B00  }
0x410: {  	[tilespmem:s22], [sflag:$0x1] =	stream.indirect_vreg.gather [hbm4b:s8+s20], $0x80, v18, vm0, $0xb8;
	[tilespmem:$0x1E400] =	vst v63  }
0x411: {  	v58 =	vperm.xlane v17, v11;
	v18 =	vadd.s32 v3, v57;
	s22 =	simm.s32 $0x2B80  }
0x412: {  	[tilespmem:s22], [sflag:$0x1] =	stream.indirect_vreg.gather [hbm4b:s8+s20], $0x80, v19, vm0, $0xb8;
	[tilespmem:$0x1E400] =	vst v63  }
0x413: {  	v59 =	vperm.xlane v17, v12;
	v19 =	vadd.s32 v3, v58;
	s22 =	simm.s32 $0x2C00  }
0x414: {  	[tilespmem:s22], [sflag:$0x1] =	stream.indirect_vreg.gather [hbm4b:s8+s20], $0x80, v56, vm0, $0xb8;
	[tilespmem:$0x1E400] =	vst v63  }
0x415: {  	v61 =	vperm.xlane v17, v13;
	v60 =	vadd.s32 v3, v59;
	s22 =	simm.s32 $0x2C80  }
0x416: {  	[tilespmem:s22], [sflag:$0x1] =	stream.indirect_vreg.gather [hbm4b:s8+s20], $0x80, v18, vm0, $0xb8;
	[tilespmem:$0x1E400] =	vst v63  }
0x417: {  	v62 =	vperm.xlane v17, v14;
	v18 =	vadd.s32 v3, v61;
	s22 =	simm.s32 $0x2D00  }
0x418: {  	[tilespmem:s22], [sflag:$0x1] =	stream.indirect_vreg.gather [hbm4b:s8+s20], $0x80, v19, vm0, $0xb8;
	[tilespmem:$0x1E400] =	vst v63  }
0x419: {  	v63 =	vperm.xlane v17, v15;
	v19 =	vadd.s32 v3, v62;
	s22 =	simm.s32 $0x2D80  }
0x41a: {  	[tilespmem:s22], [sflag:$0x1] =	stream.indirect_vreg.gather [hbm4b:s8+s20], $0x80, v60, vm0, $0xb8;
	[tilespmem:$0x1E400] =	vst v63  }
0x41b: {  	v17 =	vperm.xlane v17, v16;
	v24 =	vadd.s32 v3, v63;
	s22 =	simm.s32 $0x2E00  }
0x41c: {  	[tilespmem:s22], [sflag:$0x1] =	stream.indirect_vreg.gather [hbm4b:s8+s20], $0x80, v18, vm0, $0xb8;
	[tilespmem:$0x1E400] =	vst v63  }
0x41d: {  	v17 =	vadd.s32 v3, v17;
	s22 =	simm.s32 $0x2E80  }
0x41e: {  	[tilespmem:s22], [sflag:$0x1] =	stream.indirect_vreg.gather [hbm4b:s8+s20], $0x80, v19, vm0, $0xb8;
	[tilespmem:$0x1E400] =	vst v63  }
0x41f: {  	s22 =	simm.s32 $0x2F00  }
0x420: {  	[tilespmem:s22], [sflag:$0x1] =	stream.indirect_vreg.gather [hbm4b:s8+s20], $0x80, v24, vm0, $0xb8;
	[tilespmem:$0x1E400] =	vst v63  }
0x421: {  	s22 =	simm.s32 $0x2F80  }
0x422: {  	[tilespmem:s22], [sflag:$0x1] =	stream.indirect_vreg.gather [hbm4b:s8+s20], $0x80, v17, vm0, $0xb8;
	[tilespmem:$0x1E400] =	vst v63  }
0x423: {  	v17 =	vld [tilespmem:$0x10];
	_ =	sdelay $0x4  }
0x424: {  	v18 =	vshll.u32 v17, $0x1  }
0x425: {  	v17 =	vand.u32 $0x7, v17;
	v18 =	vand.u32 $0xFFFFFFF0, v18  }
0x426: {  	v17 =	vor.u32 v17, v18  }
0x427: {  	v18 =	vperm.xlane v17, v2;
	_ =	sdelay $0x1  }
0x428: {  	v19 =	vperm.xlane v17, v1;
	v18 =	vadd.s32 v3, v18;
	_ =	sdelay $0x1  }
0x429: {  	v25 =	vperm.xlane v17, v4;
	v19 =	vadd.s32 v3, v19;
	_ =	sdelay $0x1  }
0x42a: {  	s22 =	simm.s32 $0x3000;
	v26 =	vperm.xlane v17, v5;
	v20 =	vadd.s32 v3, v25  }
0x42b: {  	[tilespmem:s22], [sflag:$0x1] =	stream.indirect_vreg.gather [hbm4b:s8+s20], $0x80, v18, vm0, $0xb8;
	[tilespmem:$0x1E400] =	vst v63  }
0x42c: {  	v27 =	vperm.xlane v17, v6;
	v18 =	vadd.s32 v3, v26;
	s22 =	simm.s32 $0x3080  }
0x42d: {  	[tilespmem:s22], [sflag:$0x1] =	stream.indirect_vreg.gather [hbm4b:s8+s20], $0x80, v19, vm0, $0xb8;
	[tilespmem:$0x1E400] =	vst v63  }
0x42e: {  	v28 =	vperm.xlane v17, v7;
	v19 =	vadd.s32 v3, v27;
	s22 =	simm.s32 $0x3100  }
0x42f: {  	[tilespmem:s22], [sflag:$0x1] =	stream.indirect_vreg.gather [hbm4b:s8+s20], $0x80, v20, vm0, $0xb8;
	[tilespmem:$0x1E400] =	vst v63  }
0x430: {  	v30 =	vperm.xlane v17, v8;
	v29 =	vadd.s32 v3, v28;
	s22 =	simm.s32 $0x3180  }
0x431: {  	[tilespmem:s22], [sflag:$0x1] =	stream.indirect_vreg.gather [hbm4b:s8+s20], $0x80, v18, vm0, $0xb8;
	[tilespmem:$0x1E400] =	vst v63  }
0x432: {  	v31 =	vperm.xlane v17, v0;
	v18 =	vadd.s32 v3, v30;
	s22 =	simm.s32 $0x3200  }
0x433: {  	[tilespmem:s22], [sflag:$0x1] =	stream.indirect_vreg.gather [hbm4b:s8+s20], $0x80, v19, vm0, $0xb8;
	[tilespmem:$0x1E400] =	vst v63  }
0x434: {  	v32 =	vperm.xlane v17, v9;
	v19 =	vadd.s32 v3, v31;
	s22 =	simm.s32 $0x3280  }
0x435: {  	[tilespmem:s22], [sflag:$0x1] =	stream.indirect_vreg.gather [hbm4b:s8+s20], $0x80, v29, vm0, $0xb8;
	[tilespmem:$0x1E400] =	vst v63  }
0x436: {  	v34 =	vperm.xlane v17, v10;
	v33 =	vadd.s32 v3, v32;
	s22 =	simm.s32 $0x3300  }
0x437: {  	[tilespmem:s22], [sflag:$0x1] =	stream.indirect_vreg.gather [hbm4b:s8+s20], $0x80, v18, vm0, $0xb8;
	[tilespmem:$0x1E400] =	vst v63  }
0x438: {  	v35 =	vperm.xlane v17, v11;
	v18 =	vadd.s32 v3, v34;
	s22 =	simm.s32 $0x3380  }
0x439: {  	[tilespmem:s22], [sflag:$0x1] =	stream.indirect_vreg.gather [hbm4b:s8+s20], $0x80, v19, vm0, $0xb8;
	[tilespmem:$0x1E400] =	vst v63  }
0x43a: {  	v36 =	vperm.xlane v17, v12;
	v19 =	vadd.s32 v3, v35;
	s22 =	simm.s32 $0x3400  }
0x43b: {  	[tilespmem:s22], [sflag:$0x1] =	stream.indirect_vreg.gather [hbm4b:s8+s20], $0x80, v33, vm0, $0xb8;
	[tilespmem:$0x1E400] =	vst v63  }
0x43c: {  	v38 =	vperm.xlane v17, v13;
	v37 =	vadd.s32 v3, v36;
	s22 =	simm.s32 $0x3480  }
0x43d: {  	[tilespmem:s22], [sflag:$0x1] =	stream.indirect_vreg.gather [hbm4b:s8+s20], $0x80, v18, vm0, $0xb8;
	[tilespmem:$0x1E400] =	vst v63  }
0x43e: {  	v39 =	vperm.xlane v17, v14;
	v18 =	vadd.s32 v3, v38;
	s22 =	simm.s32 $0x3500  }
0x43f: {  	[tilespmem:s22], [sflag:$0x1] =	stream.indirect_vreg.gather [hbm4b:s8+s20], $0x80, v19, vm0, $0xb8;
	[tilespmem:$0x1E400] =	vst v63  }
0x440: {  	v40 =	vperm.xlane v17, v15;
	v19 =	vadd.s32 v3, v39;
	s22 =	simm.s32 $0x3580  }
0x441: {  	[tilespmem:s22], [sflag:$0x1] =	stream.indirect_vreg.gather [hbm4b:s8+s20], $0x80, v37, vm0, $0xb8;
	[tilespmem:$0x1E400] =	vst v63  }
0x442: {  	v17 =	vperm.xlane v17, v16;
	v41 =	vadd.s32 v3, v40;
	s22 =	simm.s32 $0x3600  }
0x443: {  	[tilespmem:s22], [sflag:$0x1] =	stream.indirect_vreg.gather [hbm4b:s8+s20], $0x80, v18, vm0, $0xb8;
	[tilespmem:$0x1E400] =	vst v63  }
0x444: {  	v17 =	vadd.s32 v3, v17;
	s22 =	simm.s32 $0x3680  }
0x445: {  	[tilespmem:s22], [sflag:$0x1] =	stream.indirect_vreg.gather [hbm4b:s8+s20], $0x80, v19, vm0, $0xb8;
	[tilespmem:$0x1E400] =	vst v63  }
0x446: {  	s22 =	simm.s32 $0x3700  }
0x447: {  	[tilespmem:s22], [sflag:$0x1] =	stream.indirect_vreg.gather [hbm4b:s8+s20], $0x80, v41, vm0, $0xb8;
	[tilespmem:$0x1E400] =	vst v63  }
0x448: {  	s22 =	simm.s32 $0x3780  }
0x449: {  	[tilespmem:s22], [sflag:$0x1] =	stream.indirect_vreg.gather [hbm4b:s8+s20], $0x80, v17, vm0, $0xb8;
	[tilespmem:$0x1E400] =	vst v63  }
0x44a: {  	v17 =	vld [tilespmem:$0x20];
	_ =	sdelay $0x4  }
0x44b: {  	v18 =	vshll.u32 v17, $0x1  }
0x44c: {  	v17 =	vand.u32 $0x7, v17;
	v18 =	vand.u32 $0xFFFFFFF0, v18  }
0x44d: {  	v17 =	vor.u32 v17, v18  }
0x44e: {  	v18 =	vperm.xlane v17, v2;
	_ =	sdelay $0x1  }
0x44f: {  	v19 =	vperm.xlane v17, v1;
	v18 =	vadd.s32 v3, v18;
	_ =	sdelay $0x1  }
0x450: {  	v42 =	vperm.xlane v17, v4;
	v19 =	vadd.s32 v3, v19;
	_ =	sdelay $0x1  }
0x451: {  	s22 =	simm.s32 $0x3800;
	v43 =	vperm.xlane v17, v5;
	v20 =	vadd.s32 v3, v42  }
0x452: {  	[tilespmem:s22], [sflag:$0x1] =	stream.indirect_vreg.gather [hbm4b:s8+s20], $0x80, v18, vm0, $0xb8;
	[tilespmem:$0x1E400] =	vst v63  }
0x453: {  	v44 =	vperm.xlane v17, v6;
	v18 =	vadd.s32 v3, v43;
	s22 =	simm.s32 $0x3880  }
0x454: {  	[tilespmem:s22], [sflag:$0x1] =	stream.indirect_vreg.gather [hbm4b:s8+s20], $0x80, v19, vm0, $0xb8;
	[tilespmem:$0x1E400] =	vst v63  }
0x455: {  	v45 =	vperm.xlane v17, v7;
	v19 =	vadd.s32 v3, v44;
	s22 =	simm.s32 $0x3900  }
0x456: {  	[tilespmem:s22], [sflag:$0x1] =	stream.indirect_vreg.gather [hbm4b:s8+s20], $0x80, v20, vm0, $0xb8;
	[tilespmem:$0x1E400] =	vst v63  }
0x457: {  	v47 =	vperm.xlane v17, v8;
	v46 =	vadd.s32 v3, v45;
	s22 =	simm.s32 $0x3980  }
0x458: {  	[tilespmem:s22], [sflag:$0x1] =	stream.indirect_vreg.gather [hbm4b:s8+s20], $0x80, v18, vm0, $0xb8;
	[tilespmem:$0x1E400] =	vst v63  }
0x459: {  	v48 =	vperm.xlane v17, v0;
	v18 =	vadd.s32 v3, v47;
	s22 =	simm.s32 $0x3A00  }
0x45a: {  	[tilespmem:s22], [sflag:$0x1] =	stream.indirect_vreg.gather [hbm4b:s8+s20], $0x80, v19, vm0, $0xb8;
	[tilespmem:$0x1E400] =	vst v63  }
0x45b: {  	v49 =	vperm.xlane v17, v9;
	v19 =	vadd.s32 v3, v48;
	s22 =	simm.s32 $0x3A80  }
0x45c: {  	[tilespmem:s22], [sflag:$0x1] =	stream.indirect_vreg.gather [hbm4b:s8+s20], $0x80, v46, vm0, $0xb8;
	[tilespmem:$0x1E400] =	vst v63  }
0x45d: {  	v51 =	vperm.xlane v17, v10;
	v50 =	vadd.s32 v3, v49;
	s22 =	simm.s32 $0x3B00  }
0x45e: {  	[tilespmem:s22], [sflag:$0x1] =	stream.indirect_vreg.gather [hbm4b:s8+s20], $0x80, v18, vm0, $0xb8;
	[tilespmem:$0x1E400] =	vst v63  }
0x45f: {  	v52 =	vperm.xlane v17, v11;
	v18 =	vadd.s32 v3, v51;
	s22 =	simm.s32 $0x3B80  }
0x460: {  	[tilespmem:s22], [sflag:$0x1] =	stream.indirect_vreg.gather [hbm4b:s8+s20], $0x80, v19, vm0, $0xb8;
	[tilespmem:$0x1E400] =	vst v63  }
0x461: {  	v53 =	vperm.xlane v17, v12;
	v19 =	vadd.s32 v3, v52;
	s22 =	simm.s32 $0x3C00  }
0x462: {  	[tilespmem:s22], [sflag:$0x1] =	stream.indirect_vreg.gather [hbm4b:s8+s20], $0x80, v50, vm0, $0xb8;
	[tilespmem:$0x1E400] =	vst v63  }
0x463: {  	v55 =	vperm.xlane v17, v13;
	v54 =	vadd.s32 v3, v53;
	s22 =	simm.s32 $0x3C80  }
0x464: {  	[tilespmem:s22], [sflag:$0x1] =	stream.indirect_vreg.gather [hbm4b:s8+s20], $0x80, v18, vm0, $0xb8;
	[tilespmem:$0x1E400] =	vst v63  }
0x465: {  	v56 =	vperm.xlane v17, v14;
	v18 =	vadd.s32 v3, v55;
	s22 =	simm.s32 $0x3D00  }
0x466: {  	[tilespmem:s22], [sflag:$0x1] =	stream.indirect_vreg.gather [hbm4b:s8+s20], $0x80, v19, vm0, $0xb8;
	[tilespmem:$0x1E400] =	vst v63  }
0x467: {  	v57 =	vperm.xlane v17, v15;
	v19 =	vadd.s32 v3, v56;
	s22 =	simm.s32 $0x3D80  }
0x468: {  	[tilespmem:s22], [sflag:$0x1] =	stream.indirect_vreg.gather [hbm4b:s8+s20], $0x80, v54, vm0, $0xb8;
	[tilespmem:$0x1E400] =	vst v63  }
0x469: {  	v17 =	vperm.xlane v17, v16;
	v58 =	vadd.s32 v3, v57;
	s22 =	simm.s32 $0x3E00  }
0x46a: {  	[tilespmem:s22], [sflag:$0x1] =	stream.indirect_vreg.gather [hbm4b:s8+s20], $0x80, v18, vm0, $0xb8;
	[tilespmem:$0x1E400] =	vst v63  }
0x46b: {  	v17 =	vadd.s32 v3, v17;
	s22 =	simm.s32 $0x3E80  }
0x46c: {  	[tilespmem:s22], [sflag:$0x1] =	stream.indirect_vreg.gather [hbm4b:s8+s20], $0x80, v19, vm0, $0xb8;
	[tilespmem:$0x1E400] =	vst v63  }
0x46d: {  	s22 =	simm.s32 $0x3F00  }
0x46e: {  	[tilespmem:s22], [sflag:$0x1] =	stream.indirect_vreg.gather [hbm4b:s8+s20], $0x80, v58, vm0, $0xb8;
	[tilespmem:$0x1E400] =	vst v63  }
0x46f: {  	s22 =	simm.s32 $0x3F80  }
0x470: {  	[tilespmem:s22], [sflag:$0x1] =	stream.indirect_vreg.gather [hbm4b:s8+s20], $0x80, v17, vm0, $0xb8;
	[tilespmem:$0x1E400] =	vst v63  }
0x471: {  	v17 =	vld [tilespmem:$0x30];
	_ =	sdelay $0x4  }
0x472: {  	v18 =	vshll.u32 v17, $0x1  }
0x473: {  	v17 =	vand.u32 $0x7, v17;
	v18 =	vand.u32 $0xFFFFFFF0, v18  }
0x474: {  	v17 =	vor.u32 v17, v18  }
0x475: {  	v18 =	vperm.xlane v17, v2;
	_ =	sdelay $0x1  }
0x476: {  	v19 =	vperm.xlane v17, v1;
	v18 =	vadd.s32 v3, v18;
	_ =	sdelay $0x1  }
0x477: {  	v59 =	vperm.xlane v17, v4;
	v19 =	vadd.s32 v3, v19;
	_ =	sdelay $0x1  }
0x478: {  	s22 =	simm.s32 $0x4000;
	v60 =	vperm.xlane v17, v5;
	v20 =	vadd.s32 v3, v59  }
0x479: {  	[tilespmem:s22], [sflag:$0x1] =	stream.indirect_vreg.gather [hbm4b:s8+s20], $0x80, v18, vm0, $0xb8;
	[tilespmem:$0x1E400] =	vst v63  }
0x47a: {  	v61 =	vperm.xlane v17, v6;
	v18 =	vadd.s32 v3, v60;
	s22 =	simm.s32 $0x4080  }
0x47b: {  	[tilespmem:s22], [sflag:$0x1] =	stream.indirect_vreg.gather [hbm4b:s8+s20], $0x80, v19, vm0, $0xb8;
	[tilespmem:$0x1E400] =	vst v63  }
0x47c: {  	v62 =	vperm.xlane v17, v7;
	v19 =	vadd.s32 v3, v61;
	s22 =	simm.s32 $0x4100  }
0x47d: {  	[tilespmem:s22], [sflag:$0x1] =	stream.indirect_vreg.gather [hbm4b:s8+s20], $0x80, v20, vm0, $0xb8;
	[tilespmem:$0x1E400] =	vst v63  }
0x47e: {  	v24 =	vperm.xlane v17, v8;
	v63 =	vadd.s32 v3, v62;
	s22 =	simm.s32 $0x4180  }
0x47f: {  	[tilespmem:s22], [sflag:$0x1] =	stream.indirect_vreg.gather [hbm4b:s8+s20], $0x80, v18, vm0, $0xb8;
	[tilespmem:$0x1E400] =	vst v63  }
0x480: {  	v25 =	vperm.xlane v17, v0;
	v18 =	vadd.s32 v3, v24;
	s22 =	simm.s32 $0x4200  }
0x481: {  	[tilespmem:s22], [sflag:$0x1] =	stream.indirect_vreg.gather [hbm4b:s8+s20], $0x80, v19, vm0, $0xb8;
	[tilespmem:$0x1E400] =	vst v63  }
0x482: {  	v26 =	vperm.xlane v17, v9;
	v19 =	vadd.s32 v3, v25;
	s22 =	simm.s32 $0x4280  }
0x483: {  	[tilespmem:s22], [sflag:$0x1] =	stream.indirect_vreg.gather [hbm4b:s8+s20], $0x80, v63, vm0, $0xb8;
	[tilespmem:$0x1E400] =	vst v63  }
0x484: {  	v28 =	vperm.xlane v17, v10;
	v27 =	vadd.s32 v3, v26;
	s22 =	simm.s32 $0x4300  }
0x485: {  	[tilespmem:s22], [sflag:$0x1] =	stream.indirect_vreg.gather [hbm4b:s8+s20], $0x80, v18, vm0, $0xb8;
	[tilespmem:$0x1E400] =	vst v63  }
0x486: {  	v29 =	vperm.xlane v17, v11;
	v18 =	vadd.s32 v3, v28;
	s22 =	simm.s32 $0x4380  }
0x487: {  	[tilespmem:s22], [sflag:$0x1] =	stream.indirect_vreg.gather [hbm4b:s8+s20], $0x80, v19, vm0, $0xb8;
	[tilespmem:$0x1E400] =	vst v63  }
0x488: {  	v30 =	vperm.xlane v17, v12;
	v19 =	vadd.s32 v3, v29;
	s22 =	simm.s32 $0x4400  }
0x489: {  	[tilespmem:s22], [sflag:$0x1] =	stream.indirect_vreg.gather [hbm4b:s8+s20], $0x80, v27, vm0, $0xb8;
	[tilespmem:$0x1E400] =	vst v63  }
0x48a: {  	v32 =	vperm.xlane v17, v13;
	v31 =	vadd.s32 v3, v30;
	s22 =	simm.s32 $0x4480  }
0x48b: {  	[tilespmem:s22], [sflag:$0x1] =	stream.indirect_vreg.gather [hbm4b:s8+s20], $0x80, v18, vm0, $0xb8;
	[tilespmem:$0x1E400] =	vst v63  }
0x48c: {  	v33 =	vperm.xlane v17, v14;
	v18 =	vadd.s32 v3, v32;
	s22 =	simm.s32 $0x4500  }
0x48d: {  	[tilespmem:s22], [sflag:$0x1] =	stream.indirect_vreg.gather [hbm4b:s8+s20], $0x80, v19, vm0, $0xb8;
	[tilespmem:$0x1E400] =	vst v63  }
0x48e: {  	v34 =	vperm.xlane v17, v15;
	v19 =	vadd.s32 v3, v33;
	s22 =	simm.s32 $0x4580  }
0x48f: {  	[tilespmem:s22], [sflag:$0x1] =	stream.indirect_vreg.gather [hbm4b:s8+s20], $0x80, v31, vm0, $0xb8;
	[tilespmem:$0x1E400] =	vst v63  }
0x490: {  	v17 =	vperm.xlane v17, v16;
	v35 =	vadd.s32 v3, v34;
	s22 =	simm.s32 $0x4600  }
0x491: {  	[tilespmem:s22], [sflag:$0x1] =	stream.indirect_vreg.gather [hbm4b:s8+s20], $0x80, v18, vm0, $0xb8;
	[tilespmem:$0x1E400] =	vst v63  }
0x492: {  	v17 =	vadd.s32 v3, v17;
	s22 =	simm.s32 $0x4680  }
0x493: {  	[tilespmem:s22], [sflag:$0x1] =	stream.indirect_vreg.gather [hbm4b:s8+s20], $0x80, v19, vm0, $0xb8;
	[tilespmem:$0x1E400] =	vst v63  }
0x494: {  	s22 =	simm.s32 $0x4700  }
0x495: {  	[tilespmem:s22], [sflag:$0x1] =	stream.indirect_vreg.gather [hbm4b:s8+s20], $0x80, v35, vm0, $0xb8;
	[tilespmem:$0x1E400] =	vst v63  }
0x496: {  	s22 =	simm.s32 $0x4780  }
0x497: {  	[tilespmem:s22], [sflag:$0x1] =	stream.indirect_vreg.gather [hbm4b:s8+s20], $0x80, v17, vm0, $0xb8;
	[tilespmem:$0x1E400] =	vst v63  }
0x498: {  	v17 =	vld [tilespmem:$0x40];
	_ =	sdelay $0x4  }
0x499: {  	v18 =	vshll.u32 v17, $0x1  }
0x49a: {  	v17 =	vand.u32 $0x7, v17;
	v18 =	vand.u32 $0xFFFFFFF0, v18  }
0x49b: {  	v17 =	vor.u32 v17, v18  }
0x49c: {  	v18 =	vperm.xlane v17, v2;
	_ =	sdelay $0x1  }
0x49d: {  	v19 =	vperm.xlane v17, v1;
	v18 =	vadd.s32 v3, v18;
	_ =	sdelay $0x1  }
0x49e: {  	v36 =	vperm.xlane v17, v4;
	v19 =	vadd.s32 v3, v19;
	_ =	sdelay $0x1  }
0x49f: {  	s22 =	simm.s32 $0x4800;
	v37 =	vperm.xlane v17, v5;
	v20 =	vadd.s32 v3, v36  }
0x4a0: {  	[tilespmem:s22], [sflag:$0x1] =	stream.indirect_vreg.gather [hbm4b:s8+s20], $0x80, v18, vm0, $0xb8;
	[tilespmem:$0x1E400] =	vst v63  }
0x4a1: {  	v38 =	vperm.xlane v17, v6;
	v18 =	vadd.s32 v3, v37;
	s22 =	simm.s32 $0x4880  }
0x4a2: {  	[tilespmem:s22], [sflag:$0x1] =	stream.indirect_vreg.gather [hbm4b:s8+s20], $0x80, v19, vm0, $0xb8;
	[tilespmem:$0x1E400] =	vst v63  }
0x4a3: {  	v39 =	vperm.xlane v17, v7;
	v19 =	vadd.s32 v3, v38;
	s22 =	simm.s32 $0x4900  }
0x4a4: {  	[tilespmem:s22], [sflag:$0x1] =	stream.indirect_vreg.gather [hbm4b:s8+s20], $0x80, v20, vm0, $0xb8;
	[tilespmem:$0x1E400] =	vst v63  }
0x4a5: {  	v41 =	vperm.xlane v17, v8;
	v40 =	vadd.s32 v3, v39;
	s22 =	simm.s32 $0x4980  }
0x4a6: {  	[tilespmem:s22], [sflag:$0x1] =	stream.indirect_vreg.gather [hbm4b:s8+s20], $0x80, v18, vm0, $0xb8;
	[tilespmem:$0x1E400] =	vst v63  }
0x4a7: {  	v42 =	vperm.xlane v17, v0;
	v18 =	vadd.s32 v3, v41;
	s22 =	simm.s32 $0x4A00  }
0x4a8: {  	[tilespmem:s22], [sflag:$0x1] =	stream.indirect_vreg.gather [hbm4b:s8+s20], $0x80, v19, vm0, $0xb8;
	[tilespmem:$0x1E400] =	vst v63  }
0x4a9: {  	v43 =	vperm.xlane v17, v9;
	v19 =	vadd.s32 v3, v42;
	s22 =	simm.s32 $0x4A80  }
0x4aa: {  	[tilespmem:s22], [sflag:$0x1] =	stream.indirect_vreg.gather [hbm4b:s8+s20], $0x80, v40, vm0, $0xb8;
	[tilespmem:$0x1E400] =	vst v63  }
0x4ab: {  	v45 =	vperm.xlane v17, v10;
	v44 =	vadd.s32 v3, v43;
	s22 =	simm.s32 $0x4B00  }
0x4ac: {  	[tilespmem:s22], [sflag:$0x1] =	stream.indirect_vreg.gather [hbm4b:s8+s20], $0x80, v18, vm0, $0xb8;
	[tilespmem:$0x1E400] =	vst v63  }
0x4ad: {  	v46 =	vperm.xlane v17, v11;
	v18 =	vadd.s32 v3, v45;
	s22 =	simm.s32 $0x4B80  }
0x4ae: {  	[tilespmem:s22], [sflag:$0x1] =	stream.indirect_vreg.gather [hbm4b:s8+s20], $0x80, v19, vm0, $0xb8;
	[tilespmem:$0x1E400] =	vst v63  }
0x4af: {  	v47 =	vperm.xlane v17, v12;
	v19 =	vadd.s32 v3, v46;
	s22 =	simm.s32 $0x4C00  }
0x4b0: {  	[tilespmem:s22], [sflag:$0x1] =	stream.indirect_vreg.gather [hbm4b:s8+s20], $0x80, v44, vm0, $0xb8;
	[tilespmem:$0x1E400] =	vst v63  }
0x4b1: {  	v49 =	vperm.xlane v17, v13;
	v48 =	vadd.s32 v3, v47;
	s22 =	simm.s32 $0x4C80  }
0x4b2: {  	[tilespmem:s22], [sflag:$0x1] =	stream.indirect_vreg.gather [hbm4b:s8+s20], $0x80, v18, vm0, $0xb8;
	[tilespmem:$0x1E400] =	vst v63  }
0x4b3: {  	v50 =	vperm.xlane v17, v14;
	v18 =	vadd.s32 v3, v49;
	s22 =	simm.s32 $0x4D00  }
0x4b4: {  	[tilespmem:s22], [sflag:$0x1] =	stream.indirect_vreg.gather [hbm4b:s8+s20], $0x80, v19, vm0, $0xb8;
	[tilespmem:$0x1E400] =	vst v63  }
0x4b5: {  	v51 =	vperm.xlane v17, v15;
	v19 =	vadd.s32 v3, v50;
	s22 =	simm.s32 $0x4D80  }
0x4b6: {  	[tilespmem:s22], [sflag:$0x1] =	stream.indirect_vreg.gather [hbm4b:s8+s20], $0x80, v48, vm0, $0xb8;
	[tilespmem:$0x1E400] =	vst v63  }
0x4b7: {  	v17 =	vperm.xlane v17, v16;
	v52 =	vadd.s32 v3, v51;
	s22 =	simm.s32 $0x4E00  }
0x4b8: {  	[tilespmem:s22], [sflag:$0x1] =	stream.indirect_vreg.gather [hbm4b:s8+s20], $0x80, v18, vm0, $0xb8;
	[tilespmem:$0x1E400] =	vst v63  }
0x4b9: {  	v17 =	vadd.s32 v3, v17;
	s22 =	simm.s32 $0x4E80  }
0x4ba: {  	[tilespmem:s22], [sflag:$0x1] =	stream.indirect_vreg.gather [hbm4b:s8+s20], $0x80, v19, vm0, $0xb8;
	[tilespmem:$0x1E400] =	vst v63  }
0x4bb: {  	s22 =	simm.s32 $0x4F00  }
0x4bc: {  	[tilespmem:s22], [sflag:$0x1] =	stream.indirect_vreg.gather [hbm4b:s8+s20], $0x80, v52, vm0, $0xb8;
	[tilespmem:$0x1E400] =	vst v63  }
0x4bd: {  	s22 =	simm.s32 $0x4F80  }
0x4be: {  	[tilespmem:s22], [sflag:$0x1] =	stream.indirect_vreg.gather [hbm4b:s8+s20], $0x80, v17, vm0, $0xb8;
	[tilespmem:$0x1E400] =	vst v63  }
0x4bf: {  	v17 =	vld [tilespmem:$0x50];
	_ =	sdelay $0x4  }
0x4c0: {  	v18 =	vshll.u32 v17, $0x1  }
0x4c1: {  	v17 =	vand.u32 $0x7, v17;
	v18 =	vand.u32 $0xFFFFFFF0, v18  }
0x4c2: {  	v17 =	vor.u32 v17, v18  }
0x4c3: {  	v18 =	vperm.xlane v17, v2;
	_ =	sdelay $0x1  }
0x4c4: {  	v19 =	vperm.xlane v17, v1;
	v18 =	vadd.s32 v3, v18;
	_ =	sdelay $0x1  }
0x4c5: {  	v53 =	vperm.xlane v17, v4;
	v19 =	vadd.s32 v3, v19;
	_ =	sdelay $0x1  }
0x4c6: {  	s22 =	simm.s32 $0x5000;
	v54 =	vperm.xlane v17, v5;
	v20 =	vadd.s32 v3, v53  }
0x4c7: {  	[tilespmem:s22], [sflag:$0x1] =	stream.indirect_vreg.gather [hbm4b:s8+s20], $0x80, v18, vm0, $0xb8;
	[tilespmem:$0x1E400] =	vst v63  }
0x4c8: {  	v55 =	vperm.xlane v17, v6;
	v18 =	vadd.s32 v3, v54;
	s22 =	simm.s32 $0x5080  }
0x4c9: {  	[tilespmem:s22], [sflag:$0x1] =	stream.indirect_vreg.gather [hbm4b:s8+s20], $0x80, v19, vm0, $0xb8;
	[tilespmem:$0x1E400] =	vst v63  }
0x4ca: {  	v56 =	vperm.xlane v17, v7;
	v19 =	vadd.s32 v3, v55;
	s22 =	simm.s32 $0x5100  }
0x4cb: {  	[tilespmem:s22], [sflag:$0x1] =	stream.indirect_vreg.gather [hbm4b:s8+s20], $0x80, v20, vm0, $0xb8;
	[tilespmem:$0x1E400] =	vst v63  }
0x4cc: {  	v58 =	vperm.xlane v17, v8;
	v57 =	vadd.s32 v3, v56;
	s22 =	simm.s32 $0x5180  }
0x4cd: {  	[tilespmem:s22], [sflag:$0x1] =	stream.indirect_vreg.gather [hbm4b:s8+s20], $0x80, v18, vm0, $0xb8;
	[tilespmem:$0x1E400] =	vst v63  }
0x4ce: {  	v59 =	vperm.xlane v17, v0;
	v18 =	vadd.s32 v3, v58;
	s22 =	simm.s32 $0x5200  }
0x4cf: {  	[tilespmem:s22], [sflag:$0x1] =	stream.indirect_vreg.gather [hbm4b:s8+s20], $0x80, v19, vm0, $0xb8;
	[tilespmem:$0x1E400] =	vst v63  }
0x4d0: {  	v60 =	vperm.xlane v17, v9;
	v19 =	vadd.s32 v3, v59;
	s22 =	simm.s32 $0x5280  }
0x4d1: {  	[tilespmem:s22], [sflag:$0x1] =	stream.indirect_vreg.gather [hbm4b:s8+s20], $0x80, v57, vm0, $0xb8;
	[tilespmem:$0x1E400] =	vst v63  }
0x4d2: {  	v62 =	vperm.xlane v17, v10;
	v61 =	vadd.s32 v3, v60;
	s22 =	simm.s32 $0x5300  }
0x4d3: {  	[tilespmem:s22], [sflag:$0x1] =	stream.indirect_vreg.gather [hbm4b:s8+s20], $0x80, v18, vm0, $0xb8;
	[tilespmem:$0x1E400] =	vst v63  }
0x4d4: {  	v63 =	vperm.xlane v17, v11;
	v18 =	vadd.s32 v3, v62;
	s22 =	simm.s32 $0x5380  }
0x4d5: {  	[tilespmem:s22], [sflag:$0x1] =	stream.indirect_vreg.gather [hbm4b:s8+s20], $0x80, v19, vm0, $0xb8;
	[tilespmem:$0x1E400] =	vst v63  }
0x4d6: {  	v24 =	vperm.xlane v17, v12;
	v19 =	vadd.s32 v3, v63;
	s22 =	simm.s32 $0x5400  }
0x4d7: {  	[tilespmem:s22], [sflag:$0x1] =	stream.indirect_vreg.gather [hbm4b:s8+s20], $0x80, v61, vm0, $0xb8;
	[tilespmem:$0x1E400] =	vst v63  }
0x4d8: {  	v26 =	vperm.xlane v17, v13;
	v25 =	vadd.s32 v3, v24;
	s22 =	simm.s32 $0x5480  }
0x4d9: {  	[tilespmem:s22], [sflag:$0x1] =	stream.indirect_vreg.gather [hbm4b:s8+s20], $0x80, v18, vm0, $0xb8;
	[tilespmem:$0x1E400] =	vst v63  }
0x4da: {  	v27 =	vperm.xlane v17, v14;
	v18 =	vadd.s32 v3, v26;
	s22 =	simm.s32 $0x5500  }
0x4db: {  	[tilespmem:s22], [sflag:$0x1] =	stream.indirect_vreg.gather [hbm4b:s8+s20], $0x80, v19, vm0, $0xb8;
	[tilespmem:$0x1E400] =	vst v63  }
0x4dc: {  	v28 =	vperm.xlane v17, v15;
	v19 =	vadd.s32 v3, v27;
	s22 =	simm.s32 $0x5580  }
0x4dd: {  	[tilespmem:s22], [sflag:$0x1] =	stream.indirect_vreg.gather [hbm4b:s8+s20], $0x80, v25, vm0, $0xb8;
	[tilespmem:$0x1E400] =	vst v63  }
0x4de: {  	v17 =	vperm.xlane v17, v16;
	v29 =	vadd.s32 v3, v28;
	s22 =	simm.s32 $0x5600  }
0x4df: {  	[tilespmem:s22], [sflag:$0x1] =	stream.indirect_vreg.gather [hbm4b:s8+s20], $0x80, v18, vm0, $0xb8;
	[tilespmem:$0x1E400] =	vst v63  }
0x4e0: {  	v17 =	vadd.s32 v3, v17;
	s22 =	simm.s32 $0x5680  }
0x4e1: {  	[tilespmem:s22], [sflag:$0x1] =	stream.indirect_vreg.gather [hbm4b:s8+s20], $0x80, v19, vm0, $0xb8;
	[tilespmem:$0x1E400] =	vst v63  }
0x4e2: {  	s22 =	simm.s32 $0x5700  }
0x4e3: {  	[tilespmem:s22], [sflag:$0x1] =	stream.indirect_vreg.gather [hbm4b:s8+s20], $0x80, v29, vm0, $0xb8;
	[tilespmem:$0x1E400] =	vst v63  }
0x4e4: {  	s22 =	simm.s32 $0x5780  }
0x4e5: {  	[tilespmem:s22], [sflag:$0x1] =	stream.indirect_vreg.gather [hbm4b:s8+s20], $0x80, v17, vm0, $0xb8;
	[tilespmem:$0x1E400] =	vst v63  }
0x4e6: {  	v17 =	vld [tilespmem:$0x60];
	_ =	sdelay $0x4  }
0x4e7: {  	v18 =	vshll.u32 v17, $0x1  }
0x4e8: {  	v17 =	vand.u32 $0x7, v17;
	v18 =	vand.u32 $0xFFFFFFF0, v18  }
0x4e9: {  	v17 =	vor.u32 v17, v18  }
0x4ea: {  	v18 =	vperm.xlane v17, v2;
	_ =	sdelay $0x1  }
0x4eb: {  	v19 =	vperm.xlane v17, v1;
	v18 =	vadd.s32 v3, v18;
	_ =	sdelay $0x1  }
0x4ec: {  	v30 =	vperm.xlane v17, v4;
	v19 =	vadd.s32 v3, v19;
	_ =	sdelay $0x1  }
0x4ed: {  	s22 =	simm.s32 $0x5800;
	v31 =	vperm.xlane v17, v5;
	v20 =	vadd.s32 v3, v30  }
0x4ee: {  	[tilespmem:s22], [sflag:$0x1] =	stream.indirect_vreg.gather [hbm4b:s8+s20], $0x80, v18, vm0, $0xb8;
	[tilespmem:$0x1E400] =	vst v63  }
0x4ef: {  	v32 =	vperm.xlane v17, v6;
	v18 =	vadd.s32 v3, v31;
	s22 =	simm.s32 $0x5880  }
0x4f0: {  	[tilespmem:s22], [sflag:$0x1] =	stream.indirect_vreg.gather [hbm4b:s8+s20], $0x80, v19, vm0, $0xb8;
	[tilespmem:$0x1E400] =	vst v63  }
0x4f1: {  	v33 =	vperm.xlane v17, v7;
	v19 =	vadd.s32 v3, v32;
	s22 =	simm.s32 $0x5900  }
0x4f2: {  	[tilespmem:s22], [sflag:$0x1] =	stream.indirect_vreg.gather [hbm4b:s8+s20], $0x80, v20, vm0, $0xb8;
	[tilespmem:$0x1E400] =	vst v63  }
0x4f3: {  	v35 =	vperm.xlane v17, v8;
	v34 =	vadd.s32 v3, v33;
	s22 =	simm.s32 $0x5980  }
0x4f4: {  	[tilespmem:s22], [sflag:$0x1] =	stream.indirect_vreg.gather [hbm4b:s8+s20], $0x80, v18, vm0, $0xb8;
	[tilespmem:$0x1E400] =	vst v63  }
0x4f5: {  	v36 =	vperm.xlane v17, v0;
	v18 =	vadd.s32 v3, v35;
	s22 =	simm.s32 $0x5A00  }
0x4f6: {  	[tilespmem:s22], [sflag:$0x1] =	stream.indirect_vreg.gather [hbm4b:s8+s20], $0x80, v19, vm0, $0xb8;
	[tilespmem:$0x1E400] =	vst v63  }
0x4f7: {  	v37 =	vperm.xlane v17, v9;
	v19 =	vadd.s32 v3, v36;
	s22 =	simm.s32 $0x5A80  }
0x4f8: {  	[tilespmem:s22], [sflag:$0x1] =	stream.indirect_vreg.gather [hbm4b:s8+s20], $0x80, v34, vm0, $0xb8;
	[tilespmem:$0x1E400] =	vst v63  }
0x4f9: {  	v39 =	vperm.xlane v17, v10;
	v38 =	vadd.s32 v3, v37;
	s22 =	simm.s32 $0x5B00  }
0x4fa: {  	[tilespmem:s22], [sflag:$0x1] =	stream.indirect_vreg.gather [hbm4b:s8+s20], $0x80, v18, vm0, $0xb8;
	[tilespmem:$0x1E400] =	vst v63  }
0x4fb: {  	v40 =	vperm.xlane v17, v11;
	v18 =	vadd.s32 v3, v39;
	s22 =	simm.s32 $0x5B80  }
0x4fc: {  	[tilespmem:s22], [sflag:$0x1] =	stream.indirect_vreg.gather [hbm4b:s8+s20], $0x80, v19, vm0, $0xb8;
	[tilespmem:$0x1E400] =	vst v63  }
0x4fd: {  	v41 =	vperm.xlane v17, v12;
	v19 =	vadd.s32 v3, v40;
	s22 =	simm.s32 $0x5C00  }
0x4fe: {  	[tilespmem:s22], [sflag:$0x1] =	stream.indirect_vreg.gather [hbm4b:s8+s20], $0x80, v38, vm0, $0xb8;
	[tilespmem:$0x1E400] =	vst v63  }
0x4ff: {  	v43 =	vperm.xlane v17, v13;
	v42 =	vadd.s32 v3, v41;
	s22 =	simm.s32 $0x5C80  }
0x500: {  	[tilespmem:s22], [sflag:$0x1] =	stream.indirect_vreg.gather [hbm4b:s8+s20], $0x80, v18, vm0, $0xb8;
	[tilespmem:$0x1E400] =	vst v63  }
0x501: {  	v44 =	vperm.xlane v17, v14;
	v18 =	vadd.s32 v3, v43;
	s22 =	simm.s32 $0x5D00  }
0x502: {  	[tilespmem:s22], [sflag:$0x1] =	stream.indirect_vreg.gather [hbm4b:s8+s20], $0x80, v19, vm0, $0xb8;
	[tilespmem:$0x1E400] =	vst v63  }
0x503: {  	v45 =	vperm.xlane v17, v15;
	v19 =	vadd.s32 v3, v44;
	s22 =	simm.s32 $0x5D80  }
0x504: {  	[tilespmem:s22], [sflag:$0x1] =	stream.indirect_vreg.gather [hbm4b:s8+s20], $0x80, v42, vm0, $0xb8;
	[tilespmem:$0x1E400] =	vst v63  }
0x505: {  	v17 =	vperm.xlane v17, v16;
	v46 =	vadd.s32 v3, v45;
	s22 =	simm.s32 $0x5E00  }
0x506: {  	[tilespmem:s22], [sflag:$0x1] =	stream.indirect_vreg.gather [hbm4b:s8+s20], $0x80, v18, vm0, $0xb8;
	[tilespmem:$0x1E400] =	vst v63  }
0x507: {  	v17 =	vadd.s32 v3, v17;
	s22 =	simm.s32 $0x5E80  }
0x508: {  	[tilespmem:s22], [sflag:$0x1] =	stream.indirect_vreg.gather [hbm4b:s8+s20], $0x80, v19, vm0, $0xb8;
	[tilespmem:$0x1E400] =	vst v63  }
0x509: {  	s22 =	simm.s32 $0x5F00  }
0x50a: {  	[tilespmem:s22], [sflag:$0x1] =	stream.indirect_vreg.gather [hbm4b:s8+s20], $0x80, v46, vm0, $0xb8;
	[tilespmem:$0x1E400] =	vst v63  }
0x50b: {  	s22 =	simm.s32 $0x5F80  }
0x50c: {  	[tilespmem:s22], [sflag:$0x1] =	stream.indirect_vreg.gather [hbm4b:s8+s20], $0x80, v17, vm0, $0xb8;
	[tilespmem:$0x1E400] =	vst v63  }
0x50d: {  	v17 =	vld [tilespmem:$0x70];
	_ =	sdelay $0x4  }
0x50e: {  	v18 =	vshll.u32 v17, $0x1  }
0x50f: {  	v17 =	vand.u32 $0x7, v17;
	v18 =	vand.u32 $0xFFFFFFF0, v18  }
0x510: {  	v17 =	vor.u32 v17, v18  }
0x511: {  	v18 =	vperm.xlane v17, v2;
	_ =	sdelay $0x1  }
0x512: {  	v19 =	vperm.xlane v17, v1;
	v18 =	vadd.s32 v3, v18;
	_ =	sdelay $0x1  }
0x513: {  	v47 =	vperm.xlane v17, v4;
	v19 =	vadd.s32 v3, v19;
	_ =	sdelay $0x1  }
0x514: {  	s22 =	simm.s32 $0x6000;
	v48 =	vperm.xlane v17, v5;
	v20 =	vadd.s32 v3, v47  }
0x515: {  	[tilespmem:s22], [sflag:$0x1] =	stream.indirect_vreg.gather [hbm4b:s8+s20], $0x80, v18, vm0, $0xb8;
	[tilespmem:$0x1E400] =	vst v63  }
0x516: {  	v49 =	vperm.xlane v17, v6;
	v18 =	vadd.s32 v3, v48;
	s22 =	simm.s32 $0x6080  }
0x517: {  	[tilespmem:s22], [sflag:$0x1] =	stream.indirect_vreg.gather [hbm4b:s8+s20], $0x80, v19, vm0, $0xb8;
	[tilespmem:$0x1E400] =	vst v63  }
0x518: {  	v50 =	vperm.xlane v17, v7;
	v19 =	vadd.s32 v3, v49;
	s22 =	simm.s32 $0x6100  }
0x519: {  	[tilespmem:s22], [sflag:$0x1] =	stream.indirect_vreg.gather [hbm4b:s8+s20], $0x80, v20, vm0, $0xb8;
	[tilespmem:$0x1E400] =	vst v63  }
0x51a: {  	v52 =	vperm.xlane v17, v8;
	v51 =	vadd.s32 v3, v50;
	s22 =	simm.s32 $0x6180  }
0x51b: {  	[tilespmem:s22], [sflag:$0x1] =	stream.indirect_vreg.gather [hbm4b:s8+s20], $0x80, v18, vm0, $0xb8;
	[tilespmem:$0x1E400] =	vst v63  }
0x51c: {  	v53 =	vperm.xlane v17, v0;
	v18 =	vadd.s32 v3, v52;
	s22 =	simm.s32 $0x6200  }
0x51d: {  	[tilespmem:s22], [sflag:$0x1] =	stream.indirect_vreg.gather [hbm4b:s8+s20], $0x80, v19, vm0, $0xb8;
	[tilespmem:$0x1E400] =	vst v63  }
0x51e: {  	v54 =	vperm.xlane v17, v9;
	v19 =	vadd.s32 v3, v53;
	s22 =	simm.s32 $0x6280  }
0x51f: {  	[tilespmem:s22], [sflag:$0x1] =	stream.indirect_vreg.gather [hbm4b:s8+s20], $0x80, v51, vm0, $0xb8;
	[tilespmem:$0x1E400] =	vst v63  }
0x520: {  	v56 =	vperm.xlane v17, v10;
	v55 =	vadd.s32 v3, v54;
	s22 =	simm.s32 $0x6300  }
0x521: {  	[tilespmem:s22], [sflag:$0x1] =	stream.indirect_vreg.gather [hbm4b:s8+s20], $0x80, v18, vm0, $0xb8;
	[tilespmem:$0x1E400] =	vst v63  }
0x522: {  	v57 =	vperm.xlane v17, v11;
	v18 =	vadd.s32 v3, v56;
	s22 =	simm.s32 $0x6380  }
0x523: {  	[tilespmem:s22], [sflag:$0x1] =	stream.indirect_vreg.gather [hbm4b:s8+s20], $0x80, v19, vm0, $0xb8;
	[tilespmem:$0x1E400] =	vst v63  }
0x524: {  	v58 =	vperm.xlane v17, v12;
	v19 =	vadd.s32 v3, v57;
	s22 =	simm.s32 $0x6400  }
0x525: {  	[tilespmem:s22], [sflag:$0x1] =	stream.indirect_vreg.gather [hbm4b:s8+s20], $0x80, v55, vm0, $0xb8;
	[tilespmem:$0x1E400] =	vst v63  }
0x526: {  	v60 =	vperm.xlane v17, v13;
	v59 =	vadd.s32 v3, v58;
	s22 =	simm.s32 $0x6480  }
0x527: {  	[tilespmem:s22], [sflag:$0x1] =	stream.indirect_vreg.gather [hbm4b:s8+s20], $0x80, v18, vm0, $0xb8;
	[tilespmem:$0x1E400] =	vst v63  }
0x528: {  	v61 =	vperm.xlane v17, v14;
	v18 =	vadd.s32 v3, v60;
	s22 =	simm.s32 $0x6500  }
0x529: {  	[tilespmem:s22], [sflag:$0x1] =	stream.indirect_vreg.gather [hbm4b:s8+s20], $0x80, v19, vm0, $0xb8;
	[tilespmem:$0x1E400] =	vst v63  }
0x52a: {  	v19 =	vadd.s32 v3, v61;
	s22 =	simm.s32 $0x6580  }
0x52b: {  	v62 =	vperm.xlane v17, v15;
	[tilespmem:s22], [sflag:$0x1] =	stream.indirect_vreg.gather [hbm4b:s8+s20], $0x80, v59, vm0, $0xb8;
	[tilespmem:$0x1E400] =	vst v63  }
0x52c: {  	s22 =	simm.s32 $0x6600  }
0x52d: {  	v17 =	vperm.xlane v17, v16;
	v63 =	vadd.s32 v3, v62;
	[tilespmem:s22], [sflag:$0x1] =	stream.indirect_vreg.gather [hbm4b:s8+s20], $0x80, v18, vm0, $0xb8;
	[tilespmem:$0x1E400] =	vst v63  }
0x52e: {  	s22 =	simm.s32 $0x6680  }
0x52f: {  	v17 =	vadd.s32 v3, v17;
	[tilespmem:s22], [sflag:$0x1] =	stream.indirect_vreg.gather [hbm4b:s8+s20], $0x80, v19, vm0, $0xb8;
	[tilespmem:$0x1E400] =	vst v63  }
.Ltmp6:
0x530: {  	_ = 	snop;
	(pc) =	sbr.rel .LBB2_6-.Ltmp6, $4  }
0x531: {  	s22 =	simm.s32 $0x6700  }
0x532: {  	[tilespmem:s22], [sflag:$0x1] =	stream.indirect_vreg.gather [hbm4b:s8+s20], $0x80, v63, vm0, $0xb8;
	[tilespmem:$0x1E400] =	vst v63  }
0x533: {  	s22 =	simm.s32 $0x6780  }
0x534: {  	[tilespmem:s22], [sflag:$0x1] =	stream.indirect_vreg.gather [hbm4b:s8+s20], $0x80, v17, vm0, $0xb8;
	[tilespmem:$0x1E400] =	vst v63  }
.LBB2_8:
0x535: {  	_ =	swait.ge [sflag:s19], $0x4000;
	s20 =	sadd.s32 $0x400, s20  }
0x536: {  	[sflag:s19] =	ssyncset.done $0x0;
	p0 =	sne.s32 s20, $0x5000  }
.Ltmp7:
0x537: {  	s21 =	sadd.s32 $0x1480, s21;
	[sflag:s19] =	ssyncadd.s32 $0xFFFFC000;
	(pc) =	sbr.rel @!p0 .LBB2_9-.Ltmp7, $4  }
0x538: {  	[spmem:s2] =	stream.indirect.scatter.add.f32 [tilespmem:s12], [sflag:$0x3], $0x80, s21, s18, $0xb8;
	[tilespmem:$0x1E400] =	vst v63  }
0x539: {  	_ =	swait.ge [sflag:s14], $0x4000  }
0x53a: {  	[sflag:s14] =	ssyncset.done $0x0  }
0x53b: {  	[sflag:s14] =	ssyncadd.s32 $0xFFFFC000  }
.LBB2_6:
0x53c: {  	s21 =	sshra.s32 s20, $0x2  }
0x53d: {  	v17 =	vld [tilespmem:s21+$0x80];
	_ =	sdelay $0x4  }
0x53e: {  	v18 =	vshll.u32 v17, $0x1  }
0x53f: {  	v17 =	vand.u32 $0x7, v17;
	v18 =	vand.u32 $0xFFFFFFF0, v18  }
0x540: {  	v17 =	vor.u32 v17, v18  }
0x541: {  	v18 =	vperm.xlane v17, v2;
	_ =	sdelay $0x1  }
0x542: {  	v19 =	vperm.xlane v17, v1;
	v18 =	vadd.s32 v3, v18;
	_ =	sdelay $0x1  }
0x543: {  	v20 =	vperm.xlane v17, v4;
	v19 =	vadd.s32 v3, v19;
	_ =	sdelay $0x1  }
0x544: {  	v21 =	vperm.xlane v17, v5;
	v20 =	vadd.s32 v3, v20  }
0x545: {  	[tilespmem:s12], [sflag:$0x2] =	stream.indirect_vreg.gather [hbm4b:s8+s3], $0x80, v18, vm0, $0xb8;
	[tilespmem:$0x1E400] =	vst v63  }
0x546: {  	s22 =	simm.s32 $0x6880;
	v50 =	vperm.xlane v17, v6;
	v18 =	vadd.s32 v3, v21  }
0x547: {  	[tilespmem:s22], [sflag:$0x2] =	stream.indirect_vreg.gather [hbm4b:s8+s3], $0x80, v19, vm0, $0xb8;
	[tilespmem:$0x1E400] =	vst v63  }
0x548: {  	v51 =	vperm.xlane v17, v7;
	v19 =	vadd.s32 v3, v50;
	s22 =	simm.s32 $0x6900  }
0x549: {  	[tilespmem:s22], [sflag:$0x2] =	stream.indirect_vreg.gather [hbm4b:s8+s3], $0x80, v20, vm0, $0xb8;
	[tilespmem:$0x1E400] =	vst v63  }
0x54a: {  	v53 =	vperm.xlane v17, v8;
	v52 =	vadd.s32 v3, v51;
	s22 =	simm.s32 $0x6980  }
0x54b: {  	[tilespmem:s22], [sflag:$0x2] =	stream.indirect_vreg.gather [hbm4b:s8+s3], $0x80, v18, vm0, $0xb8;
	[tilespmem:$0x1E400] =	vst v63  }
0x54c: {  	v54 =	vperm.xlane v17, v0;
	v18 =	vadd.s32 v3, v53;
	s22 =	simm.s32 $0x6A00  }
0x54d: {  	[tilespmem:s22], [sflag:$0x2] =	stream.indirect_vreg.gather [hbm4b:s8+s3], $0x80, v19, vm0, $0xb8;
	[tilespmem:$0x1E400] =	vst v63  }
0x54e: {  	v55 =	vperm.xlane v17, v9;
	v19 =	vadd.s32 v3, v54;
	s22 =	simm.s32 $0x6A80  }
0x54f: {  	[tilespmem:s22], [sflag:$0x2] =	stream.indirect_vreg.gather [hbm4b:s8+s3], $0x80, v52, vm0, $0xb8;
	[tilespmem:$0x1E400] =	vst v63  }
0x550: {  	v57 =	vperm.xlane v17, v10;
	v56 =	vadd.s32 v3, v55;
	s22 =	simm.s32 $0x6B00  }
0x551: {  	[tilespmem:s22], [sflag:$0x2] =	stream.indirect_vreg.gather [hbm4b:s8+s3], $0x80, v18, vm0, $0xb8;
	[tilespmem:$0x1E400] =	vst v63  }
0x552: {  	v58 =	vperm.xlane v17, v11;
	v18 =	vadd.s32 v3, v57;
	s22 =	simm.s32 $0x6B80  }
0x553: {  	[tilespmem:s22], [sflag:$0x2] =	stream.indirect_vreg.gather [hbm4b:s8+s3], $0x80, v19, vm0, $0xb8;
	[tilespmem:$0x1E400] =	vst v63  }
0x554: {  	v59 =	vperm.xlane v17, v12;
	v19 =	vadd.s32 v3, v58;
	s22 =	simm.s32 $0x6C00  }
0x555: {  	[tilespmem:s22], [sflag:$0x2] =	stream.indirect_vreg.gather [hbm4b:s8+s3], $0x80, v56, vm0, $0xb8;
	[tilespmem:$0x1E400] =	vst v63  }
0x556: {  	v61 =	vperm.xlane v17, v13;
	v60 =	vadd.s32 v3, v59;
	s22 =	simm.s32 $0x6C80  }
0x557: {  	[tilespmem:s22], [sflag:$0x2] =	stream.indirect_vreg.gather [hbm4b:s8+s3], $0x80, v18, vm0, $0xb8;
	[tilespmem:$0x1E400] =	vst v63  }
0x558: {  	v62 =	vperm.xlane v17, v14;
	v18 =	vadd.s32 v3, v61;
	s22 =	simm.s32 $0x6D00  }
0x559: {  	[tilespmem:s22], [sflag:$0x2] =	stream.indirect_vreg.gather [hbm4b:s8+s3], $0x80, v19, vm0, $0xb8;
	[tilespmem:$0x1E400] =	vst v63  }
0x55a: {  	v63 =	vperm.xlane v17, v15;
	v19 =	vadd.s32 v3, v62;
	s22 =	simm.s32 $0x6D80  }
0x55b: {  	[tilespmem:s22], [sflag:$0x2] =	stream.indirect_vreg.gather [hbm4b:s8+s3], $0x80, v60, vm0, $0xb8;
	[tilespmem:$0x1E400] =	vst v63  }
0x55c: {  	v17 =	vperm.xlane v17, v16;
	v24 =	vadd.s32 v3, v63;
	s22 =	simm.s32 $0x6E00  }
0x55d: {  	[tilespmem:s22], [sflag:$0x2] =	stream.indirect_vreg.gather [hbm4b:s8+s3], $0x80, v18, vm0, $0xb8;
	[tilespmem:$0x1E400] =	vst v63  }
0x55e: {  	v17 =	vadd.s32 v3, v17;
	s22 =	simm.s32 $0x6E80  }
0x55f: {  	[tilespmem:s22], [sflag:$0x2] =	stream.indirect_vreg.gather [hbm4b:s8+s3], $0x80, v19, vm0, $0xb8;
	[tilespmem:$0x1E400] =	vst v63  }
0x560: {  	s22 =	simm.s32 $0x6F00  }
0x561: {  	[tilespmem:s22], [sflag:$0x2] =	stream.indirect_vreg.gather [hbm4b:s8+s3], $0x80, v24, vm0, $0xb8;
	[tilespmem:$0x1E400] =	vst v63  }
0x562: {  	s22 =	simm.s32 $0x6F80  }
0x563: {  	[tilespmem:s22], [sflag:$0x2] =	stream.indirect_vreg.gather [hbm4b:s8+s3], $0x80, v17, vm0, $0xb8;
	[tilespmem:$0x1E400] =	vst v63  }
0x564: {  	v17 =	vld [tilespmem:s21+$0x90];
	_ =	sdelay $0x4  }
0x565: {  	v18 =	vshll.u32 v17, $0x1  }
0x566: {  	v17 =	vand.u32 $0x7, v17;
	v18 =	vand.u32 $0xFFFFFFF0, v18  }
0x567: {  	v17 =	vor.u32 v17, v18  }
0x568: {  	v18 =	vperm.xlane v17, v2;
	_ =	sdelay $0x1  }
0x569: {  	v19 =	vperm.xlane v17, v1;
	v18 =	vadd.s32 v3, v18;
	_ =	sdelay $0x1  }
0x56a: {  	v25 =	vperm.xlane v17, v4;
	v19 =	vadd.s32 v3, v19;
	_ =	sdelay $0x1  }
0x56b: {  	s22 =	simm.s32 $0x7000;
	v26 =	vperm.xlane v17, v5;
	v20 =	vadd.s32 v3, v25  }
0x56c: {  	[tilespmem:s22], [sflag:$0x2] =	stream.indirect_vreg.gather [hbm4b:s8+s3], $0x80, v18, vm0, $0xb8;
	[tilespmem:$0x1E400] =	vst v63  }
0x56d: {  	v27 =	vperm.xlane v17, v6;
	v18 =	vadd.s32 v3, v26;
	s22 =	simm.s32 $0x7080  }
0x56e: {  	[tilespmem:s22], [sflag:$0x2] =	stream.indirect_vreg.gather [hbm4b:s8+s3], $0x80, v19, vm0, $0xb8;
	[tilespmem:$0x1E400] =	vst v63  }
0x56f: {  	v28 =	vperm.xlane v17, v7;
	v19 =	vadd.s32 v3, v27;
	s22 =	simm.s32 $0x7100  }
0x570: {  	[tilespmem:s22], [sflag:$0x2] =	stream.indirect_vreg.gather [hbm4b:s8+s3], $0x80, v20, vm0, $0xb8;
	[tilespmem:$0x1E400] =	vst v63  }
0x571: {  	v30 =	vperm.xlane v17, v8;
	v29 =	vadd.s32 v3, v28;
	s22 =	simm.s32 $0x7180  }
0x572: {  	[tilespmem:s22], [sflag:$0x2] =	stream.indirect_vreg.gather [hbm4b:s8+s3], $0x80, v18, vm0, $0xb8;
	[tilespmem:$0x1E400] =	vst v63  }
0x573: {  	v31 =	vperm.xlane v17, v0;
	v18 =	vadd.s32 v3, v30;
	s22 =	simm.s32 $0x7200  }
0x574: {  	[tilespmem:s22], [sflag:$0x2] =	stream.indirect_vreg.gather [hbm4b:s8+s3], $0x80, v19, vm0, $0xb8;
	[tilespmem:$0x1E400] =	vst v63  }
0x575: {  	v32 =	vperm.xlane v17, v9;
	v19 =	vadd.s32 v3, v31;
	s22 =	simm.s32 $0x7280  }
0x576: {  	[tilespmem:s22], [sflag:$0x2] =	stream.indirect_vreg.gather [hbm4b:s8+s3], $0x80, v29, vm0, $0xb8;
	[tilespmem:$0x1E400] =	vst v63  }
0x577: {  	v34 =	vperm.xlane v17, v10;
	v33 =	vadd.s32 v3, v32;
	s22 =	simm.s32 $0x7300  }
0x578: {  	[tilespmem:s22], [sflag:$0x2] =	stream.indirect_vreg.gather [hbm4b:s8+s3], $0x80, v18, vm0, $0xb8;
	[tilespmem:$0x1E400] =	vst v63  }
0x579: {  	v35 =	vperm.xlane v17, v11;
	v18 =	vadd.s32 v3, v34;
	s22 =	simm.s32 $0x7380  }
0x57a: {  	[tilespmem:s22], [sflag:$0x2] =	stream.indirect_vreg.gather [hbm4b:s8+s3], $0x80, v19, vm0, $0xb8;
	[tilespmem:$0x1E400] =	vst v63  }
0x57b: {  	v36 =	vperm.xlane v17, v12;
	v19 =	vadd.s32 v3, v35;
	s22 =	simm.s32 $0x7400  }
0x57c: {  	[tilespmem:s22], [sflag:$0x2] =	stream.indirect_vreg.gather [hbm4b:s8+s3], $0x80, v33, vm0, $0xb8;
	[tilespmem:$0x1E400] =	vst v63  }
0x57d: {  	v38 =	vperm.xlane v17, v13;
	v37 =	vadd.s32 v3, v36;
	s22 =	simm.s32 $0x7480  }
0x57e: {  	[tilespmem:s22], [sflag:$0x2] =	stream.indirect_vreg.gather [hbm4b:s8+s3], $0x80, v18, vm0, $0xb8;
	[tilespmem:$0x1E400] =	vst v63  }
0x57f: {  	v39 =	vperm.xlane v17, v14;
	v18 =	vadd.s32 v3, v38;
	s22 =	simm.s32 $0x7500  }
0x580: {  	[tilespmem:s22], [sflag:$0x2] =	stream.indirect_vreg.gather [hbm4b:s8+s3], $0x80, v19, vm0, $0xb8;
	[tilespmem:$0x1E400] =	vst v63  }
0x581: {  	v40 =	vperm.xlane v17, v15;
	v19 =	vadd.s32 v3, v39;
	s22 =	simm.s32 $0x7580  }
0x582: {  	[tilespmem:s22], [sflag:$0x2] =	stream.indirect_vreg.gather [hbm4b:s8+s3], $0x80, v37, vm0, $0xb8;
	[tilespmem:$0x1E400] =	vst v63  }
0x583: {  	v17 =	vperm.xlane v17, v16;
	v41 =	vadd.s32 v3, v40;
	s22 =	simm.s32 $0x7600  }
0x584: {  	[tilespmem:s22], [sflag:$0x2] =	stream.indirect_vreg.gather [hbm4b:s8+s3], $0x80, v18, vm0, $0xb8;
	[tilespmem:$0x1E400] =	vst v63  }
0x585: {  	v17 =	vadd.s32 v3, v17;
	s22 =	simm.s32 $0x7680  }
0x586: {  	[tilespmem:s22], [sflag:$0x2] =	stream.indirect_vreg.gather [hbm4b:s8+s3], $0x80, v19, vm0, $0xb8;
	[tilespmem:$0x1E400] =	vst v63  }
0x587: {  	s22 =	simm.s32 $0x7700  }
0x588: {  	[tilespmem:s22], [sflag:$0x2] =	stream.indirect_vreg.gather [hbm4b:s8+s3], $0x80, v41, vm0, $0xb8;
	[tilespmem:$0x1E400] =	vst v63  }
0x589: {  	s22 =	simm.s32 $0x7780  }
0x58a: {  	[tilespmem:s22], [sflag:$0x2] =	stream.indirect_vreg.gather [hbm4b:s8+s3], $0x80, v17, vm0, $0xb8;
	[tilespmem:$0x1E400] =	vst v63  }
0x58b: {  	v17 =	vld [tilespmem:s21+$0xA0];
	_ =	sdelay $0x4  }
0x58c: {  	v18 =	vshll.u32 v17, $0x1  }
0x58d: {  	v17 =	vand.u32 $0x7, v17;
	v18 =	vand.u32 $0xFFFFFFF0, v18  }
0x58e: {  	v17 =	vor.u32 v17, v18  }
0x58f: {  	v18 =	vperm.xlane v17, v2;
	_ =	sdelay $0x1  }
0x590: {  	v19 =	vperm.xlane v17, v1;
	v18 =	vadd.s32 v3, v18;
	_ =	sdelay $0x1  }
0x591: {  	v42 =	vperm.xlane v17, v4;
	v19 =	vadd.s32 v3, v19;
	_ =	sdelay $0x1  }
0x592: {  	s22 =	simm.s32 $0x7800;
	v43 =	vperm.xlane v17, v5;
	v20 =	vadd.s32 v3, v42  }
0x593: {  	[tilespmem:s22], [sflag:$0x2] =	stream.indirect_vreg.gather [hbm4b:s8+s3], $0x80, v18, vm0, $0xb8;
	[tilespmem:$0x1E400] =	vst v63  }
0x594: {  	v44 =	vperm.xlane v17, v6;
	v18 =	vadd.s32 v3, v43;
	s22 =	simm.s32 $0x7880  }
0x595: {  	[tilespmem:s22], [sflag:$0x2] =	stream.indirect_vreg.gather [hbm4b:s8+s3], $0x80, v19, vm0, $0xb8;
	[tilespmem:$0x1E400] =	vst v63  }
0x596: {  	v45 =	vperm.xlane v17, v7;
	v19 =	vadd.s32 v3, v44;
	s22 =	simm.s32 $0x7900  }
0x597: {  	[tilespmem:s22], [sflag:$0x2] =	stream.indirect_vreg.gather [hbm4b:s8+s3], $0x80, v20, vm0, $0xb8;
	[tilespmem:$0x1E400] =	vst v63  }
0x598: {  	v47 =	vperm.xlane v17, v8;
	v46 =	vadd.s32 v3, v45;
	s22 =	simm.s32 $0x7980  }
0x599: {  	[tilespmem:s22], [sflag:$0x2] =	stream.indirect_vreg.gather [hbm4b:s8+s3], $0x80, v18, vm0, $0xb8;
	[tilespmem:$0x1E400] =	vst v63  }
0x59a: {  	v48 =	vperm.xlane v17, v0;
	v18 =	vadd.s32 v3, v47;
	s22 =	simm.s32 $0x7A00  }
0x59b: {  	[tilespmem:s22], [sflag:$0x2] =	stream.indirect_vreg.gather [hbm4b:s8+s3], $0x80, v19, vm0, $0xb8;
	[tilespmem:$0x1E400] =	vst v63  }
0x59c: {  	v49 =	vperm.xlane v17, v9;
	v19 =	vadd.s32 v3, v48;
	s22 =	simm.s32 $0x7A80  }
0x59d: {  	[tilespmem:s22], [sflag:$0x2] =	stream.indirect_vreg.gather [hbm4b:s8+s3], $0x80, v46, vm0, $0xb8;
	[tilespmem:$0x1E400] =	vst v63  }
0x59e: {  	v51 =	vperm.xlane v17, v10;
	v50 =	vadd.s32 v3, v49;
	s22 =	simm.s32 $0x7B00  }
0x59f: {  	[tilespmem:s22], [sflag:$0x2] =	stream.indirect_vreg.gather [hbm4b:s8+s3], $0x80, v18, vm0, $0xb8;
	[tilespmem:$0x1E400] =	vst v63  }
0x5a0: {  	v52 =	vperm.xlane v17, v11;
	v18 =	vadd.s32 v3, v51;
	s22 =	simm.s32 $0x7B80  }
0x5a1: {  	[tilespmem:s22], [sflag:$0x2] =	stream.indirect_vreg.gather [hbm4b:s8+s3], $0x80, v19, vm0, $0xb8;
	[tilespmem:$0x1E400] =	vst v63  }
0x5a2: {  	v53 =	vperm.xlane v17, v12;
	v19 =	vadd.s32 v3, v52;
	s22 =	simm.s32 $0x7C00  }
0x5a3: {  	[tilespmem:s22], [sflag:$0x2] =	stream.indirect_vreg.gather [hbm4b:s8+s3], $0x80, v50, vm0, $0xb8;
	[tilespmem:$0x1E400] =	vst v63  }
0x5a4: {  	v55 =	vperm.xlane v17, v13;
	v54 =	vadd.s32 v3, v53;
	s22 =	simm.s32 $0x7C80  }
0x5a5: {  	[tilespmem:s22], [sflag:$0x2] =	stream.indirect_vreg.gather [hbm4b:s8+s3], $0x80, v18, vm0, $0xb8;
	[tilespmem:$0x1E400] =	vst v63  }
0x5a6: {  	v56 =	vperm.xlane v17, v14;
	v18 =	vadd.s32 v3, v55;
	s22 =	simm.s32 $0x7D00  }
0x5a7: {  	[tilespmem:s22], [sflag:$0x2] =	stream.indirect_vreg.gather [hbm4b:s8+s3], $0x80, v19, vm0, $0xb8;
	[tilespmem:$0x1E400] =	vst v63  }
0x5a8: {  	v57 =	vperm.xlane v17, v15;
	v19 =	vadd.s32 v3, v56;
	s22 =	simm.s32 $0x7D80  }
0x5a9: {  	[tilespmem:s22], [sflag:$0x2] =	stream.indirect_vreg.gather [hbm4b:s8+s3], $0x80, v54, vm0, $0xb8;
	[tilespmem:$0x1E400] =	vst v63  }
0x5aa: {  	v17 =	vperm.xlane v17, v16;
	v58 =	vadd.s32 v3, v57;
	s22 =	simm.s32 $0x7E00  }
0x5ab: {  	[tilespmem:s22], [sflag:$0x2] =	stream.indirect_vreg.gather [hbm4b:s8+s3], $0x80, v18, vm0, $0xb8;
	[tilespmem:$0x1E400] =	vst v63  }
0x5ac: {  	v17 =	vadd.s32 v3, v17;
	s22 =	simm.s32 $0x7E80  }
0x5ad: {  	[tilespmem:s22], [sflag:$0x2] =	stream.indirect_vreg.gather [hbm4b:s8+s3], $0x80, v19, vm0, $0xb8;
	[tilespmem:$0x1E400] =	vst v63  }
0x5ae: {  	s22 =	simm.s32 $0x7F00  }
0x5af: {  	[tilespmem:s22], [sflag:$0x2] =	stream.indirect_vreg.gather [hbm4b:s8+s3], $0x80, v58, vm0, $0xb8;
	[tilespmem:$0x1E400] =	vst v63  }
0x5b0: {  	s22 =	simm.s32 $0x7F80  }
0x5b1: {  	[tilespmem:s22], [sflag:$0x2] =	stream.indirect_vreg.gather [hbm4b:s8+s3], $0x80, v17, vm0, $0xb8;
	[tilespmem:$0x1E400] =	vst v63  }
0x5b2: {  	v17 =	vld [tilespmem:s21+$0xB0];
	_ =	sdelay $0x4  }
0x5b3: {  	v18 =	vshll.u32 v17, $0x1  }
0x5b4: {  	v17 =	vand.u32 $0x7, v17;
	v18 =	vand.u32 $0xFFFFFFF0, v18  }
0x5b5: {  	v17 =	vor.u32 v17, v18  }
0x5b6: {  	v18 =	vperm.xlane v17, v2;
	_ =	sdelay $0x1  }
0x5b7: {  	v19 =	vperm.xlane v17, v1;
	v18 =	vadd.s32 v3, v18;
	_ =	sdelay $0x1  }
0x5b8: {  	v59 =	vperm.xlane v17, v4;
	v19 =	vadd.s32 v3, v19;
	_ =	sdelay $0x1  }
0x5b9: {  	s22 =	simm.s32 $0x8000;
	v60 =	vperm.xlane v17, v5;
	v20 =	vadd.s32 v3, v59  }
0x5ba: {  	[tilespmem:s22], [sflag:$0x2] =	stream.indirect_vreg.gather [hbm4b:s8+s3], $0x80, v18, vm0, $0xb8;
	[tilespmem:$0x1E400] =	vst v63  }
0x5bb: {  	v61 =	vperm.xlane v17, v6;
	v18 =	vadd.s32 v3, v60;
	s22 =	simm.s32 $0x8080  }
0x5bc: {  	[tilespmem:s22], [sflag:$0x2] =	stream.indirect_vreg.gather [hbm4b:s8+s3], $0x80, v19, vm0, $0xb8;
	[tilespmem:$0x1E400] =	vst v63  }
0x5bd: {  	v62 =	vperm.xlane v17, v7;
	v19 =	vadd.s32 v3, v61;
	s22 =	simm.s32 $0x8100  }
0x5be: {  	[tilespmem:s22], [sflag:$0x2] =	stream.indirect_vreg.gather [hbm4b:s8+s3], $0x80, v20, vm0, $0xb8;
	[tilespmem:$0x1E400] =	vst v63  }
0x5bf: {  	v24 =	vperm.xlane v17, v8;
	v63 =	vadd.s32 v3, v62;
	s22 =	simm.s32 $0x8180  }
0x5c0: {  	[tilespmem:s22], [sflag:$0x2] =	stream.indirect_vreg.gather [hbm4b:s8+s3], $0x80, v18, vm0, $0xb8;
	[tilespmem:$0x1E400] =	vst v63  }
0x5c1: {  	v25 =	vperm.xlane v17, v0;
	v18 =	vadd.s32 v3, v24;
	s22 =	simm.s32 $0x8200  }
0x5c2: {  	[tilespmem:s22], [sflag:$0x2] =	stream.indirect_vreg.gather [hbm4b:s8+s3], $0x80, v19, vm0, $0xb8;
	[tilespmem:$0x1E400] =	vst v63  }
0x5c3: {  	v26 =	vperm.xlane v17, v9;
	v19 =	vadd.s32 v3, v25;
	s22 =	simm.s32 $0x8280  }
0x5c4: {  	[tilespmem:s22], [sflag:$0x2] =	stream.indirect_vreg.gather [hbm4b:s8+s3], $0x80, v63, vm0, $0xb8;
	[tilespmem:$0x1E400] =	vst v63  }
0x5c5: {  	v28 =	vperm.xlane v17, v10;
	v27 =	vadd.s32 v3, v26;
	s22 =	simm.s32 $0x8300  }
0x5c6: {  	[tilespmem:s22], [sflag:$0x2] =	stream.indirect_vreg.gather [hbm4b:s8+s3], $0x80, v18, vm0, $0xb8;
	[tilespmem:$0x1E400] =	vst v63  }
0x5c7: {  	v29 =	vperm.xlane v17, v11;
	v18 =	vadd.s32 v3, v28;
	s22 =	simm.s32 $0x8380  }
0x5c8: {  	[tilespmem:s22], [sflag:$0x2] =	stream.indirect_vreg.gather [hbm4b:s8+s3], $0x80, v19, vm0, $0xb8;
	[tilespmem:$0x1E400] =	vst v63  }
0x5c9: {  	v30 =	vperm.xlane v17, v12;
	v19 =	vadd.s32 v3, v29;
	s22 =	simm.s32 $0x8400  }
0x5ca: {  	[tilespmem:s22], [sflag:$0x2] =	stream.indirect_vreg.gather [hbm4b:s8+s3], $0x80, v27, vm0, $0xb8;
	[tilespmem:$0x1E400] =	vst v63  }
0x5cb: {  	v32 =	vperm.xlane v17, v13;
	v31 =	vadd.s32 v3, v30;
	s22 =	simm.s32 $0x8480  }
0x5cc: {  	[tilespmem:s22], [sflag:$0x2] =	stream.indirect_vreg.gather [hbm4b:s8+s3], $0x80, v18, vm0, $0xb8;
	[tilespmem:$0x1E400] =	vst v63  }
0x5cd: {  	v33 =	vperm.xlane v17, v14;
	v18 =	vadd.s32 v3, v32;
	s22 =	simm.s32 $0x8500  }
0x5ce: {  	[tilespmem:s22], [sflag:$0x2] =	stream.indirect_vreg.gather [hbm4b:s8+s3], $0x80, v19, vm0, $0xb8;
	[tilespmem:$0x1E400] =	vst v63  }
0x5cf: {  	v34 =	vperm.xlane v17, v15;
	v19 =	vadd.s32 v3, v33;
	s22 =	simm.s32 $0x8580  }
0x5d0: {  	[tilespmem:s22], [sflag:$0x2] =	stream.indirect_vreg.gather [hbm4b:s8+s3], $0x80, v31, vm0, $0xb8;
	[tilespmem:$0x1E400] =	vst v63  }
0x5d1: {  	v17 =	vperm.xlane v17, v16;
	v35 =	vadd.s32 v3, v34;
	s22 =	simm.s32 $0x8600  }
0x5d2: {  	[tilespmem:s22], [sflag:$0x2] =	stream.indirect_vreg.gather [hbm4b:s8+s3], $0x80, v18, vm0, $0xb8;
	[tilespmem:$0x1E400] =	vst v63  }
0x5d3: {  	v17 =	vadd.s32 v3, v17;
	s22 =	simm.s32 $0x8680  }
0x5d4: {  	[tilespmem:s22], [sflag:$0x2] =	stream.indirect_vreg.gather [hbm4b:s8+s3], $0x80, v19, vm0, $0xb8;
	[tilespmem:$0x1E400] =	vst v63  }
0x5d5: {  	s22 =	simm.s32 $0x8700  }
0x5d6: {  	[tilespmem:s22], [sflag:$0x2] =	stream.indirect_vreg.gather [hbm4b:s8+s3], $0x80, v35, vm0, $0xb8;
	[tilespmem:$0x1E400] =	vst v63  }
0x5d7: {  	s22 =	simm.s32 $0x8780  }
0x5d8: {  	[tilespmem:s22], [sflag:$0x2] =	stream.indirect_vreg.gather [hbm4b:s8+s3], $0x80, v17, vm0, $0xb8;
	[tilespmem:$0x1E400] =	vst v63  }
0x5d9: {  	v17 =	vld [tilespmem:s21+$0xC0];
	_ =	sdelay $0x4  }
0x5da: {  	v18 =	vshll.u32 v17, $0x1  }
0x5db: {  	v17 =	vand.u32 $0x7, v17;
	v18 =	vand.u32 $0xFFFFFFF0, v18  }
0x5dc: {  	v17 =	vor.u32 v17, v18  }
0x5dd: {  	v18 =	vperm.xlane v17, v2;
	_ =	sdelay $0x1  }
0x5de: {  	v19 =	vperm.xlane v17, v1;
	v18 =	vadd.s32 v3, v18;
	_ =	sdelay $0x1  }
0x5df: {  	v36 =	vperm.xlane v17, v4;
	v19 =	vadd.s32 v3, v19;
	_ =	sdelay $0x1  }
0x5e0: {  	s22 =	simm.s32 $0x8800;
	v37 =	vperm.xlane v17, v5;
	v20 =	vadd.s32 v3, v36  }
0x5e1: {  	[tilespmem:s22], [sflag:$0x2] =	stream.indirect_vreg.gather [hbm4b:s8+s3], $0x80, v18, vm0, $0xb8;
	[tilespmem:$0x1E400] =	vst v63  }
0x5e2: {  	v38 =	vperm.xlane v17, v6;
	v18 =	vadd.s32 v3, v37;
	s22 =	simm.s32 $0x8880  }
0x5e3: {  	[tilespmem:s22], [sflag:$0x2] =	stream.indirect_vreg.gather [hbm4b:s8+s3], $0x80, v19, vm0, $0xb8;
	[tilespmem:$0x1E400] =	vst v63  }
0x5e4: {  	v39 =	vperm.xlane v17, v7;
	v19 =	vadd.s32 v3, v38;
	s22 =	simm.s32 $0x8900  }
0x5e5: {  	[tilespmem:s22], [sflag:$0x2] =	stream.indirect_vreg.gather [hbm4b:s8+s3], $0x80, v20, vm0, $0xb8;
	[tilespmem:$0x1E400] =	vst v63  }
0x5e6: {  	v41 =	vperm.xlane v17, v8;
	v40 =	vadd.s32 v3, v39;
	s22 =	simm.s32 $0x8980  }
0x5e7: {  	[tilespmem:s22], [sflag:$0x2] =	stream.indirect_vreg.gather [hbm4b:s8+s3], $0x80, v18, vm0, $0xb8;
	[tilespmem:$0x1E400] =	vst v63  }
0x5e8: {  	v42 =	vperm.xlane v17, v0;
	v18 =	vadd.s32 v3, v41;
	s22 =	simm.s32 $0x8A00  }
0x5e9: {  	[tilespmem:s22], [sflag:$0x2] =	stream.indirect_vreg.gather [hbm4b:s8+s3], $0x80, v19, vm0, $0xb8;
	[tilespmem:$0x1E400] =	vst v63  }
0x5ea: {  	v43 =	vperm.xlane v17, v9;
	v19 =	vadd.s32 v3, v42;
	s22 =	simm.s32 $0x8A80  }
0x5eb: {  	[tilespmem:s22], [sflag:$0x2] =	stream.indirect_vreg.gather [hbm4b:s8+s3], $0x80, v40, vm0, $0xb8;
	[tilespmem:$0x1E400] =	vst v63  }
0x5ec: {  	v45 =	vperm.xlane v17, v10;
	v44 =	vadd.s32 v3, v43;
	s22 =	simm.s32 $0x8B00  }
0x5ed: {  	[tilespmem:s22], [sflag:$0x2] =	stream.indirect_vreg.gather [hbm4b:s8+s3], $0x80, v18, vm0, $0xb8;
	[tilespmem:$0x1E400] =	vst v63  }
0x5ee: {  	v46 =	vperm.xlane v17, v11;
	v18 =	vadd.s32 v3, v45;
	s22 =	simm.s32 $0x8B80  }
0x5ef: {  	[tilespmem:s22], [sflag:$0x2] =	stream.indirect_vreg.gather [hbm4b:s8+s3], $0x80, v19, vm0, $0xb8;
	[tilespmem:$0x1E400] =	vst v63  }
0x5f0: {  	v47 =	vperm.xlane v17, v12;
	v19 =	vadd.s32 v3, v46;
	s22 =	simm.s32 $0x8C00  }
0x5f1: {  	[tilespmem:s22], [sflag:$0x2] =	stream.indirect_vreg.gather [hbm4b:s8+s3], $0x80, v44, vm0, $0xb8;
	[tilespmem:$0x1E400] =	vst v63  }
0x5f2: {  	v49 =	vperm.xlane v17, v13;
	v48 =	vadd.s32 v3, v47;
	s22 =	simm.s32 $0x8C80  }
0x5f3: {  	[tilespmem:s22], [sflag:$0x2] =	stream.indirect_vreg.gather [hbm4b:s8+s3], $0x80, v18, vm0, $0xb8;
	[tilespmem:$0x1E400] =	vst v63  }
0x5f4: {  	v50 =	vperm.xlane v17, v14;
	v18 =	vadd.s32 v3, v49;
	s22 =	simm.s32 $0x8D00  }
0x5f5: {  	[tilespmem:s22], [sflag:$0x2] =	stream.indirect_vreg.gather [hbm4b:s8+s3], $0x80, v19, vm0, $0xb8;
	[tilespmem:$0x1E400] =	vst v63  }
0x5f6: {  	v51 =	vperm.xlane v17, v15;
	v19 =	vadd.s32 v3, v50;
	s22 =	simm.s32 $0x8D80  }
0x5f7: {  	[tilespmem:s22], [sflag:$0x2] =	stream.indirect_vreg.gather [hbm4b:s8+s3], $0x80, v48, vm0, $0xb8;
	[tilespmem:$0x1E400] =	vst v63  }
0x5f8: {  	v17 =	vperm.xlane v17, v16;
	v52 =	vadd.s32 v3, v51;
	s22 =	simm.s32 $0x8E00  }
0x5f9: {  	[tilespmem:s22], [sflag:$0x2] =	stream.indirect_vreg.gather [hbm4b:s8+s3], $0x80, v18, vm0, $0xb8;
	[tilespmem:$0x1E400] =	vst v63  }
0x5fa: {  	v17 =	vadd.s32 v3, v17;
	s22 =	simm.s32 $0x8E80  }
0x5fb: {  	[tilespmem:s22], [sflag:$0x2] =	stream.indirect_vreg.gather [hbm4b:s8+s3], $0x80, v19, vm0, $0xb8;
	[tilespmem:$0x1E400] =	vst v63  }
0x5fc: {  	s22 =	simm.s32 $0x8F00  }
0x5fd: {  	[tilespmem:s22], [sflag:$0x2] =	stream.indirect_vreg.gather [hbm4b:s8+s3], $0x80, v52, vm0, $0xb8;
	[tilespmem:$0x1E400] =	vst v63  }
0x5fe: {  	s22 =	simm.s32 $0x8F80  }
0x5ff: {  	[tilespmem:s22], [sflag:$0x2] =	stream.indirect_vreg.gather [hbm4b:s8+s3], $0x80, v17, vm0, $0xb8;
	[tilespmem:$0x1E400] =	vst v63  }
0x600: {  	v17 =	vld [tilespmem:s21+$0xD0];
	_ =	sdelay $0x4  }
0x601: {  	v18 =	vshll.u32 v17, $0x1  }
0x602: {  	v17 =	vand.u32 $0x7, v17;
	v18 =	vand.u32 $0xFFFFFFF0, v18  }
0x603: {  	v17 =	vor.u32 v17, v18  }
0x604: {  	v18 =	vperm.xlane v17, v2;
	_ =	sdelay $0x1  }
0x605: {  	v19 =	vperm.xlane v17, v1;
	v18 =	vadd.s32 v3, v18;
	_ =	sdelay $0x1  }
0x606: {  	v53 =	vperm.xlane v17, v4;
	v19 =	vadd.s32 v3, v19;
	_ =	sdelay $0x1  }
0x607: {  	s22 =	simm.s32 $0x9000;
	v54 =	vperm.xlane v17, v5;
	v20 =	vadd.s32 v3, v53  }
0x608: {  	[tilespmem:s22], [sflag:$0x2] =	stream.indirect_vreg.gather [hbm4b:s8+s3], $0x80, v18, vm0, $0xb8;
	[tilespmem:$0x1E400] =	vst v63  }
0x609: {  	v55 =	vperm.xlane v17, v6;
	v18 =	vadd.s32 v3, v54;
	s22 =	simm.s32 $0x9080  }
0x60a: {  	[tilespmem:s22], [sflag:$0x2] =	stream.indirect_vreg.gather [hbm4b:s8+s3], $0x80, v19, vm0, $0xb8;
	[tilespmem:$0x1E400] =	vst v63  }
0x60b: {  	v56 =	vperm.xlane v17, v7;
	v19 =	vadd.s32 v3, v55;
	s22 =	simm.s32 $0x9100  }
0x60c: {  	[tilespmem:s22], [sflag:$0x2] =	stream.indirect_vreg.gather [hbm4b:s8+s3], $0x80, v20, vm0, $0xb8;
	[tilespmem:$0x1E400] =	vst v63  }
0x60d: {  	v58 =	vperm.xlane v17, v8;
	v57 =	vadd.s32 v3, v56;
	s22 =	simm.s32 $0x9180  }
0x60e: {  	[tilespmem:s22], [sflag:$0x2] =	stream.indirect_vreg.gather [hbm4b:s8+s3], $0x80, v18, vm0, $0xb8;
	[tilespmem:$0x1E400] =	vst v63  }
0x60f: {  	v59 =	vperm.xlane v17, v0;
	v18 =	vadd.s32 v3, v58;
	s22 =	simm.s32 $0x9200  }
0x610: {  	[tilespmem:s22], [sflag:$0x2] =	stream.indirect_vreg.gather [hbm4b:s8+s3], $0x80, v19, vm0, $0xb8;
	[tilespmem:$0x1E400] =	vst v63  }
0x611: {  	v60 =	vperm.xlane v17, v9;
	v19 =	vadd.s32 v3, v59;
	s22 =	simm.s32 $0x9280  }
0x612: {  	[tilespmem:s22], [sflag:$0x2] =	stream.indirect_vreg.gather [hbm4b:s8+s3], $0x80, v57, vm0, $0xb8;
	[tilespmem:$0x1E400] =	vst v63  }
0x613: {  	v62 =	vperm.xlane v17, v10;
	v61 =	vadd.s32 v3, v60;
	s22 =	simm.s32 $0x9300  }
0x614: {  	[tilespmem:s22], [sflag:$0x2] =	stream.indirect_vreg.gather [hbm4b:s8+s3], $0x80, v18, vm0, $0xb8;
	[tilespmem:$0x1E400] =	vst v63  }
0x615: {  	v63 =	vperm.xlane v17, v11;
	v18 =	vadd.s32 v3, v62;
	s22 =	simm.s32 $0x9380  }
0x616: {  	[tilespmem:s22], [sflag:$0x2] =	stream.indirect_vreg.gather [hbm4b:s8+s3], $0x80, v19, vm0, $0xb8;
	[tilespmem:$0x1E400] =	vst v63  }
0x617: {  	v24 =	vperm.xlane v17, v12;
	v19 =	vadd.s32 v3, v63;
	s22 =	simm.s32 $0x9400  }
0x618: {  	[tilespmem:s22], [sflag:$0x2] =	stream.indirect_vreg.gather [hbm4b:s8+s3], $0x80, v61, vm0, $0xb8;
	[tilespmem:$0x1E400] =	vst v63  }
0x619: {  	v26 =	vperm.xlane v17, v13;
	v25 =	vadd.s32 v3, v24;
	s22 =	simm.s32 $0x9480  }
0x61a: {  	[tilespmem:s22], [sflag:$0x2] =	stream.indirect_vreg.gather [hbm4b:s8+s3], $0x80, v18, vm0, $0xb8;
	[tilespmem:$0x1E400] =	vst v63  }
0x61b: {  	v27 =	vperm.xlane v17, v14;
	v18 =	vadd.s32 v3, v26;
	s22 =	simm.s32 $0x9500  }
0x61c: {  	[tilespmem:s22], [sflag:$0x2] =	stream.indirect_vreg.gather [hbm4b:s8+s3], $0x80, v19, vm0, $0xb8;
	[tilespmem:$0x1E400] =	vst v63  }
0x61d: {  	v28 =	vperm.xlane v17, v15;
	v19 =	vadd.s32 v3, v27;
	s22 =	simm.s32 $0x9580  }
0x61e: {  	[tilespmem:s22], [sflag:$0x2] =	stream.indirect_vreg.gather [hbm4b:s8+s3], $0x80, v25, vm0, $0xb8;
	[tilespmem:$0x1E400] =	vst v63  }
0x61f: {  	v17 =	vperm.xlane v17, v16;
	v29 =	vadd.s32 v3, v28;
	s22 =	simm.s32 $0x9600  }
0x620: {  	[tilespmem:s22], [sflag:$0x2] =	stream.indirect_vreg.gather [hbm4b:s8+s3], $0x80, v18, vm0, $0xb8;
	[tilespmem:$0x1E400] =	vst v63  }
0x621: {  	v17 =	vadd.s32 v3, v17;
	s22 =	simm.s32 $0x9680  }
0x622: {  	[tilespmem:s22], [sflag:$0x2] =	stream.indirect_vreg.gather [hbm4b:s8+s3], $0x80, v19, vm0, $0xb8;
	[tilespmem:$0x1E400] =	vst v63  }
0x623: {  	s22 =	simm.s32 $0x9700  }
0x624: {  	[tilespmem:s22], [sflag:$0x2] =	stream.indirect_vreg.gather [hbm4b:s8+s3], $0x80, v29, vm0, $0xb8;
	[tilespmem:$0x1E400] =	vst v63  }
0x625: {  	s22 =	simm.s32 $0x9780  }
0x626: {  	[tilespmem:s22], [sflag:$0x2] =	stream.indirect_vreg.gather [hbm4b:s8+s3], $0x80, v17, vm0, $0xb8;
	[tilespmem:$0x1E400] =	vst v63  }
0x627: {  	v17 =	vld [tilespmem:s21+$0xE0];
	_ =	sdelay $0x4  }
0x628: {  	v18 =	vshll.u32 v17, $0x1  }
0x629: {  	v17 =	vand.u32 $0x7, v17;
	v18 =	vand.u32 $0xFFFFFFF0, v18  }
0x62a: {  	v17 =	vor.u32 v17, v18  }
0x62b: {  	v18 =	vperm.xlane v17, v2;
	_ =	sdelay $0x1  }
0x62c: {  	v19 =	vperm.xlane v17, v1;
	v18 =	vadd.s32 v3, v18;
	_ =	sdelay $0x1  }
0x62d: {  	v30 =	vperm.xlane v17, v4;
	v19 =	vadd.s32 v3, v19;
	_ =	sdelay $0x1  }
0x62e: {  	s22 =	simm.s32 $0x9800;
	v31 =	vperm.xlane v17, v5;
	v20 =	vadd.s32 v3, v30  }
0x62f: {  	[tilespmem:s22], [sflag:$0x2] =	stream.indirect_vreg.gather [hbm4b:s8+s3], $0x80, v18, vm0, $0xb8;
	[tilespmem:$0x1E400] =	vst v63  }
0x630: {  	v32 =	vperm.xlane v17, v6;
	v18 =	vadd.s32 v3, v31;
	s22 =	simm.s32 $0x9880  }
0x631: {  	[tilespmem:s22], [sflag:$0x2] =	stream.indirect_vreg.gather [hbm4b:s8+s3], $0x80, v19, vm0, $0xb8;
	[tilespmem:$0x1E400] =	vst v63  }
0x632: {  	v33 =	vperm.xlane v17, v7;
	v19 =	vadd.s32 v3, v32;
	s22 =	simm.s32 $0x9900  }
0x633: {  	[tilespmem:s22], [sflag:$0x2] =	stream.indirect_vreg.gather [hbm4b:s8+s3], $0x80, v20, vm0, $0xb8;
	[tilespmem:$0x1E400] =	vst v63  }
0x634: {  	v35 =	vperm.xlane v17, v8;
	v34 =	vadd.s32 v3, v33;
	s22 =	simm.s32 $0x9980  }
0x635: {  	[tilespmem:s22], [sflag:$0x2] =	stream.indirect_vreg.gather [hbm4b:s8+s3], $0x80, v18, vm0, $0xb8;
	[tilespmem:$0x1E400] =	vst v63  }
0x636: {  	v36 =	vperm.xlane v17, v0;
	v18 =	vadd.s32 v3, v35;
	s22 =	simm.s32 $0x9A00  }
0x637: {  	[tilespmem:s22], [sflag:$0x2] =	stream.indirect_vreg.gather [hbm4b:s8+s3], $0x80, v19, vm0, $0xb8;
	[tilespmem:$0x1E400] =	vst v63  }
0x638: {  	v37 =	vperm.xlane v17, v9;
	v19 =	vadd.s32 v3, v36;
	s22 =	simm.s32 $0x9A80  }
0x639: {  	[tilespmem:s22], [sflag:$0x2] =	stream.indirect_vreg.gather [hbm4b:s8+s3], $0x80, v34, vm0, $0xb8;
	[tilespmem:$0x1E400] =	vst v63  }
0x63a: {  	v39 =	vperm.xlane v17, v10;
	v38 =	vadd.s32 v3, v37;
	s22 =	simm.s32 $0x9B00  }
0x63b: {  	[tilespmem:s22], [sflag:$0x2] =	stream.indirect_vreg.gather [hbm4b:s8+s3], $0x80, v18, vm0, $0xb8;
	[tilespmem:$0x1E400] =	vst v63  }
0x63c: {  	v40 =	vperm.xlane v17, v11;
	v18 =	vadd.s32 v3, v39;
	s22 =	simm.s32 $0x9B80  }
0x63d: {  	[tilespmem:s22], [sflag:$0x2] =	stream.indirect_vreg.gather [hbm4b:s8+s3], $0x80, v19, vm0, $0xb8;
	[tilespmem:$0x1E400] =	vst v63  }
0x63e: {  	v41 =	vperm.xlane v17, v12;
	v19 =	vadd.s32 v3, v40;
	s22 =	simm.s32 $0x9C00  }
0x63f: {  	[tilespmem:s22], [sflag:$0x2] =	stream.indirect_vreg.gather [hbm4b:s8+s3], $0x80, v38, vm0, $0xb8;
	[tilespmem:$0x1E400] =	vst v63  }
0x640: {  	v43 =	vperm.xlane v17, v13;
	v42 =	vadd.s32 v3, v41;
	s22 =	simm.s32 $0x9C80  }
0x641: {  	[tilespmem:s22], [sflag:$0x2] =	stream.indirect_vreg.gather [hbm4b:s8+s3], $0x80, v18, vm0, $0xb8;
	[tilespmem:$0x1E400] =	vst v63  }
0x642: {  	v44 =	vperm.xlane v17, v14;
	v18 =	vadd.s32 v3, v43;
	s22 =	simm.s32 $0x9D00  }
0x643: {  	[tilespmem:s22], [sflag:$0x2] =	stream.indirect_vreg.gather [hbm4b:s8+s3], $0x80, v19, vm0, $0xb8;
	[tilespmem:$0x1E400] =	vst v63  }
0x644: {  	v45 =	vperm.xlane v17, v15;
	v19 =	vadd.s32 v3, v44;
	s22 =	simm.s32 $0x9D80  }
0x645: {  	[tilespmem:s22], [sflag:$0x2] =	stream.indirect_vreg.gather [hbm4b:s8+s3], $0x80, v42, vm0, $0xb8;
	[tilespmem:$0x1E400] =	vst v63  }
0x646: {  	v17 =	vperm.xlane v17, v16;
	v46 =	vadd.s32 v3, v45;
	s22 =	simm.s32 $0x9E00  }
0x647: {  	[tilespmem:s22], [sflag:$0x2] =	stream.indirect_vreg.gather [hbm4b:s8+s3], $0x80, v18, vm0, $0xb8;
	[tilespmem:$0x1E400] =	vst v63  }
0x648: {  	v17 =	vadd.s32 v3, v17  }
0x649: {  	[tilespmem:s23], [sflag:$0x2] =	stream.indirect_vreg.gather [hbm4b:s8+s3], $0x80, v19, vm0, $0xb8;
	[tilespmem:$0x1E400] =	vst v63  }
0x64a: {  	_ = 	snop  }
0x64b: {  	[tilespmem:s24], [sflag:$0x2] =	stream.indirect_vreg.gather [hbm4b:s8+s3], $0x80, v46, vm0, $0xb8;
	[tilespmem:$0x1E400] =	vst v63  }
0x64c: {  	_ = 	snop  }
0x64d: {  	[tilespmem:s25], [sflag:$0x2] =	stream.indirect_vreg.gather [hbm4b:s8+s3], $0x80, v17, vm0, $0xb8;
	[tilespmem:$0x1E400] =	vst v63  }
0x64e: {  	v17 =	vld [tilespmem:s21+$0xF0];
	_ =	sdelay $0x4  }
0x64f: {  	v18 =	vshll.u32 v17, $0x1  }
0x650: {  	v17 =	vand.u32 $0x7, v17;
	v18 =	vand.u32 $0xFFFFFFF0, v18  }
0x651: {  	v17 =	vor.u32 v17, v18  }
0x652: {  	v18 =	vperm.xlane v17, v2;
	_ =	sdelay $0x1  }
0x653: {  	v19 =	vperm.xlane v17, v1;
	v18 =	vadd.s32 v3, v18;
	_ =	sdelay $0x1  }
0x654: {  	v47 =	vperm.xlane v17, v4;
	v19 =	vadd.s32 v3, v19;
	_ =	sdelay $0x1  }
0x655: {  	v48 =	vperm.xlane v17, v5;
	v20 =	vadd.s32 v3, v47  }
0x656: {  	[tilespmem:s9], [sflag:$0x2] =	stream.indirect_vreg.gather [hbm4b:s8+s3], $0x80, v18, vm0, $0xb8;
	[tilespmem:$0x1E400] =	vst v63  }
0x657: {  	v49 =	vperm.xlane v17, v6;
	v18 =	vadd.s32 v3, v48  }
0x658: {  	[tilespmem:s26], [sflag:$0x2] =	stream.indirect_vreg.gather [hbm4b:s8+s3], $0x80, v19, vm0, $0xb8;
	[tilespmem:$0x1E400] =	vst v63  }
0x659: {  	v50 =	vperm.xlane v17, v7;
	v19 =	vadd.s32 v3, v49  }
0x65a: {  	[tilespmem:s29], [sflag:$0x2] =	stream.indirect_vreg.gather [hbm4b:s8+s3], $0x80, v20, vm0, $0xb8;
	[tilespmem:$0x1E400] =	vst v63  }
0x65b: {  	v52 =	vperm.xlane v17, v8;
	v51 =	vadd.s32 v3, v50  }
0x65c: {  	[tilespmem:s4], [sflag:$0x2] =	stream.indirect_vreg.gather [hbm4b:s8+s3], $0x80, v18, vm0, $0xb8;
	[tilespmem:$0x1E400] =	vst v63  }
0x65d: {  	v53 =	vperm.xlane v17, v0;
	v18 =	vadd.s32 v3, v52  }
0x65e: {  	[tilespmem:s7], [sflag:$0x2] =	stream.indirect_vreg.gather [hbm4b:s8+s3], $0x80, v19, vm0, $0xb8;
	[tilespmem:$0x1E400] =	vst v63  }
0x65f: {  	v54 =	vperm.xlane v17, v9;
	v19 =	vadd.s32 v3, v53  }
0x660: {  	[tilespmem:s6], [sflag:$0x2] =	stream.indirect_vreg.gather [hbm4b:s8+s3], $0x80, v51, vm0, $0xb8;
	[tilespmem:$0x1E400] =	vst v63  }
0x661: {  	v56 =	vperm.xlane v17, v10;
	v55 =	vadd.s32 v3, v54  }
0x662: {  	[tilespmem:s1], [sflag:$0x2] =	stream.indirect_vreg.gather [hbm4b:s8+s3], $0x80, v18, vm0, $0xb8;
	[tilespmem:$0x1E400] =	vst v63  }
0x663: {  	v57 =	vperm.xlane v17, v11;
	v18 =	vadd.s32 v3, v56  }
0x664: {  	[tilespmem:s15], [sflag:$0x2] =	stream.indirect_vreg.gather [hbm4b:s8+s3], $0x80, v19, vm0, $0xb8;
	[tilespmem:$0x1E400] =	vst v63  }
0x665: {  	v58 =	vperm.xlane v17, v12;
	v19 =	vadd.s32 v3, v57  }
0x666: {  	[tilespmem:s0], [sflag:$0x2] =	stream.indirect_vreg.gather [hbm4b:s8+s3], $0x80, v55, vm0, $0xb8;
	[tilespmem:$0x1E400] =	vst v63  }
0x667: {  	v60 =	vperm.xlane v17, v13;
	v59 =	vadd.s32 v3, v58  }
0x668: {  	[tilespmem:s31], [sflag:$0x2] =	stream.indirect_vreg.gather [hbm4b:s8+s3], $0x80, v18, vm0, $0xb8;
	[tilespmem:$0x1E400] =	vst v63  }
0x669: {  	v61 =	vperm.xlane v17, v14;
	v18 =	vadd.s32 v3, v60  }
0x66a: {  	[tilespmem:s30], [sflag:$0x2] =	stream.indirect_vreg.gather [hbm4b:s8+s3], $0x80, v19, vm0, $0xb8;
	[tilespmem:$0x1E400] =	vst v63  }
0x66b: {  	v62 =	vperm.xlane v17, v15;
	v19 =	vadd.s32 v3, v61  }
0x66c: {  	[tilespmem:s28], [sflag:$0x2] =	stream.indirect_vreg.gather [hbm4b:s8+s3], $0x80, v59, vm0, $0xb8;
	[tilespmem:$0x1E400] =	vst v63  }
0x66d: {  	v17 =	vperm.xlane v17, v16;
	v63 =	vadd.s32 v3, v62  }
0x66e: {  	[tilespmem:s10], [sflag:$0x2] =	stream.indirect_vreg.gather [hbm4b:s8+s3], $0x80, v18, vm0, $0xb8;
	[tilespmem:$0x1E400] =	vst v63  }
0x66f: {  	v17 =	vadd.s32 v3, v17  }
0x670: {  	[tilespmem:s11], [sflag:$0x2] =	stream.indirect_vreg.gather [hbm4b:s8+s3], $0x80, v19, vm0, $0xb8;
	[tilespmem:$0x1E400] =	vst v63  }
0x671: {  	_ = 	snop  }
0x672: {  	[tilespmem:s5], [sflag:$0x2] =	stream.indirect_vreg.gather [hbm4b:s8+s3], $0x80, v63, vm0, $0xb8;
	[tilespmem:$0x1E400] =	vst v63  }
0x673: {  	_ = 	snop  }
0x674: {  	[tilespmem:s13], [sflag:$0x2] =	stream.indirect_vreg.gather [hbm4b:s8+s3], $0x80, v17, vm0, $0xb8;
	[tilespmem:$0x1E400] =	vst v63  }
0x675: {  	_ =	swait.ge [sflag:s17], $0x4000  }
0x676: {  	p0 =	seq.s32 s20, $0x4C00;
	[sflag:s17] =	ssyncset.done $0x0  }
.Ltmp8:
0x677: {  	s22 =	sadd.s32 $0x1400, s21;
	[sflag:s17] =	ssyncadd.s32 $0xFFFFC000;
	(pc) =	sbr.rel @p0 .LBB2_8-.Ltmp8, $4  }
0x678: {  	[spmem:s2] =	stream.indirect.scatter.add.f32 [tilespmem:s16], [sflag:$0x3], $0x80, s22, s18, $0xb8;
	[tilespmem:$0x1E400] =	vst v63  }
0x679: {  	_ =	swait.ge [sflag:s14], $0x4000  }
0x67a: {  	[sflag:s14] =	ssyncset.done $0x0  }
0x67b: {  	[sflag:s14] =	ssyncadd.s32 $0xFFFFC000  }
0x67c: {  	v17 =	vld [tilespmem:s21+$0x100];
	_ =	sdelay $0x4  }
0x67d: {  	v18 =	vshll.u32 v17, $0x1  }
0x67e: {  	v17 =	vand.u32 $0x7, v17;
	v18 =	vand.u32 $0xFFFFFFF0, v18  }
0x67f: {  	v17 =	vor.u32 v17, v18  }
0x680: {  	v18 =	vperm.xlane v17, v2;
	_ =	sdelay $0x1  }
0x681: {  	v19 =	vperm.xlane v17, v1;
	v18 =	vadd.s32 v3, v18;
	_ =	sdelay $0x1  }
0x682: {  	v20 =	vperm.xlane v17, v4;
	v19 =	vadd.s32 v3, v19;
	_ =	sdelay $0x1  }
0x683: {  	v21 =	vperm.xlane v17, v5;
	v20 =	vadd.s32 v3, v20  }
0x684: {  	[tilespmem:s16], [sflag:$0x1] =	stream.indirect_vreg.gather [hbm4b:s8+s3], $0x80, v18, vm0, $0xb8;
	[tilespmem:$0x1E400] =	vst v63  }
0x685: {  	s22 =	simm.s32 $0x2880;
	v50 =	vperm.xlane v17, v6;
	v18 =	vadd.s32 v3, v21  }
0x686: {  	[tilespmem:s22], [sflag:$0x1] =	stream.indirect_vreg.gather [hbm4b:s8+s3], $0x80, v19, vm0, $0xb8;
	[tilespmem:$0x1E400] =	vst v63  }
0x687: {  	v51 =	vperm.xlane v17, v7;
	v19 =	vadd.s32 v3, v50;
	s22 =	simm.s32 $0x2900  }
0x688: {  	[tilespmem:s22], [sflag:$0x1] =	stream.indirect_vreg.gather [hbm4b:s8+s3], $0x80, v20, vm0, $0xb8;
	[tilespmem:$0x1E400] =	vst v63  }
0x689: {  	v53 =	vperm.xlane v17, v8;
	v52 =	vadd.s32 v3, v51;
	s22 =	simm.s32 $0x2980  }
0x68a: {  	[tilespmem:s22], [sflag:$0x1] =	stream.indirect_vreg.gather [hbm4b:s8+s3], $0x80, v18, vm0, $0xb8;
	[tilespmem:$0x1E400] =	vst v63  }
0x68b: {  	v54 =	vperm.xlane v17, v0;
	v18 =	vadd.s32 v3, v53;
	s22 =	simm.s32 $0x2A00  }
0x68c: {  	[tilespmem:s22], [sflag:$0x1] =	stream.indirect_vreg.gather [hbm4b:s8+s3], $0x80, v19, vm0, $0xb8;
	[tilespmem:$0x1E400] =	vst v63  }
0x68d: {  	v55 =	vperm.xlane v17, v9;
	v19 =	vadd.s32 v3, v54;
	s22 =	simm.s32 $0x2A80  }
0x68e: {  	[tilespmem:s22], [sflag:$0x1] =	stream.indirect_vreg.gather [hbm4b:s8+s3], $0x80, v52, vm0, $0xb8;
	[tilespmem:$0x1E400] =	vst v63  }
0x68f: {  	v57 =	vperm.xlane v17, v10;
	v56 =	vadd.s32 v3, v55;
	s22 =	simm.s32 $0x2B00  }
0x690: {  	[tilespmem:s22], [sflag:$0x1] =	stream.indirect_vreg.gather [hbm4b:s8+s3], $0x80, v18, vm0, $0xb8;
	[tilespmem:$0x1E400] =	vst v63  }
0x691: {  	v58 =	vperm.xlane v17, v11;
	v18 =	vadd.s32 v3, v57;
	s22 =	simm.s32 $0x2B80  }
0x692: {  	[tilespmem:s22], [sflag:$0x1] =	stream.indirect_vreg.gather [hbm4b:s8+s3], $0x80, v19, vm0, $0xb8;
	[tilespmem:$0x1E400] =	vst v63  }
0x693: {  	v59 =	vperm.xlane v17, v12;
	v19 =	vadd.s32 v3, v58;
	s22 =	simm.s32 $0x2C00  }
0x694: {  	[tilespmem:s22], [sflag:$0x1] =	stream.indirect_vreg.gather [hbm4b:s8+s3], $0x80, v56, vm0, $0xb8;
	[tilespmem:$0x1E400] =	vst v63  }
0x695: {  	v61 =	vperm.xlane v17, v13;
	v60 =	vadd.s32 v3, v59;
	s22 =	simm.s32 $0x2C80  }
0x696: {  	[tilespmem:s22], [sflag:$0x1] =	stream.indirect_vreg.gather [hbm4b:s8+s3], $0x80, v18, vm0, $0xb8;
	[tilespmem:$0x1E400] =	vst v63  }
0x697: {  	v62 =	vperm.xlane v17, v14;
	v18 =	vadd.s32 v3, v61;
	s22 =	simm.s32 $0x2D00  }
0x698: {  	[tilespmem:s22], [sflag:$0x1] =	stream.indirect_vreg.gather [hbm4b:s8+s3], $0x80, v19, vm0, $0xb8;
	[tilespmem:$0x1E400] =	vst v63  }
0x699: {  	v63 =	vperm.xlane v17, v15;
	v19 =	vadd.s32 v3, v62;
	s22 =	simm.s32 $0x2D80  }
0x69a: {  	[tilespmem:s22], [sflag:$0x1] =	stream.indirect_vreg.gather [hbm4b:s8+s3], $0x80, v60, vm0, $0xb8;
	[tilespmem:$0x1E400] =	vst v63  }
0x69b: {  	v17 =	vperm.xlane v17, v16;
	v24 =	vadd.s32 v3, v63;
	s22 =	simm.s32 $0x2E00  }
0x69c: {  	[tilespmem:s22], [sflag:$0x1] =	stream.indirect_vreg.gather [hbm4b:s8+s3], $0x80, v18, vm0, $0xb8;
	[tilespmem:$0x1E400] =	vst v63  }
0x69d: {  	v17 =	vadd.s32 v3, v17;
	s22 =	simm.s32 $0x2E80  }
0x69e: {  	[tilespmem:s22], [sflag:$0x1] =	stream.indirect_vreg.gather [hbm4b:s8+s3], $0x80, v19, vm0, $0xb8;
	[tilespmem:$0x1E400] =	vst v63  }
0x69f: {  	s22 =	simm.s32 $0x2F00  }
0x6a0: {  	[tilespmem:s22], [sflag:$0x1] =	stream.indirect_vreg.gather [hbm4b:s8+s3], $0x80, v24, vm0, $0xb8;
	[tilespmem:$0x1E400] =	vst v63  }
0x6a1: {  	s22 =	simm.s32 $0x2F80  }
0x6a2: {  	[tilespmem:s22], [sflag:$0x1] =	stream.indirect_vreg.gather [hbm4b:s8+s3], $0x80, v17, vm0, $0xb8;
	[tilespmem:$0x1E400] =	vst v63  }
0x6a3: {  	v17 =	vld [tilespmem:s21+$0x110];
	_ =	sdelay $0x4  }
0x6a4: {  	v18 =	vshll.u32 v17, $0x1  }
0x6a5: {  	v17 =	vand.u32 $0x7, v17;
	v18 =	vand.u32 $0xFFFFFFF0, v18  }
0x6a6: {  	v17 =	vor.u32 v17, v18  }
0x6a7: {  	v18 =	vperm.xlane v17, v2;
	_ =	sdelay $0x1  }
0x6a8: {  	v19 =	vperm.xlane v17, v1;
	v18 =	vadd.s32 v3, v18;
	_ =	sdelay $0x1  }
0x6a9: {  	v25 =	vperm.xlane v17, v4;
	v19 =	vadd.s32 v3, v19;
	_ =	sdelay $0x1  }
0x6aa: {  	s22 =	simm.s32 $0x3000;
	v26 =	vperm.xlane v17, v5;
	v20 =	vadd.s32 v3, v25  }
0x6ab: {  	[tilespmem:s22], [sflag:$0x1] =	stream.indirect_vreg.gather [hbm4b:s8+s3], $0x80, v18, vm0, $0xb8;
	[tilespmem:$0x1E400] =	vst v63  }
0x6ac: {  	v27 =	vperm.xlane v17, v6;
	v18 =	vadd.s32 v3, v26;
	s22 =	simm.s32 $0x3080  }
0x6ad: {  	[tilespmem:s22], [sflag:$0x1] =	stream.indirect_vreg.gather [hbm4b:s8+s3], $0x80, v19, vm0, $0xb8;
	[tilespmem:$0x1E400] =	vst v63  }
0x6ae: {  	v28 =	vperm.xlane v17, v7;
	v19 =	vadd.s32 v3, v27;
	s22 =	simm.s32 $0x3100  }
0x6af: {  	[tilespmem:s22], [sflag:$0x1] =	stream.indirect_vreg.gather [hbm4b:s8+s3], $0x80, v20, vm0, $0xb8;
	[tilespmem:$0x1E400] =	vst v63  }
0x6b0: {  	v30 =	vperm.xlane v17, v8;
	v29 =	vadd.s32 v3, v28;
	s22 =	simm.s32 $0x3180  }
0x6b1: {  	[tilespmem:s22], [sflag:$0x1] =	stream.indirect_vreg.gather [hbm4b:s8+s3], $0x80, v18, vm0, $0xb8;
	[tilespmem:$0x1E400] =	vst v63  }
0x6b2: {  	v31 =	vperm.xlane v17, v0;
	v18 =	vadd.s32 v3, v30;
	s22 =	simm.s32 $0x3200  }
0x6b3: {  	[tilespmem:s22], [sflag:$0x1] =	stream.indirect_vreg.gather [hbm4b:s8+s3], $0x80, v19, vm0, $0xb8;
	[tilespmem:$0x1E400] =	vst v63  }
0x6b4: {  	v32 =	vperm.xlane v17, v9;
	v19 =	vadd.s32 v3, v31;
	s22 =	simm.s32 $0x3280  }
0x6b5: {  	[tilespmem:s22], [sflag:$0x1] =	stream.indirect_vreg.gather [hbm4b:s8+s3], $0x80, v29, vm0, $0xb8;
	[tilespmem:$0x1E400] =	vst v63  }
0x6b6: {  	v34 =	vperm.xlane v17, v10;
	v33 =	vadd.s32 v3, v32;
	s22 =	simm.s32 $0x3300  }
0x6b7: {  	[tilespmem:s22], [sflag:$0x1] =	stream.indirect_vreg.gather [hbm4b:s8+s3], $0x80, v18, vm0, $0xb8;
	[tilespmem:$0x1E400] =	vst v63  }
0x6b8: {  	v35 =	vperm.xlane v17, v11;
	v18 =	vadd.s32 v3, v34;
	s22 =	simm.s32 $0x3380  }
0x6b9: {  	[tilespmem:s22], [sflag:$0x1] =	stream.indirect_vreg.gather [hbm4b:s8+s3], $0x80, v19, vm0, $0xb8;
	[tilespmem:$0x1E400] =	vst v63  }
0x6ba: {  	v36 =	vperm.xlane v17, v12;
	v19 =	vadd.s32 v3, v35;
	s22 =	simm.s32 $0x3400  }
0x6bb: {  	[tilespmem:s22], [sflag:$0x1] =	stream.indirect_vreg.gather [hbm4b:s8+s3], $0x80, v33, vm0, $0xb8;
	[tilespmem:$0x1E400] =	vst v63  }
0x6bc: {  	v38 =	vperm.xlane v17, v13;
	v37 =	vadd.s32 v3, v36;
	s22 =	simm.s32 $0x3480  }
0x6bd: {  	[tilespmem:s22], [sflag:$0x1] =	stream.indirect_vreg.gather [hbm4b:s8+s3], $0x80, v18, vm0, $0xb8;
	[tilespmem:$0x1E400] =	vst v63  }
0x6be: {  	v39 =	vperm.xlane v17, v14;
	v18 =	vadd.s32 v3, v38;
	s22 =	simm.s32 $0x3500  }
0x6bf: {  	[tilespmem:s22], [sflag:$0x1] =	stream.indirect_vreg.gather [hbm4b:s8+s3], $0x80, v19, vm0, $0xb8;
	[tilespmem:$0x1E400] =	vst v63  }
0x6c0: {  	v40 =	vperm.xlane v17, v15;
	v19 =	vadd.s32 v3, v39;
	s22 =	simm.s32 $0x3580  }
0x6c1: {  	[tilespmem:s22], [sflag:$0x1] =	stream.indirect_vreg.gather [hbm4b:s8+s3], $0x80, v37, vm0, $0xb8;
	[tilespmem:$0x1E400] =	vst v63  }
0x6c2: {  	v17 =	vperm.xlane v17, v16;
	v41 =	vadd.s32 v3, v40;
	s22 =	simm.s32 $0x3600  }
0x6c3: {  	[tilespmem:s22], [sflag:$0x1] =	stream.indirect_vreg.gather [hbm4b:s8+s3], $0x80, v18, vm0, $0xb8;
	[tilespmem:$0x1E400] =	vst v63  }
0x6c4: {  	v17 =	vadd.s32 v3, v17;
	s22 =	simm.s32 $0x3680  }
0x6c5: {  	[tilespmem:s22], [sflag:$0x1] =	stream.indirect_vreg.gather [hbm4b:s8+s3], $0x80, v19, vm0, $0xb8;
	[tilespmem:$0x1E400] =	vst v63  }
0x6c6: {  	s22 =	simm.s32 $0x3700  }
0x6c7: {  	[tilespmem:s22], [sflag:$0x1] =	stream.indirect_vreg.gather [hbm4b:s8+s3], $0x80, v41, vm0, $0xb8;
	[tilespmem:$0x1E400] =	vst v63  }
0x6c8: {  	s22 =	simm.s32 $0x3780  }
0x6c9: {  	[tilespmem:s22], [sflag:$0x1] =	stream.indirect_vreg.gather [hbm4b:s8+s3], $0x80, v17, vm0, $0xb8;
	[tilespmem:$0x1E400] =	vst v63  }
0x6ca: {  	v17 =	vld [tilespmem:s21+$0x120];
	_ =	sdelay $0x4  }
0x6cb: {  	v18 =	vshll.u32 v17, $0x1  }
0x6cc: {  	v17 =	vand.u32 $0x7, v17;
	v18 =	vand.u32 $0xFFFFFFF0, v18  }
0x6cd: {  	v17 =	vor.u32 v17, v18  }
0x6ce: {  	v18 =	vperm.xlane v17, v2;
	_ =	sdelay $0x1  }
0x6cf: {  	v19 =	vperm.xlane v17, v1;
	v18 =	vadd.s32 v3, v18;
	_ =	sdelay $0x1  }
0x6d0: {  	v42 =	vperm.xlane v17, v4;
	v19 =	vadd.s32 v3, v19;
	_ =	sdelay $0x1  }
0x6d1: {  	s22 =	simm.s32 $0x3800;
	v43 =	vperm.xlane v17, v5;
	v20 =	vadd.s32 v3, v42  }
0x6d2: {  	[tilespmem:s22], [sflag:$0x1] =	stream.indirect_vreg.gather [hbm4b:s8+s3], $0x80, v18, vm0, $0xb8;
	[tilespmem:$0x1E400] =	vst v63  }
0x6d3: {  	v44 =	vperm.xlane v17, v6;
	v18 =	vadd.s32 v3, v43;
	s22 =	simm.s32 $0x3880  }
0x6d4: {  	[tilespmem:s22], [sflag:$0x1] =	stream.indirect_vreg.gather [hbm4b:s8+s3], $0x80, v19, vm0, $0xb8;
	[tilespmem:$0x1E400] =	vst v63  }
0x6d5: {  	v45 =	vperm.xlane v17, v7;
	v19 =	vadd.s32 v3, v44;
	s22 =	simm.s32 $0x3900  }
0x6d6: {  	[tilespmem:s22], [sflag:$0x1] =	stream.indirect_vreg.gather [hbm4b:s8+s3], $0x80, v20, vm0, $0xb8;
	[tilespmem:$0x1E400] =	vst v63  }
0x6d7: {  	v47 =	vperm.xlane v17, v8;
	v46 =	vadd.s32 v3, v45;
	s22 =	simm.s32 $0x3980  }
0x6d8: {  	[tilespmem:s22], [sflag:$0x1] =	stream.indirect_vreg.gather [hbm4b:s8+s3], $0x80, v18, vm0, $0xb8;
	[tilespmem:$0x1E400] =	vst v63  }
0x6d9: {  	v48 =	vperm.xlane v17, v0;
	v18 =	vadd.s32 v3, v47;
	s22 =	simm.s32 $0x3A00  }
0x6da: {  	[tilespmem:s22], [sflag:$0x1] =	stream.indirect_vreg.gather [hbm4b:s8+s3], $0x80, v19, vm0, $0xb8;
	[tilespmem:$0x1E400] =	vst v63  }
0x6db: {  	v49 =	vperm.xlane v17, v9;
	v19 =	vadd.s32 v3, v48;
	s22 =	simm.s32 $0x3A80  }
0x6dc: {  	[tilespmem:s22], [sflag:$0x1] =	stream.indirect_vreg.gather [hbm4b:s8+s3], $0x80, v46, vm0, $0xb8;
	[tilespmem:$0x1E400] =	vst v63  }
0x6dd: {  	v51 =	vperm.xlane v17, v10;
	v50 =	vadd.s32 v3, v49;
	s22 =	simm.s32 $0x3B00  }
0x6de: {  	[tilespmem:s22], [sflag:$0x1] =	stream.indirect_vreg.gather [hbm4b:s8+s3], $0x80, v18, vm0, $0xb8;
	[tilespmem:$0x1E400] =	vst v63  }
0x6df: {  	v52 =	vperm.xlane v17, v11;
	v18 =	vadd.s32 v3, v51;
	s22 =	simm.s32 $0x3B80  }
0x6e0: {  	[tilespmem:s22], [sflag:$0x1] =	stream.indirect_vreg.gather [hbm4b:s8+s3], $0x80, v19, vm0, $0xb8;
	[tilespmem:$0x1E400] =	vst v63  }
0x6e1: {  	v53 =	vperm.xlane v17, v12;
	v19 =	vadd.s32 v3, v52;
	s22 =	simm.s32 $0x3C00  }
0x6e2: {  	[tilespmem:s22], [sflag:$0x1] =	stream.indirect_vreg.gather [hbm4b:s8+s3], $0x80, v50, vm0, $0xb8;
	[tilespmem:$0x1E400] =	vst v63  }
0x6e3: {  	v55 =	vperm.xlane v17, v13;
	v54 =	vadd.s32 v3, v53;
	s22 =	simm.s32 $0x3C80  }
0x6e4: {  	[tilespmem:s22], [sflag:$0x1] =	stream.indirect_vreg.gather [hbm4b:s8+s3], $0x80, v18, vm0, $0xb8;
	[tilespmem:$0x1E400] =	vst v63  }
0x6e5: {  	v56 =	vperm.xlane v17, v14;
	v18 =	vadd.s32 v3, v55;
	s22 =	simm.s32 $0x3D00  }
0x6e6: {  	[tilespmem:s22], [sflag:$0x1] =	stream.indirect_vreg.gather [hbm4b:s8+s3], $0x80, v19, vm0, $0xb8;
	[tilespmem:$0x1E400] =	vst v63  }
0x6e7: {  	v57 =	vperm.xlane v17, v15;
	v19 =	vadd.s32 v3, v56;
	s22 =	simm.s32 $0x3D80  }
0x6e8: {  	[tilespmem:s22], [sflag:$0x1] =	stream.indirect_vreg.gather [hbm4b:s8+s3], $0x80, v54, vm0, $0xb8;
	[tilespmem:$0x1E400] =	vst v63  }
0x6e9: {  	v17 =	vperm.xlane v17, v16;
	v58 =	vadd.s32 v3, v57;
	s22 =	simm.s32 $0x3E00  }
0x6ea: {  	[tilespmem:s22], [sflag:$0x1] =	stream.indirect_vreg.gather [hbm4b:s8+s3], $0x80, v18, vm0, $0xb8;
	[tilespmem:$0x1E400] =	vst v63  }
0x6eb: {  	v17 =	vadd.s32 v3, v17;
	s22 =	simm.s32 $0x3E80  }
0x6ec: {  	[tilespmem:s22], [sflag:$0x1] =	stream.indirect_vreg.gather [hbm4b:s8+s3], $0x80, v19, vm0, $0xb8;
	[tilespmem:$0x1E400] =	vst v63  }
0x6ed: {  	s22 =	simm.s32 $0x3F00  }
0x6ee: {  	[tilespmem:s22], [sflag:$0x1] =	stream.indirect_vreg.gather [hbm4b:s8+s3], $0x80, v58, vm0, $0xb8;
	[tilespmem:$0x1E400] =	vst v63  }
0x6ef: {  	s22 =	simm.s32 $0x3F80  }
0x6f0: {  	[tilespmem:s22], [sflag:$0x1] =	stream.indirect_vreg.gather [hbm4b:s8+s3], $0x80, v17, vm0, $0xb8;
	[tilespmem:$0x1E400] =	vst v63  }
0x6f1: {  	v17 =	vld [tilespmem:s21+$0x130];
	_ =	sdelay $0x4  }
0x6f2: {  	v18 =	vshll.u32 v17, $0x1  }
0x6f3: {  	v17 =	vand.u32 $0x7, v17;
	v18 =	vand.u32 $0xFFFFFFF0, v18  }
0x6f4: {  	v17 =	vor.u32 v17, v18  }
0x6f5: {  	v18 =	vperm.xlane v17, v2;
	_ =	sdelay $0x1  }
0x6f6: {  	v19 =	vperm.xlane v17, v1;
	v18 =	vadd.s32 v3, v18;
	_ =	sdelay $0x1  }
0x6f7: {  	v59 =	vperm.xlane v17, v4;
	v19 =	vadd.s32 v3, v19;
	_ =	sdelay $0x1  }
0x6f8: {  	s22 =	simm.s32 $0x4000;
	v60 =	vperm.xlane v17, v5;
	v20 =	vadd.s32 v3, v59  }
0x6f9: {  	[tilespmem:s22], [sflag:$0x1] =	stream.indirect_vreg.gather [hbm4b:s8+s3], $0x80, v18, vm0, $0xb8;
	[tilespmem:$0x1E400] =	vst v63  }
0x6fa: {  	v61 =	vperm.xlane v17, v6;
	v18 =	vadd.s32 v3, v60;
	s22 =	simm.s32 $0x4080  }
0x6fb: {  	[tilespmem:s22], [sflag:$0x1] =	stream.indirect_vreg.gather [hbm4b:s8+s3], $0x80, v19, vm0, $0xb8;
	[tilespmem:$0x1E400] =	vst v63  }
0x6fc: {  	v62 =	vperm.xlane v17, v7;
	v19 =	vadd.s32 v3, v61;
	s22 =	simm.s32 $0x4100  }
0x6fd: {  	[tilespmem:s22], [sflag:$0x1] =	stream.indirect_vreg.gather [hbm4b:s8+s3], $0x80, v20, vm0, $0xb8;
	[tilespmem:$0x1E400] =	vst v63  }
0x6fe: {  	v24 =	vperm.xlane v17, v8;
	v63 =	vadd.s32 v3, v62;
	s22 =	simm.s32 $0x4180  }
0x6ff: {  	[tilespmem:s22], [sflag:$0x1] =	stream.indirect_vreg.gather [hbm4b:s8+s3], $0x80, v18, vm0, $0xb8;
	[tilespmem:$0x1E400] =	vst v63  }
0x700: {  	v25 =	vperm.xlane v17, v0;
	v18 =	vadd.s32 v3, v24;
	s22 =	simm.s32 $0x4200  }
0x701: {  	[tilespmem:s22], [sflag:$0x1] =	stream.indirect_vreg.gather [hbm4b:s8+s3], $0x80, v19, vm0, $0xb8;
	[tilespmem:$0x1E400] =	vst v63  }
0x702: {  	v26 =	vperm.xlane v17, v9;
	v19 =	vadd.s32 v3, v25;
	s22 =	simm.s32 $0x4280  }
0x703: {  	[tilespmem:s22], [sflag:$0x1] =	stream.indirect_vreg.gather [hbm4b:s8+s3], $0x80, v63, vm0, $0xb8;
	[tilespmem:$0x1E400] =	vst v63  }
0x704: {  	v28 =	vperm.xlane v17, v10;
	v27 =	vadd.s32 v3, v26;
	s22 =	simm.s32 $0x4300  }
0x705: {  	[tilespmem:s22], [sflag:$0x1] =	stream.indirect_vreg.gather [hbm4b:s8+s3], $0x80, v18, vm0, $0xb8;
	[tilespmem:$0x1E400] =	vst v63  }
0x706: {  	v29 =	vperm.xlane v17, v11;
	v18 =	vadd.s32 v3, v28;
	s22 =	simm.s32 $0x4380  }
0x707: {  	[tilespmem:s22], [sflag:$0x1] =	stream.indirect_vreg.gather [hbm4b:s8+s3], $0x80, v19, vm0, $0xb8;
	[tilespmem:$0x1E400] =	vst v63  }
0x708: {  	v30 =	vperm.xlane v17, v12;
	v19 =	vadd.s32 v3, v29;
	s22 =	simm.s32 $0x4400  }
0x709: {  	[tilespmem:s22], [sflag:$0x1] =	stream.indirect_vreg.gather [hbm4b:s8+s3], $0x80, v27, vm0, $0xb8;
	[tilespmem:$0x1E400] =	vst v63  }
0x70a: {  	v32 =	vperm.xlane v17, v13;
	v31 =	vadd.s32 v3, v30;
	s22 =	simm.s32 $0x4480  }
0x70b: {  	[tilespmem:s22], [sflag:$0x1] =	stream.indirect_vreg.gather [hbm4b:s8+s3], $0x80, v18, vm0, $0xb8;
	[tilespmem:$0x1E400] =	vst v63  }
0x70c: {  	v33 =	vperm.xlane v17, v14;
	v18 =	vadd.s32 v3, v32;
	s22 =	simm.s32 $0x4500  }
0x70d: {  	[tilespmem:s22], [sflag:$0x1] =	stream.indirect_vreg.gather [hbm4b:s8+s3], $0x80, v19, vm0, $0xb8;
	[tilespmem:$0x1E400] =	vst v63  }
0x70e: {  	v34 =	vperm.xlane v17, v15;
	v19 =	vadd.s32 v3, v33;
	s22 =	simm.s32 $0x4580  }
0x70f: {  	[tilespmem:s22], [sflag:$0x1] =	stream.indirect_vreg.gather [hbm4b:s8+s3], $0x80, v31, vm0, $0xb8;
	[tilespmem:$0x1E400] =	vst v63  }
0x710: {  	v17 =	vperm.xlane v17, v16;
	v35 =	vadd.s32 v3, v34;
	s22 =	simm.s32 $0x4600  }
0x711: {  	[tilespmem:s22], [sflag:$0x1] =	stream.indirect_vreg.gather [hbm4b:s8+s3], $0x80, v18, vm0, $0xb8;
	[tilespmem:$0x1E400] =	vst v63  }
0x712: {  	v17 =	vadd.s32 v3, v17;
	s22 =	simm.s32 $0x4680  }
0x713: {  	[tilespmem:s22], [sflag:$0x1] =	stream.indirect_vreg.gather [hbm4b:s8+s3], $0x80, v19, vm0, $0xb8;
	[tilespmem:$0x1E400] =	vst v63  }
0x714: {  	s22 =	simm.s32 $0x4700  }
0x715: {  	[tilespmem:s22], [sflag:$0x1] =	stream.indirect_vreg.gather [hbm4b:s8+s3], $0x80, v35, vm0, $0xb8;
	[tilespmem:$0x1E400] =	vst v63  }
0x716: {  	s22 =	simm.s32 $0x4780  }
0x717: {  	[tilespmem:s22], [sflag:$0x1] =	stream.indirect_vreg.gather [hbm4b:s8+s3], $0x80, v17, vm0, $0xb8;
	[tilespmem:$0x1E400] =	vst v63  }
0x718: {  	v17 =	vld [tilespmem:s21+$0x140];
	_ =	sdelay $0x4  }
0x719: {  	v18 =	vshll.u32 v17, $0x1  }
0x71a: {  	v17 =	vand.u32 $0x7, v17;
	v18 =	vand.u32 $0xFFFFFFF0, v18  }
0x71b: {  	v17 =	vor.u32 v17, v18  }
0x71c: {  	v18 =	vperm.xlane v17, v2;
	_ =	sdelay $0x1  }
0x71d: {  	v19 =	vperm.xlane v17, v1;
	v18 =	vadd.s32 v3, v18;
	_ =	sdelay $0x1  }
0x71e: {  	v36 =	vperm.xlane v17, v4;
	v19 =	vadd.s32 v3, v19;
	_ =	sdelay $0x1  }
0x71f: {  	s22 =	simm.s32 $0x4800;
	v37 =	vperm.xlane v17, v5;
	v20 =	vadd.s32 v3, v36  }
0x720: {  	[tilespmem:s22], [sflag:$0x1] =	stream.indirect_vreg.gather [hbm4b:s8+s3], $0x80, v18, vm0, $0xb8;
	[tilespmem:$0x1E400] =	vst v63  }
0x721: {  	v38 =	vperm.xlane v17, v6;
	v18 =	vadd.s32 v3, v37;
	s22 =	simm.s32 $0x4880  }
0x722: {  	[tilespmem:s22], [sflag:$0x1] =	stream.indirect_vreg.gather [hbm4b:s8+s3], $0x80, v19, vm0, $0xb8;
	[tilespmem:$0x1E400] =	vst v63  }
0x723: {  	v39 =	vperm.xlane v17, v7;
	v19 =	vadd.s32 v3, v38;
	s22 =	simm.s32 $0x4900  }
0x724: {  	[tilespmem:s22], [sflag:$0x1] =	stream.indirect_vreg.gather [hbm4b:s8+s3], $0x80, v20, vm0, $0xb8;
	[tilespmem:$0x1E400] =	vst v63  }
0x725: {  	v41 =	vperm.xlane v17, v8;
	v40 =	vadd.s32 v3, v39;
	s22 =	simm.s32 $0x4980  }
0x726: {  	[tilespmem:s22], [sflag:$0x1] =	stream.indirect_vreg.gather [hbm4b:s8+s3], $0x80, v18, vm0, $0xb8;
	[tilespmem:$0x1E400] =	vst v63  }
0x727: {  	v42 =	vperm.xlane v17, v0;
	v18 =	vadd.s32 v3, v41;
	s22 =	simm.s32 $0x4A00  }
0x728: {  	[tilespmem:s22], [sflag:$0x1] =	stream.indirect_vreg.gather [hbm4b:s8+s3], $0x80, v19, vm0, $0xb8;
	[tilespmem:$0x1E400] =	vst v63  }
0x729: {  	v43 =	vperm.xlane v17, v9;
	v19 =	vadd.s32 v3, v42;
	s22 =	simm.s32 $0x4A80  }
0x72a: {  	[tilespmem:s22], [sflag:$0x1] =	stream.indirect_vreg.gather [hbm4b:s8+s3], $0x80, v40, vm0, $0xb8;
	[tilespmem:$0x1E400] =	vst v63  }
0x72b: {  	v45 =	vperm.xlane v17, v10;
	v44 =	vadd.s32 v3, v43;
	s22 =	simm.s32 $0x4B00  }
0x72c: {  	[tilespmem:s22], [sflag:$0x1] =	stream.indirect_vreg.gather [hbm4b:s8+s3], $0x80, v18, vm0, $0xb8;
	[tilespmem:$0x1E400] =	vst v63  }
0x72d: {  	v46 =	vperm.xlane v17, v11;
	v18 =	vadd.s32 v3, v45;
	s22 =	simm.s32 $0x4B80  }
0x72e: {  	[tilespmem:s22], [sflag:$0x1] =	stream.indirect_vreg.gather [hbm4b:s8+s3], $0x80, v19, vm0, $0xb8;
	[tilespmem:$0x1E400] =	vst v63  }
0x72f: {  	v47 =	vperm.xlane v17, v12;
	v19 =	vadd.s32 v3, v46;
	s22 =	simm.s32 $0x4C00  }
0x730: {  	[tilespmem:s22], [sflag:$0x1] =	stream.indirect_vreg.gather [hbm4b:s8+s3], $0x80, v44, vm0, $0xb8;
	[tilespmem:$0x1E400] =	vst v63  }
0x731: {  	v49 =	vperm.xlane v17, v13;
	v48 =	vadd.s32 v3, v47;
	s22 =	simm.s32 $0x4C80  }
0x732: {  	[tilespmem:s22], [sflag:$0x1] =	stream.indirect_vreg.gather [hbm4b:s8+s3], $0x80, v18, vm0, $0xb8;
	[tilespmem:$0x1E400] =	vst v63  }
0x733: {  	v50 =	vperm.xlane v17, v14;
	v18 =	vadd.s32 v3, v49;
	s22 =	simm.s32 $0x4D00  }
0x734: {  	[tilespmem:s22], [sflag:$0x1] =	stream.indirect_vreg.gather [hbm4b:s8+s3], $0x80, v19, vm0, $0xb8;
	[tilespmem:$0x1E400] =	vst v63  }
0x735: {  	v51 =	vperm.xlane v17, v15;
	v19 =	vadd.s32 v3, v50;
	s22 =	simm.s32 $0x4D80  }
0x736: {  	[tilespmem:s22], [sflag:$0x1] =	stream.indirect_vreg.gather [hbm4b:s8+s3], $0x80, v48, vm0, $0xb8;
	[tilespmem:$0x1E400] =	vst v63  }
0x737: {  	v17 =	vperm.xlane v17, v16;
	v52 =	vadd.s32 v3, v51;
	s22 =	simm.s32 $0x4E00  }
0x738: {  	[tilespmem:s22], [sflag:$0x1] =	stream.indirect_vreg.gather [hbm4b:s8+s3], $0x80, v18, vm0, $0xb8;
	[tilespmem:$0x1E400] =	vst v63  }
0x739: {  	v17 =	vadd.s32 v3, v17;
	s22 =	simm.s32 $0x4E80  }
0x73a: {  	[tilespmem:s22], [sflag:$0x1] =	stream.indirect_vreg.gather [hbm4b:s8+s3], $0x80, v19, vm0, $0xb8;
	[tilespmem:$0x1E400] =	vst v63  }
0x73b: {  	s22 =	simm.s32 $0x4F00  }
0x73c: {  	[tilespmem:s22], [sflag:$0x1] =	stream.indirect_vreg.gather [hbm4b:s8+s3], $0x80, v52, vm0, $0xb8;
	[tilespmem:$0x1E400] =	vst v63  }
0x73d: {  	s22 =	simm.s32 $0x4F80  }
0x73e: {  	[tilespmem:s22], [sflag:$0x1] =	stream.indirect_vreg.gather [hbm4b:s8+s3], $0x80, v17, vm0, $0xb8;
	[tilespmem:$0x1E400] =	vst v63  }
0x73f: {  	v17 =	vld [tilespmem:s21+$0x150];
	_ =	sdelay $0x4  }
0x740: {  	v18 =	vshll.u32 v17, $0x1  }
0x741: {  	v17 =	vand.u32 $0x7, v17;
	v18 =	vand.u32 $0xFFFFFFF0, v18  }
0x742: {  	v17 =	vor.u32 v17, v18  }
0x743: {  	v18 =	vperm.xlane v17, v2;
	_ =	sdelay $0x1  }
0x744: {  	v19 =	vperm.xlane v17, v1;
	v18 =	vadd.s32 v3, v18;
	_ =	sdelay $0x1  }
0x745: {  	v53 =	vperm.xlane v17, v4;
	v19 =	vadd.s32 v3, v19;
	_ =	sdelay $0x1  }
0x746: {  	s22 =	simm.s32 $0x5000;
	v54 =	vperm.xlane v17, v5;
	v20 =	vadd.s32 v3, v53  }
0x747: {  	[tilespmem:s22], [sflag:$0x1] =	stream.indirect_vreg.gather [hbm4b:s8+s3], $0x80, v18, vm0, $0xb8;
	[tilespmem:$0x1E400] =	vst v63  }
0x748: {  	v55 =	vperm.xlane v17, v6;
	v18 =	vadd.s32 v3, v54;
	s22 =	simm.s32 $0x5080  }
0x749: {  	[tilespmem:s22], [sflag:$0x1] =	stream.indirect_vreg.gather [hbm4b:s8+s3], $0x80, v19, vm0, $0xb8;
	[tilespmem:$0x1E400] =	vst v63  }
0x74a: {  	v56 =	vperm.xlane v17, v7;
	v19 =	vadd.s32 v3, v55;
	s22 =	simm.s32 $0x5100  }
0x74b: {  	[tilespmem:s22], [sflag:$0x1] =	stream.indirect_vreg.gather [hbm4b:s8+s3], $0x80, v20, vm0, $0xb8;
	[tilespmem:$0x1E400] =	vst v63  }
0x74c: {  	v58 =	vperm.xlane v17, v8;
	v57 =	vadd.s32 v3, v56;
	s22 =	simm.s32 $0x5180  }
0x74d: {  	[tilespmem:s22], [sflag:$0x1] =	stream.indirect_vreg.gather [hbm4b:s8+s3], $0x80, v18, vm0, $0xb8;
	[tilespmem:$0x1E400] =	vst v63  }
0x74e: {  	v59 =	vperm.xlane v17, v0;
	v18 =	vadd.s32 v3, v58;
	s22 =	simm.s32 $0x5200  }
0x74f: {  	[tilespmem:s22], [sflag:$0x1] =	stream.indirect_vreg.gather [hbm4b:s8+s3], $0x80, v19, vm0, $0xb8;
	[tilespmem:$0x1E400] =	vst v63  }
0x750: {  	v60 =	vperm.xlane v17, v9;
	v19 =	vadd.s32 v3, v59;
	s22 =	simm.s32 $0x5280  }
0x751: {  	[tilespmem:s22], [sflag:$0x1] =	stream.indirect_vreg.gather [hbm4b:s8+s3], $0x80, v57, vm0, $0xb8;
	[tilespmem:$0x1E400] =	vst v63  }
0x752: {  	v62 =	vperm.xlane v17, v10;
	v61 =	vadd.s32 v3, v60;
	s22 =	simm.s32 $0x5300  }
0x753: {  	[tilespmem:s22], [sflag:$0x1] =	stream.indirect_vreg.gather [hbm4b:s8+s3], $0x80, v18, vm0, $0xb8;
	[tilespmem:$0x1E400] =	vst v63  }
0x754: {  	v63 =	vperm.xlane v17, v11;
	v18 =	vadd.s32 v3, v62;
	s22 =	simm.s32 $0x5380  }
0x755: {  	[tilespmem:s22], [sflag:$0x1] =	stream.indirect_vreg.gather [hbm4b:s8+s3], $0x80, v19, vm0, $0xb8;
	[tilespmem:$0x1E400] =	vst v63  }
0x756: {  	v24 =	vperm.xlane v17, v12;
	v19 =	vadd.s32 v3, v63;
	s22 =	simm.s32 $0x5400  }
0x757: {  	[tilespmem:s22], [sflag:$0x1] =	stream.indirect_vreg.gather [hbm4b:s8+s3], $0x80, v61, vm0, $0xb8;
	[tilespmem:$0x1E400] =	vst v63  }
0x758: {  	v26 =	vperm.xlane v17, v13;
	v25 =	vadd.s32 v3, v24;
	s22 =	simm.s32 $0x5480  }
0x759: {  	[tilespmem:s22], [sflag:$0x1] =	stream.indirect_vreg.gather [hbm4b:s8+s3], $0x80, v18, vm0, $0xb8;
	[tilespmem:$0x1E400] =	vst v63  }
0x75a: {  	v27 =	vperm.xlane v17, v14;
	v18 =	vadd.s32 v3, v26;
	s22 =	simm.s32 $0x5500  }
0x75b: {  	[tilespmem:s22], [sflag:$0x1] =	stream.indirect_vreg.gather [hbm4b:s8+s3], $0x80, v19, vm0, $0xb8;
	[tilespmem:$0x1E400] =	vst v63  }
0x75c: {  	v28 =	vperm.xlane v17, v15;
	v19 =	vadd.s32 v3, v27;
	s22 =	simm.s32 $0x5580  }
0x75d: {  	[tilespmem:s22], [sflag:$0x1] =	stream.indirect_vreg.gather [hbm4b:s8+s3], $0x80, v25, vm0, $0xb8;
	[tilespmem:$0x1E400] =	vst v63  }
0x75e: {  	v17 =	vperm.xlane v17, v16;
	v29 =	vadd.s32 v3, v28;
	s22 =	simm.s32 $0x5600  }
0x75f: {  	[tilespmem:s22], [sflag:$0x1] =	stream.indirect_vreg.gather [hbm4b:s8+s3], $0x80, v18, vm0, $0xb8;
	[tilespmem:$0x1E400] =	vst v63  }
0x760: {  	v17 =	vadd.s32 v3, v17;
	s22 =	simm.s32 $0x5680  }
0x761: {  	[tilespmem:s22], [sflag:$0x1] =	stream.indirect_vreg.gather [hbm4b:s8+s3], $0x80, v19, vm0, $0xb8;
	[tilespmem:$0x1E400] =	vst v63  }
0x762: {  	s22 =	simm.s32 $0x5700  }
0x763: {  	[tilespmem:s22], [sflag:$0x1] =	stream.indirect_vreg.gather [hbm4b:s8+s3], $0x80, v29, vm0, $0xb8;
	[tilespmem:$0x1E400] =	vst v63  }
0x764: {  	s22 =	simm.s32 $0x5780  }
0x765: {  	[tilespmem:s22], [sflag:$0x1] =	stream.indirect_vreg.gather [hbm4b:s8+s3], $0x80, v17, vm0, $0xb8;
	[tilespmem:$0x1E400] =	vst v63  }
0x766: {  	v17 =	vld [tilespmem:s21+$0x160];
	_ =	sdelay $0x4  }
0x767: {  	v18 =	vshll.u32 v17, $0x1  }
0x768: {  	v17 =	vand.u32 $0x7, v17;
	v18 =	vand.u32 $0xFFFFFFF0, v18  }
0x769: {  	v17 =	vor.u32 v17, v18  }
0x76a: {  	v18 =	vperm.xlane v17, v2;
	_ =	sdelay $0x1  }
0x76b: {  	v19 =	vperm.xlane v17, v1;
	v18 =	vadd.s32 v3, v18;
	_ =	sdelay $0x1  }
0x76c: {  	v30 =	vperm.xlane v17, v4;
	v19 =	vadd.s32 v3, v19;
	_ =	sdelay $0x1  }
0x76d: {  	s22 =	simm.s32 $0x5800;
	v31 =	vperm.xlane v17, v5;
	v20 =	vadd.s32 v3, v30  }
0x76e: {  	[tilespmem:s22], [sflag:$0x1] =	stream.indirect_vreg.gather [hbm4b:s8+s3], $0x80, v18, vm0, $0xb8;
	[tilespmem:$0x1E400] =	vst v63  }
0x76f: {  	v32 =	vperm.xlane v17, v6;
	v18 =	vadd.s32 v3, v31;
	s22 =	simm.s32 $0x5880  }
0x770: {  	[tilespmem:s22], [sflag:$0x1] =	stream.indirect_vreg.gather [hbm4b:s8+s3], $0x80, v19, vm0, $0xb8;
	[tilespmem:$0x1E400] =	vst v63  }
0x771: {  	v33 =	vperm.xlane v17, v7;
	v19 =	vadd.s32 v3, v32;
	s22 =	simm.s32 $0x5900  }
0x772: {  	[tilespmem:s22], [sflag:$0x1] =	stream.indirect_vreg.gather [hbm4b:s8+s3], $0x80, v20, vm0, $0xb8;
	[tilespmem:$0x1E400] =	vst v63  }
0x773: {  	v35 =	vperm.xlane v17, v8;
	v34 =	vadd.s32 v3, v33;
	s22 =	simm.s32 $0x5980  }
0x774: {  	[tilespmem:s22], [sflag:$0x1] =	stream.indirect_vreg.gather [hbm4b:s8+s3], $0x80, v18, vm0, $0xb8;
	[tilespmem:$0x1E400] =	vst v63  }
0x775: {  	v36 =	vperm.xlane v17, v0;
	v18 =	vadd.s32 v3, v35;
	s22 =	simm.s32 $0x5A00  }
0x776: {  	[tilespmem:s22], [sflag:$0x1] =	stream.indirect_vreg.gather [hbm4b:s8+s3], $0x80, v19, vm0, $0xb8;
	[tilespmem:$0x1E400] =	vst v63  }
0x777: {  	v37 =	vperm.xlane v17, v9;
	v19 =	vadd.s32 v3, v36;
	s22 =	simm.s32 $0x5A80  }
0x778: {  	[tilespmem:s22], [sflag:$0x1] =	stream.indirect_vreg.gather [hbm4b:s8+s3], $0x80, v34, vm0, $0xb8;
	[tilespmem:$0x1E400] =	vst v63  }
0x779: {  	v39 =	vperm.xlane v17, v10;
	v38 =	vadd.s32 v3, v37;
	s22 =	simm.s32 $0x5B00  }
0x77a: {  	[tilespmem:s22], [sflag:$0x1] =	stream.indirect_vreg.gather [hbm4b:s8+s3], $0x80, v18, vm0, $0xb8;
	[tilespmem:$0x1E400] =	vst v63  }
0x77b: {  	v40 =	vperm.xlane v17, v11;
	v18 =	vadd.s32 v3, v39;
	s22 =	simm.s32 $0x5B80  }
0x77c: {  	[tilespmem:s22], [sflag:$0x1] =	stream.indirect_vreg.gather [hbm4b:s8+s3], $0x80, v19, vm0, $0xb8;
	[tilespmem:$0x1E400] =	vst v63  }
0x77d: {  	v41 =	vperm.xlane v17, v12;
	v19 =	vadd.s32 v3, v40;
	s22 =	simm.s32 $0x5C00  }
0x77e: {  	[tilespmem:s22], [sflag:$0x1] =	stream.indirect_vreg.gather [hbm4b:s8+s3], $0x80, v38, vm0, $0xb8;
	[tilespmem:$0x1E400] =	vst v63  }
0x77f: {  	v43 =	vperm.xlane v17, v13;
	v42 =	vadd.s32 v3, v41;
	s22 =	simm.s32 $0x5C80  }
0x780: {  	[tilespmem:s22], [sflag:$0x1] =	stream.indirect_vreg.gather [hbm4b:s8+s3], $0x80, v18, vm0, $0xb8;
	[tilespmem:$0x1E400] =	vst v63  }
0x781: {  	v44 =	vperm.xlane v17, v14;
	v18 =	vadd.s32 v3, v43;
	s22 =	simm.s32 $0x5D00  }
0x782: {  	[tilespmem:s22], [sflag:$0x1] =	stream.indirect_vreg.gather [hbm4b:s8+s3], $0x80, v19, vm0, $0xb8;
	[tilespmem:$0x1E400] =	vst v63  }
0x783: {  	v45 =	vperm.xlane v17, v15;
	v19 =	vadd.s32 v3, v44;
	s22 =	simm.s32 $0x5D80  }
0x784: {  	[tilespmem:s22], [sflag:$0x1] =	stream.indirect_vreg.gather [hbm4b:s8+s3], $0x80, v42, vm0, $0xb8;
	[tilespmem:$0x1E400] =	vst v63  }
0x785: {  	v17 =	vperm.xlane v17, v16;
	v46 =	vadd.s32 v3, v45;
	s22 =	simm.s32 $0x5E00  }
0x786: {  	[tilespmem:s22], [sflag:$0x1] =	stream.indirect_vreg.gather [hbm4b:s8+s3], $0x80, v18, vm0, $0xb8;
	[tilespmem:$0x1E400] =	vst v63  }
0x787: {  	v17 =	vadd.s32 v3, v17;
	s22 =	simm.s32 $0x5E80  }
0x788: {  	[tilespmem:s22], [sflag:$0x1] =	stream.indirect_vreg.gather [hbm4b:s8+s3], $0x80, v19, vm0, $0xb8;
	[tilespmem:$0x1E400] =	vst v63  }
0x789: {  	s22 =	simm.s32 $0x5F00  }
0x78a: {  	[tilespmem:s22], [sflag:$0x1] =	stream.indirect_vreg.gather [hbm4b:s8+s3], $0x80, v46, vm0, $0xb8;
	[tilespmem:$0x1E400] =	vst v63  }
0x78b: {  	s22 =	simm.s32 $0x5F80  }
0x78c: {  	[tilespmem:s22], [sflag:$0x1] =	stream.indirect_vreg.gather [hbm4b:s8+s3], $0x80, v17, vm0, $0xb8;
	[tilespmem:$0x1E400] =	vst v63  }
0x78d: {  	v17 =	vld [tilespmem:s21+$0x170];
	_ =	sdelay $0x4  }
0x78e: {  	v18 =	vshll.u32 v17, $0x1  }
0x78f: {  	v17 =	vand.u32 $0x7, v17;
	v18 =	vand.u32 $0xFFFFFFF0, v18  }
0x790: {  	v17 =	vor.u32 v17, v18  }
0x791: {  	v18 =	vperm.xlane v17, v2;
	_ =	sdelay $0x1  }
0x792: {  	v19 =	vperm.xlane v17, v1;
	v18 =	vadd.s32 v3, v18;
	_ =	sdelay $0x1  }
0x793: {  	v47 =	vperm.xlane v17, v4;
	v19 =	vadd.s32 v3, v19;
	_ =	sdelay $0x1  }
0x794: {  	s22 =	simm.s32 $0x6000;
	v48 =	vperm.xlane v17, v5;
	v20 =	vadd.s32 v3, v47  }
0x795: {  	[tilespmem:s22], [sflag:$0x1] =	stream.indirect_vreg.gather [hbm4b:s8+s3], $0x80, v18, vm0, $0xb8;
	[tilespmem:$0x1E400] =	vst v63  }
0x796: {  	v49 =	vperm.xlane v17, v6;
	v18 =	vadd.s32 v3, v48;
	s22 =	simm.s32 $0x6080  }
0x797: {  	[tilespmem:s22], [sflag:$0x1] =	stream.indirect_vreg.gather [hbm4b:s8+s3], $0x80, v19, vm0, $0xb8;
	[tilespmem:$0x1E400] =	vst v63  }
0x798: {  	v50 =	vperm.xlane v17, v7;
	v19 =	vadd.s32 v3, v49;
	s22 =	simm.s32 $0x6100  }
0x799: {  	[tilespmem:s22], [sflag:$0x1] =	stream.indirect_vreg.gather [hbm4b:s8+s3], $0x80, v20, vm0, $0xb8;
	[tilespmem:$0x1E400] =	vst v63  }
0x79a: {  	v52 =	vperm.xlane v17, v8;
	v51 =	vadd.s32 v3, v50;
	s22 =	simm.s32 $0x6180  }
0x79b: {  	[tilespmem:s22], [sflag:$0x1] =	stream.indirect_vreg.gather [hbm4b:s8+s3], $0x80, v18, vm0, $0xb8;
	[tilespmem:$0x1E400] =	vst v63  }
0x79c: {  	v53 =	vperm.xlane v17, v0;
	v18 =	vadd.s32 v3, v52;
	s22 =	simm.s32 $0x6200  }
0x79d: {  	[tilespmem:s22], [sflag:$0x1] =	stream.indirect_vreg.gather [hbm4b:s8+s3], $0x80, v19, vm0, $0xb8;
	[tilespmem:$0x1E400] =	vst v63  }
0x79e: {  	v54 =	vperm.xlane v17, v9;
	v19 =	vadd.s32 v3, v53;
	s22 =	simm.s32 $0x6280  }
0x79f: {  	[tilespmem:s22], [sflag:$0x1] =	stream.indirect_vreg.gather [hbm4b:s8+s3], $0x80, v51, vm0, $0xb8;
	[tilespmem:$0x1E400] =	vst v63  }
0x7a0: {  	v56 =	vperm.xlane v17, v10;
	v55 =	vadd.s32 v3, v54;
	s22 =	simm.s32 $0x6300  }
0x7a1: {  	[tilespmem:s22], [sflag:$0x1] =	stream.indirect_vreg.gather [hbm4b:s8+s3], $0x80, v18, vm0, $0xb8;
	[tilespmem:$0x1E400] =	vst v63  }
0x7a2: {  	v57 =	vperm.xlane v17, v11;
	v18 =	vadd.s32 v3, v56;
	s22 =	simm.s32 $0x6380  }
0x7a3: {  	[tilespmem:s22], [sflag:$0x1] =	stream.indirect_vreg.gather [hbm4b:s8+s3], $0x80, v19, vm0, $0xb8;
	[tilespmem:$0x1E400] =	vst v63  }
0x7a4: {  	v58 =	vperm.xlane v17, v12;
	v19 =	vadd.s32 v3, v57;
	s22 =	simm.s32 $0x6400  }
0x7a5: {  	[tilespmem:s22], [sflag:$0x1] =	stream.indirect_vreg.gather [hbm4b:s8+s3], $0x80, v55, vm0, $0xb8;
	[tilespmem:$0x1E400] =	vst v63  }
0x7a6: {  	v60 =	vperm.xlane v17, v13;
	v59 =	vadd.s32 v3, v58;
	s22 =	simm.s32 $0x6480  }
0x7a7: {  	[tilespmem:s22], [sflag:$0x1] =	stream.indirect_vreg.gather [hbm4b:s8+s3], $0x80, v18, vm0, $0xb8;
	[tilespmem:$0x1E400] =	vst v63  }
0x7a8: {  	v61 =	vperm.xlane v17, v14;
	v18 =	vadd.s32 v3, v60;
	s22 =	simm.s32 $0x6500  }
0x7a9: {  	[tilespmem:s22], [sflag:$0x1] =	stream.indirect_vreg.gather [hbm4b:s8+s3], $0x80, v19, vm0, $0xb8;
	[tilespmem:$0x1E400] =	vst v63  }
0x7aa: {  	v19 =	vadd.s32 v3, v61;
	s22 =	simm.s32 $0x6580  }
0x7ab: {  	v62 =	vperm.xlane v17, v15;
	[tilespmem:s22], [sflag:$0x1] =	stream.indirect_vreg.gather [hbm4b:s8+s3], $0x80, v59, vm0, $0xb8;
	[tilespmem:$0x1E400] =	vst v63  }
0x7ac: {  	s22 =	simm.s32 $0x6600  }
0x7ad: {  	v17 =	vperm.xlane v17, v16;
	v63 =	vadd.s32 v3, v62;
	[tilespmem:s22], [sflag:$0x1] =	stream.indirect_vreg.gather [hbm4b:s8+s3], $0x80, v18, vm0, $0xb8;
	[tilespmem:$0x1E400] =	vst v63  }
0x7ae: {  	s22 =	simm.s32 $0x6680  }
0x7af: {  	v17 =	vadd.s32 v3, v17;
	[tilespmem:s22], [sflag:$0x1] =	stream.indirect_vreg.gather [hbm4b:s8+s3], $0x80, v19, vm0, $0xb8;
	[tilespmem:$0x1E400] =	vst v63  }
.Ltmp9:
0x7b0: {  	_ = 	snop;
	(pc) =	sbr.rel .LBB2_8-.Ltmp9, $4  }
0x7b1: {  	s22 =	simm.s32 $0x6700  }
0x7b2: {  	[tilespmem:s22], [sflag:$0x1] =	stream.indirect_vreg.gather [hbm4b:s8+s3], $0x80, v63, vm0, $0xb8;
	[tilespmem:$0x1E400] =	vst v63  }
0x7b3: {  	s22 =	simm.s32 $0x6780  }
0x7b4: {  	[tilespmem:s22], [sflag:$0x1] =	stream.indirect_vreg.gather [hbm4b:s8+s3], $0x80, v17, vm0, $0xb8;
	[tilespmem:$0x1E400] =	vst v63  }
.LBB2_10:
0x7b5: {  	_ =	sfence.sel $0x180000  }
0x7b6: {  	[bflag:$0x0] =	sbarrier.arrive $0xFFFF  }
0x7b7: {  	_ =	strace $0x90000047  }
0x7b8: {  	s0 =	stileid.u32;
	[bflag:$0x2] =	sbarrier.arrive $0xFFFF  }
0x7b9: {  	p0 =	sne.s32 s0, $0x0;
	s0 =	rddreg [dreg:$0x6]  }
0x7ba: {  	s0 =	sadd.s32 @!p0 $0x100000, s0  }
0x7bb: {  	[sflag:s0] =	ssyncadd.tile.s32 @!p0 $0x1;
	_ =	shalt  }
.Lfunc_end2:
_tile_overlayer_lowered:
.L_overlay_start_2:
0x7bc: {  	(tag) =	ssettag $0x2  }
0x7bd: {  	s0 =	rddreg [dreg:$0x0];
	s2 =	stileid.u32  }
0x7be: {  	s1 =	rddreg [dreg:$0x1];
	p0 =	sne.s32 s2, $0x0  }
0x7bf: {  	s3 =	rddreg [dreg:$0x2];
	[bflag:$0x3] =	sbarrier.arrive $0xFFFF;
	s2 =	simm.s32 @!p0 $0x1C03  }
0x7c0: {  	[timem:s3], [sflag:s2] =	dma.local @!p0 [hbm:s0], s1  }
0x7c1: {  	s0 =	simm.s32 @!p0 $0x3  }
0x7c2: {  	_ =	swait.ge @!p0 [sflag:s0], s1  }
0x7c3: {  	s1 =	ssub.s32 @!p0 $0x0, s1;
	[sflag:s0] =	ssyncset.done @!p0 $0x0  }
0x7c4: {  	[sflag:s0] =	ssyncadd.s32 @!p0 s1  }
0x7c5: {  	[bflag:$0x3] =	sbarrier.arrive $0xFFFF  }
0x7c6: {  	_ =	shalt  }

</sc_bundles>
